<compile_context>
chip_gen: v7x
topology: tpu7x:2x2x1
jax: 0.10.2.dev20260603
libtpu: 0.0.44.dev20260713+nightly
codegen_flags: <defaults>
</compile_context>

<pallas_src>
import functools

import jax
import jax.numpy as jnp
import numpy as np
from jax import lax
from jax.experimental import pallas as pl
from jax.experimental.pallas import tpu as pltpu
from jax.experimental.pallas import tpu_sc as plsc

_PI = float(np.pi)
_DEPTH0, _DEPTH1 = 28.01, 16.32
_DIMS_TBL = ((3.88, 1.63, 1.53), (1.76, 1.73, 0.6), (0.84, 1.76, 0.66))
_THR = 0.25
_K = 100
_KPAD = 128

_B, _C, _H, _W = 8, 3, 192, 640
_HW = _H * _W
_NSEG = _C * _H * (_W // 128)
_PMAX = 256
_TARGET = 128
_QVAL = float(np.nextafter(np.float32(0.25), np.float32(1.0)))

_SX = (-1.0, 1.0, 1.0, 1.0, 1.0, -1.0, -1.0, -1.0)
_SY = (-1.0, -1.0, 0.0, 0.0, -1.0, -1.0, 0.0, 0.0)
_SZ = (-1.0, -1.0, -1.0, 1.0, 1.0, 1.0, 1.0, -1.0)


def _nms_body(h_ref, z_ref, m_ref):
    x = h_ref[0]
    ncol = jnp.full((_H, 1), -1.0, jnp.float32)
    left = jnp.concatenate([x[:, 1:], ncol], axis=1)
    right = jnp.concatenate([ncol, x[:, :-1]], axis=1)
    rm = jnp.maximum(jnp.maximum(left, right), x)
    nrow = jnp.full((1, _W), -1.0, jnp.float32)
    up = jnp.concatenate([rm[1:, :], nrow], axis=0)
    dn = jnp.concatenate([nrow, rm[:-1, :]], axis=0)
    hm = jnp.maximum(jnp.maximum(up, dn), rm)
    z = jnp.where(hm == x, x, 0.0)
    z_ref[...] = z.reshape(_H * (_W // 128), 128)
    cols = [jnp.max(z[:, i * 128:(i + 1) * 128], axis=1, keepdims=True)
            for i in range(_W // 128)]
    m_ref[0] = jnp.concatenate(cols, axis=1)


def _nms_call(heat, interpret=False):
    return pl.pallas_call(
        _nms_body,
        grid=(_B * _C,),
        compiler_params=pltpu.CompilerParams(
            dimension_semantics=("parallel",)),
        in_specs=[pl.BlockSpec((1, _H, _W), lambda i: (i, 0, 0))],
        out_specs=[
            pl.BlockSpec((_H * (_W // 128), 128), lambda i: (i, 0)),
            pl.BlockSpec((1, _H, _W // 128), lambda i: (i, 0, 0)),
        ],
        out_shape=[
            jax.ShapeDtypeStruct((_B * _NSEG, 128), jnp.float32),
            jax.ShapeDtypeStruct((_B * _C, _H, _W // 128), jnp.float32),
        ],
        interpret=interpret,
    )(heat)


def _sc_body(z_hbm, m_hbm, reg_hbm, sc_out, fl_out, po_out,
             m_v, segid_v, cmax_v, seg_v, os_v, of_v, gi_v, pv_v, sem):
    nc = 2
    wid = lax.axis_index("s") * nc + lax.axis_index("c")

    @pl.when(wid < _B)
    def _worker():
        b = wid
        pltpu.sync_copy(m_hbm.at[b], m_v)

        zero16i = jnp.zeros((16,), jnp.int32)
        zero16f = jnp.zeros((16,), jnp.float32)
        neg16 = jnp.full((16,), -1.0, jnp.float32)
        lane = lax.iota(jnp.int32, 16)

        def init_body(c, _):
            cmax_v[pl.ds(c * 16, 16)] = neg16
            segid_v[pl.ds(c * 16, 16)] = zero16i
            return 0

        lax.fori_loop(0, _PMAX // 16, init_body, 0)

        def init2_body(c, _):
            os_v[pl.ds(c * 16, 16)] = zero16f
            of_v[pl.ds(c * 16, 16)] = zero16i
            return 0

        lax.fori_loop(0, _KPAD // 16, init2_body, 0)

        nchunk = _NSEG // 16

        def _count_ge(t):
            def body(c, acc):
                for u in range(10):
                    v = m_v[pl.ds(c * 160 + u * 16, 16)]
                    acc = acc + jnp.where(v >= t, 1, 0)
                return acc
            accv = lax.fori_loop(0, nchunk // 10, body, zero16i)
            return jnp.sum(accv)

        def bis(_, lohi):
            lo, hi = lohi
            mid = (lo + hi) * 0.5
            cnt = _count_ge(mid)
            big = cnt >= _TARGET
            return jnp.where(big, mid, lo), jnp.where(big, hi, mid)

        lo, hi = lax.fori_loop(0, 18, bis, (jnp.float32(_QVAL),
                                            jnp.float32(1.0)))
        tval = lo

        def comp_body(c, cur):
            for u in range(2):
                v = m_v[pl.ds(c * 32 + u * 16, 16)]
                msk = v >= tval
                n = jnp.max(plsc.all_reduce_population_count(msk))

                @pl.when(cur <= _PMAX - 16)
                def _():
                    ids = lane + (c * 32 + u * 16)
                    plsc.store_compressed(segid_v.at[pl.ds(cur, 16)], ids,
                                          mask=msk)
                    plsc.store_compressed(cmax_v.at[pl.ds(cur, 16)], v,
                                          mask=msk)

                cur = jnp.where(cur <= _PMAX - 16, cur + n, cur)
            return cur

        ncand = lax.fori_loop(0, nchunk // 2, comp_body, jnp.int32(0))

        base_row = b * _NSEG

        def gidx_body(c, _):
            gi_v[c // 8, pl.ds((c % 8) * 16, 16)] = (
                segid_v[pl.ds(c * 16, 16)] + base_row)
            return 0

        lax.fori_loop(0, _PMAX // 16, gidx_body, 0)
        cp0 = pltpu.async_copy(z_hbm.at[gi_v.at[0]], seg_v.at[pl.ds(0, 128)],
                               sem)

        @pl.when(ncand > 128)
        def _extra_gather():
            pltpu.async_copy(z_hbm.at[gi_v.at[1]],
                             seg_v.at[pl.ds(128, 128)], sem).wait()

        cp0.wait()

        def _extract_i(ref, i):
            chunk = ref[pl.ds((i // 16) * 16, 16)]
            return jnp.max(jnp.where(lane == (i % 16), chunk, 0))

        def hier_body(c, h):
            return jnp.where(lane == c, jnp.max(cmax_v[pl.ds(c * 16, 16)]), h)

        c2_init = lax.fori_loop(0, _PMAX // 16, hier_body, neg16)

        def pop_body(k, c2):
            m = jnp.max(c2)
            c = jnp.min(jnp.where(c2 == m, lane, 9999))
            v = cmax_v[pl.ds(c * 16, 16)]
            sl = jnp.min(jnp.where(v == m, lane, 9999))
            si = c * 16 + sl

            jv = jnp.full((16,), 9999, jnp.int32)
            for u in range(8):
                sv = seg_v[si, pl.ds(u * 16, 16)]
                jv = jnp.minimum(jv, jnp.where(sv == m, lane + u * 16, 9999))
            j = jnp.minimum(jnp.min(jv), 127)
            sid = _extract_i(segid_v, si)
            flat = sid * 128 + j
            kc = (k // 16) * 16
            kl = k % 16
            os_v[pl.ds(kc, 16)] = jnp.where(lane == kl, m,
                                            os_v[pl.ds(kc, 16)])
            of_v[pl.ds(kc, 16)] = jnp.where(lane == kl, flat,
                                            of_v[pl.ds(kc, 16)])
            jc = j // 16
            jl = j % 16
            nms = neg16
            for u in range(8):
                sv = seg_v[si, pl.ds(u * 16, 16)]
                sv = jnp.where((jc == u) & (lane == jl), -1.0, sv)
                nms = jnp.maximum(nms, sv)
            nm = jnp.max(nms)
            seg_v[si, pl.ds(jc * 16, 16)] = jnp.where(
                lane == jl, -1.0, seg_v[si, pl.ds(jc * 16, 16)])
            nv = jnp.where(lane == sl, nm, v)
            cmax_v[pl.ds(c * 16, 16)] = nv
            return jnp.where(lane == c, jnp.max(nv), c2)

        lax.fori_loop(0, _K, pop_body, c2_init)

        rbase = b * (8 * _HW)

        def ridx_body(p, _):
            r = p // 8
            c = p % 8
            sp = of_v[pl.ds(c * 16, 16)] % _HW
            gi_v[r, pl.ds(c * 16, 16)] = sp + (rbase + r * _HW)
            return 0

        lax.fori_loop(0, 64, ridx_body, 0)
        cps = [pltpu.async_copy(reg_hbm.at[gi_v.at[r]], pv_v.at[r], sem)
               for r in range(8)]
        for cp in cps:
            cp.wait()

        pltpu.sync_copy(os_v, sc_out.at[b])
        pltpu.sync_copy(of_v, fl_out.at[b])
        pltpu.sync_copy(pv_v, po_out.at[b])


@functools.lru_cache(maxsize=None)
def _get_sc_select():
  return functools.partial(
    pl.kernel,
    mesh=plsc.VectorSubcoreMesh(core_axis_name="c", subcore_axis_name="s"),
    compiler_params=pltpu.CompilerParams(needs_layout_passes=False),
    out_type=[
        jax.ShapeDtypeStruct((_B, _KPAD), jnp.float32),
        jax.ShapeDtypeStruct((_B, _KPAD), jnp.int32),
        jax.ShapeDtypeStruct((_B, 8, _KPAD), jnp.float32),
    ],
    scratch_types=[
        pltpu.VMEM((_NSEG,), jnp.float32),
        pltpu.VMEM((_PMAX,), jnp.int32),
        pltpu.VMEM((_PMAX,), jnp.float32),
        pltpu.VMEM((_PMAX, 128), jnp.float32),
        pltpu.VMEM((_KPAD,), jnp.float32),
        pltpu.VMEM((_KPAD,), jnp.int32),
        pltpu.VMEM((8, 128), jnp.int32),
        pltpu.VMEM((8, 128), jnp.float32),
        pltpu.SemaphoreType.DMA,
    ],
  )(_sc_body)


def _inv3(m9):
    a, bb, cc = m9[:, 0:1], m9[:, 1:2], m9[:, 2:3]
    d, e, f = m9[:, 3:4], m9[:, 4:5], m9[:, 5:6]
    g, h, i = m9[:, 6:7], m9[:, 7:8], m9[:, 8:9]
    A = e * i - f * h
    Bc = -(d * i - f * g)
    Cc = d * h - e * g
    det = a * A + bb * Bc + cc * Cc
    r = 1.0 / det
    return ((A * r, -(bb * i - cc * h) * r, (bb * f - cc * e) * r),
            (Bc * r, (a * i - cc * g) * r, -(a * f - cc * d) * r),
            (Cc * r, -(a * h - bb * g) * r, (a * e - bb * d) * r))


def _decode_body(s_ref, f_ref, p_ref, t_ref, k_ref, i_ref, o_ref):
    p0r, p1r, p2r, p3r, p4r, p5r, p6r, p7r = (
        p_ref.at[:, r, :] for r in range(8))
    score = s_ref[...]
    flat = f_ref[...]
    cls = flat // _HW
    sp = flat - cls * _HW
    ysi = sp // _W
    xsi = sp - ysi * _W
    xs = xsi.astype(jnp.float32)
    ys = ysi.astype(jnp.float32)
    clsf = cls.astype(jnp.float32)

    depth = p0r[...] * _DEPTH1 + _DEPTH0
    px = xs + p1r[...]
    py = ys + p2r[...]

    ti = _inv3(t_ref[...])
    ix = (ti[0][0] * px + ti[0][1] * py + ti[0][2]) * depth
    iy = (ti[1][0] * px + ti[1][1] * py + ti[1][2]) * depth
    iz = (ti[2][0] * px + ti[2][1] * py + ti[2][2]) * depth
    ki = _inv3(k_ref[...])
    lx = ki[0][0] * ix + ki[0][1] * iy + ki[0][2] * iz
    ly = ki[1][0] * ix + ki[1][1] * iy + ki[1][2] * iz
    lz = ki[2][0] * ix + ki[2][1] * iy + ki[2][2] * iz

    is0 = jnp.where(cls == 0, 1.0, 0.0)
    is1 = jnp.where(cls == 1, 1.0, 0.0)
    is2 = 1.0 - is0 - is1
    d0 = jnp.exp(p3r[...]) * (is0 * _DIMS_TBL[0][0] + is1 * _DIMS_TBL[1][0]
                              + is2 * _DIMS_TBL[2][0])
    d1 = jnp.exp(p4r[...]) * (is0 * _DIMS_TBL[0][1] + is1 * _DIMS_TBL[1][1]
                              + is2 * _DIMS_TBL[2][1])
    d2 = jnp.exp(p5r[...]) * (is0 * _DIMS_TBL[0][2] + is1 * _DIMS_TBL[1][2]
                              + is2 * _DIMS_TBL[2][2])
    ly = ly + d1 * 0.5

    one = jnp.ones_like(lx)
    rays = jnp.arctan2(lx / (lz + 1e-7), one)
    ori0, ori1 = p6r[...], p7r[...]
    a0 = jnp.arctan2(ori0 / (ori1 + 1e-7), one)
    alpha = jnp.where(ori1 >= 0, a0 - _PI / 2.0, a0 + _PI / 2.0)
    roty = alpha + rays
    roty = jnp.where(roty > _PI, roty - 2.0 * _PI, roty)
    roty = jnp.where(roty < -_PI, roty + 2.0 * _PI, roty)

    cr = jnp.cos(roty)
    sr = jnp.sin(roty)
    kk = k_ref[...]
    k00, k01, k02 = kk[:, 0:1], kk[:, 1:2], kk[:, 2:3]
    k10, k11, k12 = kk[:, 3:4], kk[:, 4:5], kk[:, 5:6]
    k20, k21, k22 = kk[:, 6:7], kk[:, 7:8], kk[:, 8:9]

    big = jnp.float32(1e30)
    umin = jnp.full_like(score, big)
    umax = jnp.full_like(score, -big)
    vmin = jnp.full_like(score, big)
    vmax = jnp.full_like(score, -big)
    for t in range(8):
        cx = d0 * (0.5 * _SX[t])
        cy = d1 * _SY[t]
        cz = d2 * (0.5 * _SZ[t])
        X = cr * cx + sr * cz + lx
        Y = cy + ly
        Zc = -sr * cx + cr * cz + lz
        w_ = k20 * X + k21 * Y + k22 * Zc
        u_ = (k00 * X + k01 * Y + k02 * Zc) / w_
        v_ = (k10 * X + k11 * Y + k12 * Zc) / w_
        umin = jnp.minimum(umin, u_)
        umax = jnp.maximum(umax, u_)
        vmin = jnp.minimum(vmin, v_)
        vmax = jnp.maximum(vmax, v_)

    iw = i_ref[0:1, 0:1]
    ih = i_ref[0:1, 1:2]
    xmin = jnp.clip(umin, 0.0, iw)
    xmax = jnp.clip(umax, 0.0, iw)
    ymin = jnp.clip(vmin, 0.0, ih)
    ymax = jnp.clip(vmax, 0.0, ih)

    keep = score > _THR
    rows = (clsf, alpha, xmin, ymin, xmax, ymax, d1, d2, d0,
            lx, ly, lz, roty, score)
    for idx, rr in enumerate(rows):
        o_ref[idx] = jnp.where(keep, rr, 0.0)


def _decode_call(sc, fl, po, t9, k9, isz, interpret=False):
    full = lambda s: pl.BlockSpec(s, lambda: tuple(0 for _ in s))
    return pl.pallas_call(
        _decode_body,
        in_specs=[full((_B, _KPAD)), full((_B, _KPAD)),
                  full((_B, 8, _KPAD)),
                  full((_B, 9)), full((_B, 9)), full((_B, 2))],
        out_specs=[full((14, _B, _KPAD))],
        out_shape=[jax.ShapeDtypeStruct((14, _B, _KPAD), jnp.float32)],
        interpret=interpret,
    )(sc, fl, po, t9, k9, isz)


def kernel(pred_heatmap, pred_regression, trans_mat, Kmat, img_size):
    heat = pred_heatmap.reshape(_B * _C, _H, _W)
    z, m = _nms_call(heat)
    sc, fl, po = _get_sc_select()(z, m.reshape(_B, _NSEG),
                                  pred_regression.reshape(-1))
    out14 = _decode_call(sc, fl, po, trans_mat.reshape(_B, 9),
                         Kmat.reshape(_B, 9),
                         img_size.astype(jnp.float32))[0]
    return jnp.transpose(out14, (1, 2, 0))[:, :_K, :].reshape(_B * _K, 14)

# --- scband reference (transcript-rebuilt; emitter-appended) ---
"""Pipeline reference for scband-post-processor-25074019074087 (READ-ONLY COPY).

The authoritative reference and input builder live on the scoring server;
editing this copy changes nothing except your own understanding.
"""

import jax, jax.numpy as jnp
import numpy as np
from jax import lax

PI = float(np.pi)
DEPTH_REF = jnp.array([28.01, 16.32], dtype=jnp.float32)
DIM_REF = jnp.array([[3.88, 1.63, 1.53], [1.76, 1.73, 0.6], [0.84, 1.76, 0.66]], dtype=jnp.float32)
DET_THRESHOLD = 0.25
MAX_DET = 100


def setup_inputs(seed: int = 0):
    key = jax.random.key(seed)
    k1, k2 = jax.random.split(key)
    B, C, H, W = 8, 3, 192, 640
    REG = 8
    down = 4.0
    pred_heatmap = jax.nn.sigmoid(jax.random.normal(k1, (B, C, H, W), dtype=jnp.float32))
    pred_regression = jax.random.normal(k2, (B, REG, H, W), dtype=jnp.float32) * 0.1
    trans = np.zeros((B, 3, 3), dtype=np.float32)
    trans[:, 0, 0] = 1.0 / down
    trans[:, 1, 1] = 1.0 / down
    trans[:, 2, 2] = 1.0
    Kmat = np.zeros((B, 3, 3), dtype=np.float32)
    Kmat[:, 0, 0] = 721.5377
    Kmat[:, 1, 1] = 721.5377
    Kmat[:, 0, 2] = W * down / 2.0
    Kmat[:, 1, 2] = H * down / 2.0
    Kmat[:, 2, 2] = 1.0
    img_size = np.tile(np.array([[int(W * down), int(H * down)]], dtype=np.int32), (B, 1))
    return {"pred_heatmap": pred_heatmap, "pred_regression": pred_regression, "trans_mat": jnp.asarray(trans), "Kmat": jnp.asarray(Kmat), "img_size": jnp.asarray(img_size)}


def nms_hm(heat, kernel=3):
    hmax = lax.reduce_window(heat, -jnp.inf, lax.max, (1, 1, kernel, kernel), (1, 1, 1, 1), "SAME")
    keep = (hmax == heat).astype(heat.dtype)
    return heat * keep


def select_topk(heat, K):
    b, c, h, w = heat.shape
    scores_all, inds_all = lax.top_k(heat.reshape(b, c, h * w), K)
    ys_all = (inds_all // w).astype(jnp.float32)
    xs_all = (inds_all % w).astype(jnp.float32)
    scores, inds = lax.top_k(scores_all.reshape(b, c * K), K)
    clses = (inds // K).astype(jnp.float32)
    inds_flat = jnp.take_along_axis(inds_all.reshape(b, c * K), inds, axis=1)
    ys = jnp.take_along_axis(ys_all.reshape(b, c * K), inds, axis=1)
    xs = jnp.take_along_axis(xs_all.reshape(b, c * K), inds, axis=1)
    return scores, inds_flat, clses, ys, xs


def select_point_of_interest(batch, index, feature_maps):
    ch = feature_maps.shape[1]
    fm = jnp.transpose(feature_maps, (0, 2, 3, 1)).reshape(batch, -1, ch)
    return jnp.take_along_axis(fm, index.reshape(batch, -1)[:, :, None], axis=1)


def encode_box3d(rotys, dims, locs):
    N = rotys.shape[0]
    c = jnp.cos(rotys)
    s = jnp.sin(rotys)
    z = jnp.zeros_like(c)
    o = jnp.ones_like(c)
    ry = jnp.stack([c, z, s, z, o, z, -s, z, c], axis=1).reshape(N, 3, 3)
    d = dims.reshape(-1, 1) * jnp.ones((1, 8), jnp.float32)
    mult_lw = jnp.concatenate([0.5 * jnp.ones((1, 4)), -0.5 * jnp.ones((1, 4))], axis=1)
    mult_h = jnp.concatenate([jnp.zeros((1, 4)), -jnp.ones((1, 4))], axis=1)
    mult = jnp.tile(jnp.concatenate([mult_lw, mult_h, mult_lw], axis=0).astype(jnp.float32), (N, 1))
    d = d * mult
    index = jnp.tile(jnp.array([[4, 0, 1, 2, 3, 5, 6, 7], [4, 5, 0, 1, 6, 7, 2, 3], [4, 5, 6, 0, 1, 2, 3, 7]], dtype=jnp.int32), (N, 1))
    box_obj = jnp.take_along_axis(d, index, axis=1).reshape(N, 3, 8)
    return jnp.matmul(ry, box_obj) + locs[:, :, None]


def _forward(pred_heatmap, pred_regression, trans_mat, Kmat, img_size):
    batch = pred_heatmap.shape[0]
    heatmap = nms_hm(pred_heatmap)
    scores, indexs, clses, ys, xs = select_topk(heatmap, MAX_DET)
    pois = select_point_of_interest(batch, indexs, pred_regression).reshape(-1, pred_regression.shape[1])
    proj_points = jnp.concatenate([xs.reshape(-1, 1), ys.reshape(-1, 1)], axis=1)
    depths_offset = pois[:, 0]
    proj_offsets = pois[:, 1:3]
    dim_offsets = pois[:, 3:6]
    ori = pois[:, 6:]
    depths = depths_offset * DEPTH_REF[1] + DEPTH_REF[0]
    N = proj_points.shape[0]
    obj_id = jnp.repeat(jnp.arange(batch), MAX_DET)
    trans_inv = jnp.linalg.inv(trans_mat)[obj_id]
    Ks_inv = jnp.linalg.inv(Kmat)[obj_id]
    proj = proj_points + proj_offsets
    proj_ext = jnp.concatenate([proj, jnp.ones((N, 1), jnp.float32)], axis=1)[:, :, None]
    img_pts = jnp.matmul(trans_inv, proj_ext) * depths.reshape(N, 1, 1)
    locations = jnp.matmul(Ks_inv, img_pts)[:, :, 0]
    cls_idx = clses.reshape(-1).astype(jnp.int32)
    dimensions = jnp.exp(dim_offsets) * DIM_REF[cls_idx]
    locations = locations.at[:, 1].add(dimensions[:, 1] / 2.0)
    rays = jnp.arctan(locations[:, 0] / (locations[:, 2] + 1e-7))
    alphas0 = jnp.arctan(ori[:, 0] / (ori[:, 1] + 1e-7))
    alphas = jnp.where(ori[:, 1] >= 0, alphas0 - PI / 2.0, alphas0 + PI / 2.0)
    rotys = alphas + rays
    rotys = jnp.where(rotys > PI, rotys - 2.0 * PI, rotys)
    rotys = jnp.where(rotys < -PI, rotys + 2.0 * PI, rotys)
    box3d = encode_box3d(rotys, dimensions, locations)
    Ks_obj = Kmat[obj_id]
    box3d_img = jnp.matmul(Ks_obj, box3d)
    box3d_img = box3d_img[:, :2, :] / box3d_img[:, 2:3, :]
    isz = img_size.reshape(-1).astype(jnp.float32)
    xmins = jnp.clip(jnp.min(box3d_img[:, 0, :], axis=1), 0.0, isz[0])
    xmaxs = jnp.clip(jnp.max(box3d_img[:, 0, :], axis=1), 0.0, isz[0])
    ymins = jnp.clip(jnp.min(box3d_img[:, 1, :], axis=1), 0.0, isz[1])
    ymaxs = jnp.clip(jnp.max(box3d_img[:, 1, :], axis=1), 0.0, isz[1])
    box2d = jnp.stack([xmins, ymins, xmaxs, ymaxs], axis=1)
    dims_out = jnp.roll(dimensions, shift=-1, axis=1)
    result = jnp.concatenate([clses.reshape(-1, 1), alphas.reshape(-1, 1), box2d, dims_out, locations, rotys.reshape(-1, 1), scores.reshape(-1, 1)], axis=1)
    keep = result[:, -1] > DET_THRESHOLD
    return jnp.where(keep[:, None], result, 0.0)


def reference(pred_heatmap, pred_regression, trans_mat, Kmat, img_size):
    return _forward(pred_heatmap, pred_regression, trans_mat, Kmat, img_size)

if __name__ == "__main__":
    import jax
    _d = setup_inputs()
    print(jax.jit(kernel)(*tuple(_d.values())))

</pallas_src>

<mosaic_0001>
#map = affine_map<(d0, d1) -> (0, 0)>
#map1 = affine_map<(d0, d1) -> (0)>
#map2 = affine_map<(d0, d1) -> (0, 0, 0)>
module attributes {stable_mosaic.version = 14 : i64} {
  func.func @_sc_body(%arg0: i32, %arg1: i32, %arg2: memref<23040x128xf32, #tpu.memory_space<hbm>>, %arg3: memref<8x2880xf32, #tpu.memory_space<hbm>>, %arg4: memref<7864320xf32, #tpu.memory_space<hbm>>, %arg5: memref<8x128xf32, #tpu.memory_space<hbm>>, %arg6: memref<8x128xi32, #tpu.memory_space<hbm>>, %arg7: memref<8x8x128xf32, #tpu.memory_space<hbm>>, %arg8: memref<2880xf32, #tpu.memory_space<vmem>>, %arg9: memref<256xi32, #tpu.memory_space<vmem>>, %arg10: memref<256xf32, #tpu.memory_space<vmem>>, %arg11: memref<256x128xf32, #tpu.memory_space<vmem>>, %arg12: memref<128xf32, #tpu.memory_space<vmem>>, %arg13: memref<128xi32, #tpu.memory_space<vmem>>, %arg14: memref<8x128xi32, #tpu.memory_space<vmem>>, %arg15: memref<8x128xf32, #tpu.memory_space<vmem>>, %arg16: memref<!tpu.dma_semaphore, #tpu.memory_space<semaphore_mem>>) attributes {dimension_semantics = [#tpu.dimension_semantics<core_parallel>, #tpu.dimension_semantics<subcore_parallel>], iteration_bounds = array<i64: 2, 16>, scalar_prefetch = 0 : i64, scratch_operands = 9 : i64, tpu.core_type = #tpu.core_type<sc_vector_subcore>, window_params = [{transform_indices = #map}, {transform_indices = #map}, {transform_indices = #map1}, {transform_indices = #map}, {transform_indices = #map}, {transform_indices = #map2}]} {
    %mul3A = arith.constant 2 : i32
    %mul3A_0 = arith.muli %arg1, %mul3A : i32
    %add3A = arith.addi %mul3A_0, %arg0 : i32
    %lt3A = arith.constant 8 : i32
    %lt3A_1 = arith.cmpi slt, %add3A, %lt3A : i32
    %convert_element_type3A = arith.extui %lt3A_1 : i1 to i32
    %cond3A = arith.constant 0 : i32
    %cond3A_2 = arith.cmpi ne, %convert_element_type3A, %cond3A : i32
    scf.if %cond3A_2 {
      "tpu.region"() ({
        %run_scoped3A = tpu.sem_alloc : memref<!tpu.dma_semaphore, #tpu.memory_space<semaphore_mem>>
        %dma_start3A_248 = arith.constant 0 : i32
        %dma_start3A_249 = tpu.memref_slice %arg3[%add3A, %dma_start3A_248] : memref<8x2880xf32, #tpu.memory_space<hbm>> -> memref<1x2880xf32, #tpu.memory_space<hbm>>
        %dma_start3A_250 = tpu.memref_squeeze %dma_start3A_249 : memref<1x2880xf32, #tpu.memory_space<hbm>> -> memref<2880xf32, #tpu.memory_space<hbm>>
        %dma_start3A_251 = arith.constant 0 : i32
        %dma_start3A_252 = tpu.memref_slice %arg3[%add3A, %dma_start3A_251] : memref<8x2880xf32, #tpu.memory_space<hbm>> -> memref<1x2880xf32, #tpu.memory_space<hbm>>
        %dma_start3A_253 = tpu.memref_squeeze %dma_start3A_252 : memref<1x2880xf32, #tpu.memory_space<hbm>> -> memref<2880xf32, #tpu.memory_space<hbm>>
        tpu.enqueue_dma source(%dma_start3A_253 : memref<2880xf32, #tpu.memory_space<hbm>>) target(%arg8 : memref<2880xf32, #tpu.memory_space<vmem>>) target_semaphore(%run_scoped3A : memref<!tpu.dma_semaphore, #tpu.memory_space<semaphore_mem>>)
        %dma_wait3A_254 = arith.constant 0 : i32
        %dma_wait3A_255 = tpu.memref_slice %arg3[%add3A, %dma_wait3A_254] : memref<8x2880xf32, #tpu.memory_space<hbm>> -> memref<1x2880xf32, #tpu.memory_space<hbm>>
        %dma_wait3A_256 = tpu.memref_squeeze %dma_wait3A_255 : memref<1x2880xf32, #tpu.memory_space<hbm>> -> memref<2880xf32, #tpu.memory_space<hbm>>
        %dma_wait3A_257 = arith.constant 0 : i32
        %dma_wait3A_258 = tpu.memref_slice %arg3[%add3A, %dma_wait3A_257] : memref<8x2880xf32, #tpu.memory_space<hbm>> -> memref<1x2880xf32, #tpu.memory_space<hbm>>
        %dma_wait3A_259 = tpu.memref_squeeze %dma_wait3A_258 : memref<1x2880xf32, #tpu.memory_space<hbm>> -> memref<2880xf32, #tpu.memory_space<hbm>>
        tpu.wait_dma2 semaphore(%run_scoped3A : memref<!tpu.dma_semaphore, #tpu.memory_space<semaphore_mem>>) src(%dma_wait3A_259 : memref<2880xf32, #tpu.memory_space<hbm>>) dst(%arg8 : memref<2880xf32, #tpu.memory_space<vmem>>)
        tpu.yield
      }) : () -> ()
      %broadcast_in_dim3A = arith.constant 0 : i32
      %broadcast_in_dim3A_3 = vector.broadcast %broadcast_in_dim3A : i32 to vector<16xi32>
      %broadcast_in_dim3A_4 = arith.constant 0.000000e+00 : f32
      %broadcast_in_dim3A_5 = vector.broadcast %broadcast_in_dim3A_4 : f32 to vector<16xf32>
      %broadcast_in_dim3A_6 = arith.constant -1.000000e+00 : f32
      %broadcast_in_dim3A_7 = vector.broadcast %broadcast_in_dim3A_6 : f32 to vector<16xf32>
      %iota3A = tpu.iota {dimensions = array<i32: 0>} : vector<16xi32>
      %scan3A = arith.constant 0 : i32
      %scan3A_8 = arith.constant 0 : i32
      %scan3A_9 = arith.constant 16 : i32
      %scan3A_10 = arith.addi %scan3A_8, %scan3A_9 : i32
      %scan3A_11 = arith.constant 1 : i32
      %scan3A_12 = scf.for %scan3A_248 = %scan3A_8 to %scan3A_10 step %scan3A_11 iter_args(%scan3A_249 = %scan3A) -> (i32)  : i32 {
        %mul3A_250 = arith.constant 16 : i32
        %mul3A_251 = arith.muli %scan3A_248, %mul3A_250 : i32
        %swap3A = arith.index_cast %mul3A_251 : i32 to index
        %swap3A_252 = tpu.vector_load %arg10[%swap3A] {strides = array<i32>} : memref<256xf32, #tpu.memory_space<vmem>>, vector<16xf32>,
        tpu.vector_store %arg10[%swap3A], %broadcast_in_dim3A_7 {strides = array<i32>} : memref<256xf32, #tpu.memory_space<vmem>>, vector<16xf32>,
        %mul3A_253 = arith.constant 16 : i32
        %mul3A_254 = arith.muli %scan3A_248, %mul3A_253 : i32
        %swap3A_255 = arith.index_cast %mul3A_254 : i32 to index
        %swap3A_256 = tpu.vector_load %arg9[%swap3A_255] {strides = array<i32>} : memref<256xi32, #tpu.memory_space<vmem>>, vector<16xi32>,
        tpu.vector_store %arg9[%swap3A_255], %broadcast_in_dim3A_3 {strides = array<i32>} : memref<256xi32, #tpu.memory_space<vmem>>, vector<16xi32>,
        %scan3A_257 = arith.constant 0 : i32
        scf.yield %scan3A_257 : i32
      }
      %scan3A_13 = arith.constant 16 : i32
      %scan3A_14 = arith.constant 0 : i32
      %scan3A_15 = arith.constant 0 : i32
      %scan3A_16 = arith.constant 8 : i32
      %scan3A_17 = arith.addi %scan3A_15, %scan3A_16 : i32
      %scan3A_18 = arith.constant 1 : i32
      %scan3A_19 = scf.for %scan3A_248 = %scan3A_15 to %scan3A_17 step %scan3A_18 iter_args(%scan3A_249 = %scan3A_14) -> (i32)  : i32 {
        %mul3A_250 = arith.constant 16 : i32
        %mul3A_251 = arith.muli %scan3A_248, %mul3A_250 : i32
        %swap3A = arith.index_cast %mul3A_251 : i32 to index
        %swap3A_252 = tpu.vector_load %arg12[%swap3A] {strides = array<i32>} : memref<128xf32, #tpu.memory_space<vmem>>, vector<16xf32>,
        tpu.vector_store %arg12[%swap3A], %broadcast_in_dim3A_5 {strides = array<i32>} : memref<128xf32, #tpu.memory_space<vmem>>, vector<16xf32>,
        %mul3A_253 = arith.constant 16 : i32
        %mul3A_254 = arith.muli %scan3A_248, %mul3A_253 : i32
        %swap3A_255 = arith.index_cast %mul3A_254 : i32 to index
        %swap3A_256 = tpu.vector_load %arg13[%swap3A_255] {strides = array<i32>} : memref<128xi32, #tpu.memory_space<vmem>>, vector<16xi32>,
        tpu.vector_store %arg13[%swap3A_255], %broadcast_in_dim3A_3 {strides = array<i32>} : memref<128xi32, #tpu.memory_space<vmem>>, vector<16xi32>,
        %scan3A_257 = arith.constant 0 : i32
        scf.yield %scan3A_257 : i32
      }
      %scan3A_20 = arith.constant 8 : i32
      %scan3A_21 = arith.constant 0.25000003 : f32
      %scan3A_22 = arith.constant 1.000000e+00 : f32
      %scan3A_23 = arith.constant 0 : i32
      %scan3A_24 = arith.constant 18 : i32
      %scan3A_25 = arith.addi %scan3A_23, %scan3A_24 : i32
      %scan3A_26 = arith.constant 1 : i32
      %scan3A_27:2 = scf.for %scan3A_248 = %scan3A_23 to %scan3A_25 step %scan3A_26 iter_args(%scan3A_249 = %scan3A_21, %scan3A_250 = %scan3A_22) -> (f32, f32)  : i32 {
        %add3A_251 = arith.addf %scan3A_249, %scan3A_250 : f32
        %mul3A_252 = arith.constant 5.000000e-01 : f32
        %mul3A_253 = arith.mulf %add3A_251, %mul3A_252 : f32
        %scan3A_254 = arith.constant 0 : i32
        %scan3A_255 = arith.constant 18 : i32
        %scan3A_256 = arith.addi %scan3A_254, %scan3A_255 : i32
        %scan3A_257 = arith.constant 1 : i32
        %scan3A_258 = scf.for %scan3A_265 = %scan3A_254 to %scan3A_256 step %scan3A_257 iter_args(%scan3A_266 = %broadcast_in_dim3A_3) -> (vector<16xi32>)  : i32 {
          %mul3A_267 = arith.constant 160 : i32
          %mul3A_268 = arith.muli %scan3A_265, %mul3A_267 : i32
          %add3A_269 = arith.constant 0 : i32
          %add3A_270 = arith.addi %mul3A_268, %add3A_269 : i32
          %get3A = arith.index_cast %add3A_270 : i32 to index
          %get3A_271 = tpu.vector_load %arg8[%get3A] {strides = array<i32>} : memref<2880xf32, #tpu.memory_space<vmem>>, vector<16xf32>,
          %ge3A_272 = vector.broadcast %mul3A_253 : f32 to vector<16xf32>
          %ge3A_273 = arith.cmpf oge, %get3A_271, %ge3A_272 : vector<16xf32>
          %jit3A = arith.constant 1 : i32
          %jit3A_274 = arith.constant 0 : i32
          %broadcast_in_dim3A_275 = vector.broadcast %jit3A : i32 to vector<16xi32>
          %broadcast_in_dim3A_276 = vector.broadcast %jit3A_274 : i32 to vector<16xi32>
          %select_n3A_277 = arith.select %ge3A_273, %broadcast_in_dim3A_275, %broadcast_in_dim3A_276 : vector<16xi1>, vector<16xi32>
          %add3A_278 = arith.addi %scan3A_266, %select_n3A_277 : vector<16xi32>
          %mul3A_279 = arith.constant 160 : i32
          %mul3A_280 = arith.muli %scan3A_265, %mul3A_279 : i32
          %add3A_281 = arith.constant 16 : i32
          %add3A_282 = arith.addi %mul3A_280, %add3A_281 : i32
          %get3A_283 = arith.index_cast %add3A_282 : i32 to index
          %get3A_284 = tpu.vector_load %arg8[%get3A_283] {strides = array<i32>} : memref<2880xf32, #tpu.memory_space<vmem>>, vector<16xf32>,
          %ge3A_285 = vector.broadcast %mul3A_253 : f32 to vector<16xf32>
          %ge3A_286 = arith.cmpf oge, %get3A_284, %ge3A_285 : vector<16xf32>
          %jit3A_287 = arith.constant 1 : i32
          %jit3A_288 = arith.constant 0 : i32
          %broadcast_in_dim3A_289 = vector.broadcast %jit3A_287 : i32 to vector<16xi32>
          %broadcast_in_dim3A_290 = vector.broadcast %jit3A_288 : i32 to vector<16xi32>
          %select_n3A_291 = arith.select %ge3A_286, %broadcast_in_dim3A_289, %broadcast_in_dim3A_290 : vector<16xi1>, vector<16xi32>
          %add3A_292 = arith.addi %add3A_278, %select_n3A_291 : vector<16xi32>
          %mul3A_293 = arith.constant 160 : i32
          %mul3A_294 = arith.muli %scan3A_265, %mul3A_293 : i32
          %add3A_295 = arith.constant 32 : i32
          %add3A_296 = arith.addi %mul3A_294, %add3A_295 : i32
          %get3A_297 = arith.index_cast %add3A_296 : i32 to index
          %get3A_298 = tpu.vector_load %arg8[%get3A_297] {strides = array<i32>} : memref<2880xf32, #tpu.memory_space<vmem>>, vector<16xf32>,
          %ge3A_299 = vector.broadcast %mul3A_253 : f32 to vector<16xf32>
          %ge3A_300 = arith.cmpf oge, %get3A_298, %ge3A_299 : vector<16xf32>
          %jit3A_301 = arith.constant 1 : i32
          %jit3A_302 = arith.constant 0 : i32
          %broadcast_in_dim3A_303 = vector.broadcast %jit3A_301 : i32 to vector<16xi32>
          %broadcast_in_dim3A_304 = vector.broadcast %jit3A_302 : i32 to vector<16xi32>
          %select_n3A_305 = arith.select %ge3A_300, %broadcast_in_dim3A_303, %broadcast_in_dim3A_304 : vector<16xi1>, vector<16xi32>
          %add3A_306 = arith.addi %add3A_292, %select_n3A_305 : vector<16xi32>
          %mul3A_307 = arith.constant 160 : i32
          %mul3A_308 = arith.muli %scan3A_265, %mul3A_307 : i32
          %add3A_309 = arith.constant 48 : i32
          %add3A_310 = arith.addi %mul3A_308, %add3A_309 : i32
          %get3A_311 = arith.index_cast %add3A_310 : i32 to index
          %get3A_312 = tpu.vector_load %arg8[%get3A_311] {strides = array<i32>} : memref<2880xf32, #tpu.memory_space<vmem>>, vector<16xf32>,
          %ge3A_313 = vector.broadcast %mul3A_253 : f32 to vector<16xf32>
          %ge3A_314 = arith.cmpf oge, %get3A_312, %ge3A_313 : vector<16xf32>
          %jit3A_315 = arith.constant 1 : i32
          %jit3A_316 = arith.constant 0 : i32
          %broadcast_in_dim3A_317 = vector.broadcast %jit3A_315 : i32 to vector<16xi32>
          %broadcast_in_dim3A_318 = vector.broadcast %jit3A_316 : i32 to vector<16xi32>
          %select_n3A_319 = arith.select %ge3A_314, %broadcast_in_dim3A_317, %broadcast_in_dim3A_318 : vector<16xi1>, vector<16xi32>
          %add3A_320 = arith.addi %add3A_306, %select_n3A_319 : vector<16xi32>
          %mul3A_321 = arith.constant 160 : i32
          %mul3A_322 = arith.muli %scan3A_265, %mul3A_321 : i32
          %add3A_323 = arith.constant 64 : i32
          %add3A_324 = arith.addi %mul3A_322, %add3A_323 : i32
          %get3A_325 = arith.index_cast %add3A_324 : i32 to index
          %get3A_326 = tpu.vector_load %arg8[%get3A_325] {strides = array<i32>} : memref<2880xf32, #tpu.memory_space<vmem>>, vector<16xf32>,
          %ge3A_327 = vector.broadcast %mul3A_253 : f32 to vector<16xf32>
          %ge3A_328 = arith.cmpf oge, %get3A_326, %ge3A_327 : vector<16xf32>
          %jit3A_329 = arith.constant 1 : i32
          %jit3A_330 = arith.constant 0 : i32
          %broadcast_in_dim3A_331 = vector.broadcast %jit3A_329 : i32 to vector<16xi32>
          %broadcast_in_dim3A_332 = vector.broadcast %jit3A_330 : i32 to vector<16xi32>
          %select_n3A_333 = arith.select %ge3A_328, %broadcast_in_dim3A_331, %broadcast_in_dim3A_332 : vector<16xi1>, vector<16xi32>
          %add3A_334 = arith.addi %add3A_320, %select_n3A_333 : vector<16xi32>
          %mul3A_335 = arith.constant 160 : i32
          %mul3A_336 = arith.muli %scan3A_265, %mul3A_335 : i32
          %add3A_337 = arith.constant 80 : i32
          %add3A_338 = arith.addi %mul3A_336, %add3A_337 : i32
          %get3A_339 = arith.index_cast %add3A_338 : i32 to index
          %get3A_340 = tpu.vector_load %arg8[%get3A_339] {strides = array<i32>} : memref<2880xf32, #tpu.memory_space<vmem>>, vector<16xf32>,
          %ge3A_341 = vector.broadcast %mul3A_253 : f32 to vector<16xf32>
          %ge3A_342 = arith.cmpf oge, %get3A_340, %ge3A_341 : vector<16xf32>
          %jit3A_343 = arith.constant 1 : i32
          %jit3A_344 = arith.constant 0 : i32
          %broadcast_in_dim3A_345 = vector.broadcast %jit3A_343 : i32 to vector<16xi32>
          %broadcast_in_dim3A_346 = vector.broadcast %jit3A_344 : i32 to vector<16xi32>
          %select_n3A_347 = arith.select %ge3A_342, %broadcast_in_dim3A_345, %broadcast_in_dim3A_346 : vector<16xi1>, vector<16xi32>
          %add3A_348 = arith.addi %add3A_334, %select_n3A_347 : vector<16xi32>
          %mul3A_349 = arith.constant 160 : i32
          %mul3A_350 = arith.muli %scan3A_265, %mul3A_349 : i32
          %add3A_351 = arith.constant 96 : i32
          %add3A_352 = arith.addi %mul3A_350, %add3A_351 : i32
          %get3A_353 = arith.index_cast %add3A_352 : i32 to index
          %get3A_354 = tpu.vector_load %arg8[%get3A_353] {strides = array<i32>} : memref<2880xf32, #tpu.memory_space<vmem>>, vector<16xf32>,
          %ge3A_355 = vector.broadcast %mul3A_253 : f32 to vector<16xf32>
          %ge3A_356 = arith.cmpf oge, %get3A_354, %ge3A_355 : vector<16xf32>
          %jit3A_357 = arith.constant 1 : i32
          %jit3A_358 = arith.constant 0 : i32
          %broadcast_in_dim3A_359 = vector.broadcast %jit3A_357 : i32 to vector<16xi32>
          %broadcast_in_dim3A_360 = vector.broadcast %jit3A_358 : i32 to vector<16xi32>
          %select_n3A_361 = arith.select %ge3A_356, %broadcast_in_dim3A_359, %broadcast_in_dim3A_360 : vector<16xi1>, vector<16xi32>
          %add3A_362 = arith.addi %add3A_348, %select_n3A_361 : vector<16xi32>
          %mul3A_363 = arith.constant 160 : i32
          %mul3A_364 = arith.muli %scan3A_265, %mul3A_363 : i32
          %add3A_365 = arith.constant 112 : i32
          %add3A_366 = arith.addi %mul3A_364, %add3A_365 : i32
          %get3A_367 = arith.index_cast %add3A_366 : i32 to index
          %get3A_368 = tpu.vector_load %arg8[%get3A_367] {strides = array<i32>} : memref<2880xf32, #tpu.memory_space<vmem>>, vector<16xf32>,
          %ge3A_369 = vector.broadcast %mul3A_253 : f32 to vector<16xf32>
          %ge3A_370 = arith.cmpf oge, %get3A_368, %ge3A_369 : vector<16xf32>
          %jit3A_371 = arith.constant 1 : i32
          %jit3A_372 = arith.constant 0 : i32
          %broadcast_in_dim3A_373 = vector.broadcast %jit3A_371 : i32 to vector<16xi32>
          %broadcast_in_dim3A_374 = vector.broadcast %jit3A_372 : i32 to vector<16xi32>
          %select_n3A_375 = arith.select %ge3A_370, %broadcast_in_dim3A_373, %broadcast_in_dim3A_374 : vector<16xi1>, vector<16xi32>
          %add3A_376 = arith.addi %add3A_362, %select_n3A_375 : vector<16xi32>
          %mul3A_377 = arith.constant 160 : i32
          %mul3A_378 = arith.muli %scan3A_265, %mul3A_377 : i32
          %add3A_379 = arith.constant 128 : i32
          %add3A_380 = arith.addi %mul3A_378, %add3A_379 : i32
          %get3A_381 = arith.index_cast %add3A_380 : i32 to index
          %get3A_382 = tpu.vector_load %arg8[%get3A_381] {strides = array<i32>} : memref<2880xf32, #tpu.memory_space<vmem>>, vector<16xf32>,
          %ge3A_383 = vector.broadcast %mul3A_253 : f32 to vector<16xf32>
          %ge3A_384 = arith.cmpf oge, %get3A_382, %ge3A_383 : vector<16xf32>
          %jit3A_385 = arith.constant 1 : i32
          %jit3A_386 = arith.constant 0 : i32
          %broadcast_in_dim3A_387 = vector.broadcast %jit3A_385 : i32 to vector<16xi32>
          %broadcast_in_dim3A_388 = vector.broadcast %jit3A_386 : i32 to vector<16xi32>
          %select_n3A_389 = arith.select %ge3A_384, %broadcast_in_dim3A_387, %broadcast_in_dim3A_388 : vector<16xi1>, vector<16xi32>
          %add3A_390 = arith.addi %add3A_376, %select_n3A_389 : vector<16xi32>
          %mul3A_391 = arith.constant 160 : i32
          %mul3A_392 = arith.muli %scan3A_265, %mul3A_391 : i32
          %add3A_393 = arith.constant 144 : i32
          %add3A_394 = arith.addi %mul3A_392, %add3A_393 : i32
          %get3A_395 = arith.index_cast %add3A_394 : i32 to index
          %get3A_396 = tpu.vector_load %arg8[%get3A_395] {strides = array<i32>} : memref<2880xf32, #tpu.memory_space<vmem>>, vector<16xf32>,
          %ge3A_397 = vector.broadcast %mul3A_253 : f32 to vector<16xf32>
          %ge3A_398 = arith.cmpf oge, %get3A_396, %ge3A_397 : vector<16xf32>
          %jit3A_399 = arith.constant 1 : i32
          %jit3A_400 = arith.constant 0 : i32
          %broadcast_in_dim3A_401 = vector.broadcast %jit3A_399 : i32 to vector<16xi32>
          %broadcast_in_dim3A_402 = vector.broadcast %jit3A_400 : i32 to vector<16xi32>
          %select_n3A_403 = arith.select %ge3A_398, %broadcast_in_dim3A_401, %broadcast_in_dim3A_402 : vector<16xi1>, vector<16xi32>
          %add3A_404 = arith.addi %add3A_390, %select_n3A_403 : vector<16xi32>
          scf.yield %add3A_404 : vector<16xi32>
        }
        %scan3A_259 = arith.constant 18 : i32
        %reduce_sum3A = arith.constant true
        %reduce_sum3A_260 = vector.broadcast %reduce_sum3A : i1 to vector<16xi1>
        %reduce_sum3A_261 = tpu.scan <sum>, %scan3A_258 masked %reduce_sum3A_260 : vector<16xi32>, vector<16xi1> -> vector<16xi32>
        %reduce_sum3A_262 = vector.extract %reduce_sum3A_261[15] : i32 from vector<16xi32>
        %ge3A = arith.constant 128 : i32
        %ge3A_263 = arith.cmpi sge, %reduce_sum3A_262, %ge3A : i32
        %select_n3A = arith.select %ge3A_263, %mul3A_253, %scan3A_249 : f32
        %select_n3A_264 = arith.select %ge3A_263, %scan3A_250, %mul3A_253 : f32
        scf.yield %select_n3A, %select_n3A_264 : f32, f32
      }
      %scan3A_28 = arith.constant 18 : i32
      %scan3A_29 = arith.constant 0 : i32
      %scan3A_30 = arith.constant 0 : i32
      %scan3A_31 = arith.constant 90 : i32
      %scan3A_32 = arith.addi %scan3A_30, %scan3A_31 : i32
      %scan3A_33 = arith.constant 1 : i32
      %scan3A_34 = scf.for %scan3A_248 = %scan3A_30 to %scan3A_32 step %scan3A_33 iter_args(%scan3A_249 = %scan3A_29) -> (i32)  : i32 {
        %mul3A_250 = arith.constant 32 : i32
        %mul3A_251 = arith.muli %scan3A_248, %mul3A_250 : i32
        %add3A_252 = arith.constant 0 : i32
        %add3A_253 = arith.addi %mul3A_251, %add3A_252 : i32
        %get3A = arith.index_cast %add3A_253 : i32 to index
        %get3A_254 = tpu.vector_load %arg8[%get3A] {strides = array<i32>} : memref<2880xf32, #tpu.memory_space<vmem>>, vector<16xf32>,
        %ge3A = vector.broadcast %scan3A_27#0 : f32 to vector<16xf32>
        %ge3A_255 = arith.cmpf oge, %get3A_254, %ge3A : vector<16xf32>
        %all_reduce_population_count3A = tpu.all_reduce %ge3A_255 {dim = 0 : i64, kind = #tpu.reduction_kind<sum>} : vector<16xi1> -> vector<16xi32>
        %reduce_max3A = arith.constant true
        %reduce_max3A_256 = vector.broadcast %reduce_max3A : i1 to vector<16xi1>
        %reduce_max3A_257 = arith.constant -2147483648 : i32
        %reduce_max3A_258 = vector.broadcast %reduce_max3A_257 : i32 to vector<16xi32>
        %reduce_max3A_259 = arith.xori %all_reduce_population_count3A, %reduce_max3A_258 : vector<16xi32>
        %reduce_max3A_260 = tpu.scan <max>, %reduce_max3A_259 masked %reduce_max3A_256 : vector<16xi32>, vector<16xi1> -> vector<16xi32>
        %reduce_max3A_261 = arith.xori %reduce_max3A_260, %reduce_max3A_258 : vector<16xi32>
        %reduce_max3A_262 = vector.extract %reduce_max3A_261[15] : i32 from vector<16xi32>
        %le3A = arith.constant 240 : i32
        %le3A_263 = arith.cmpi sle, %scan3A_249, %le3A : i32
        %convert_element_type3A_264 = arith.extui %le3A_263 : i1 to i32
        %cond3A_265 = arith.constant 0 : i32
        %cond3A_266 = arith.cmpi ne, %convert_element_type3A_264, %cond3A_265 : i32
        scf.if %cond3A_266 {
          %mul3A_296 = arith.constant 32 : i32
          %mul3A_297 = arith.muli %scan3A_248, %mul3A_296 : i32
          %add3A_298 = arith.constant 0 : i32
          %add3A_299 = arith.addi %mul3A_297, %add3A_298 : i32
          %add3A_300 = vector.broadcast %add3A_299 : i32 to vector<16xi32>
          %add3A_301 = arith.addi %iota3A, %add3A_300 : vector<16xi32>
          %swap3A = arith.index_cast %scan3A_249 : i32 to index
          %swap3A_302 = tpu.vector_load %arg9[%swap3A] masked %ge3A_255 {strides = array<i32>} : memref<256xi32, #tpu.memory_space<vmem>>, vector<16xi32>, vector<16xi1>
          tpu.vector_store %arg9[%swap3A], %add3A_301 masked %ge3A_255 {strides = array<i32>} : memref<256xi32, #tpu.memory_space<vmem>>, vector<16xi32>, vector<16xi1>
          %swap3A_303 = arith.index_cast %scan3A_249 : i32 to index
          %swap3A_304 = tpu.vector_load %arg10[%swap3A_303] masked %ge3A_255 {strides = array<i32>} : memref<256xf32, #tpu.memory_space<vmem>>, vector<16xf32>, vector<16xi1>
          tpu.vector_store %arg10[%swap3A_303], %get3A_254 masked %ge3A_255 {strides = array<i32>} : memref<256xf32, #tpu.memory_space<vmem>>, vector<16xf32>, vector<16xi1>
        } else {
        }
        %le3A_267 = arith.constant 240 : i32
        %le3A_268 = arith.cmpi sle, %scan3A_249, %le3A_267 : i32
        %add3A_269 = arith.addi %scan3A_249, %reduce_max3A_262 : i32
        %select_n3A = arith.select %le3A_268, %add3A_269, %scan3A_249 : i32
        %mul3A_270 = arith.constant 32 : i32
        %mul3A_271 = arith.muli %scan3A_248, %mul3A_270 : i32
        %add3A_272 = arith.constant 16 : i32
        %add3A_273 = arith.addi %mul3A_271, %add3A_272 : i32
        %get3A_274 = arith.index_cast %add3A_273 : i32 to index
        %get3A_275 = tpu.vector_load %arg8[%get3A_274] {strides = array<i32>} : memref<2880xf32, #tpu.memory_space<vmem>>, vector<16xf32>,
        %ge3A_276 = vector.broadcast %scan3A_27#0 : f32 to vector<16xf32>
        %ge3A_277 = arith.cmpf oge, %get3A_275, %ge3A_276 : vector<16xf32>
        %all_reduce_population_count3A_278 = tpu.all_reduce %ge3A_277 {dim = 0 : i64, kind = #tpu.reduction_kind<sum>} : vector<16xi1> -> vector<16xi32>
        %reduce_max3A_279 = arith.constant true
        %reduce_max3A_280 = vector.broadcast %reduce_max3A_279 : i1 to vector<16xi1>
        %reduce_max3A_281 = arith.constant -2147483648 : i32
        %reduce_max3A_282 = vector.broadcast %reduce_max3A_281 : i32 to vector<16xi32>
        %reduce_max3A_283 = arith.xori %all_reduce_population_count3A_278, %reduce_max3A_282 : vector<16xi32>
        %reduce_max3A_284 = tpu.scan <max>, %reduce_max3A_283 masked %reduce_max3A_280 : vector<16xi32>, vector<16xi1> -> vector<16xi32>
        %reduce_max3A_285 = arith.xori %reduce_max3A_284, %reduce_max3A_282 : vector<16xi32>
        %reduce_max3A_286 = vector.extract %reduce_max3A_285[15] : i32 from vector<16xi32>
        %le3A_287 = arith.constant 240 : i32
        %le3A_288 = arith.cmpi sle, %select_n3A, %le3A_287 : i32
        %convert_element_type3A_289 = arith.extui %le3A_288 : i1 to i32
        %cond3A_290 = arith.constant 0 : i32
        %cond3A_291 = arith.cmpi ne, %convert_element_type3A_289, %cond3A_290 : i32
        scf.if %cond3A_291 {
          %mul3A_296 = arith.constant 32 : i32
          %mul3A_297 = arith.muli %scan3A_248, %mul3A_296 : i32
          %add3A_298 = arith.constant 16 : i32
          %add3A_299 = arith.addi %mul3A_297, %add3A_298 : i32
          %add3A_300 = vector.broadcast %add3A_299 : i32 to vector<16xi32>
          %add3A_301 = arith.addi %iota3A, %add3A_300 : vector<16xi32>
          %swap3A = arith.index_cast %select_n3A : i32 to index
          %swap3A_302 = tpu.vector_load %arg9[%swap3A] masked %ge3A_277 {strides = array<i32>} : memref<256xi32, #tpu.memory_space<vmem>>, vector<16xi32>, vector<16xi1>
          tpu.vector_store %arg9[%swap3A], %add3A_301 masked %ge3A_277 {strides = array<i32>} : memref<256xi32, #tpu.memory_space<vmem>>, vector<16xi32>, vector<16xi1>
          %swap3A_303 = arith.index_cast %select_n3A : i32 to index
          %swap3A_304 = tpu.vector_load %arg10[%swap3A_303] masked %ge3A_277 {strides = array<i32>} : memref<256xf32, #tpu.memory_space<vmem>>, vector<16xf32>, vector<16xi1>
          tpu.vector_store %arg10[%swap3A_303], %get3A_275 masked %ge3A_277 {strides = array<i32>} : memref<256xf32, #tpu.memory_space<vmem>>, vector<16xf32>, vector<16xi1>
        } else {
        }
        %le3A_292 = arith.constant 240 : i32
        %le3A_293 = arith.cmpi sle, %select_n3A, %le3A_292 : i32
        %add3A_294 = arith.addi %select_n3A, %reduce_max3A_286 : i32
        %select_n3A_295 = arith.select %le3A_293, %add3A_294, %select_n3A : i32
        scf.yield %select_n3A_295 : i32
      }
      %scan3A_35 = arith.constant 90 : i32
      %mul3A_36 = arith.constant 2880 : i32
      %mul3A_37 = arith.muli %add3A, %mul3A_36 : i32
      %scan3A_38 = arith.constant 0 : i32
      %scan3A_39 = arith.constant 0 : i32
      %scan3A_40 = arith.constant 16 : i32
      %scan3A_41 = arith.addi %scan3A_39, %scan3A_40 : i32
      %scan3A_42 = arith.constant 1 : i32
      %scan3A_43 = scf.for %scan3A_248 = %scan3A_39 to %scan3A_41 step %scan3A_42 iter_args(%scan3A_249 = %scan3A_38) -> (i32)  : i32 {
        %mul3A_250 = arith.constant 16 : i32
        %mul3A_251 = arith.muli %scan3A_248, %mul3A_250 : i32
        %get3A = arith.index_cast %mul3A_251 : i32 to index
        %get3A_252 = tpu.vector_load %arg9[%get3A] {strides = array<i32>} : memref<256xi32, #tpu.memory_space<vmem>>, vector<16xi32>,
        %add3A_253 = vector.broadcast %mul3A_37 : i32 to vector<16xi32>
        %add3A_254 = arith.addi %get3A_252, %add3A_253 : vector<16xi32>
        %jit3A = arith.constant 8 : i32
        %div3A = arith.divsi %scan3A_248, %jit3A : i32
        %sign3A = arith.constant 0 : i32
        %sign3A_255 = arith.cmpi sgt, %scan3A_248, %sign3A : i32
        %sign3A_256 = arith.extui %sign3A_255 : i1 to i32
        %sign3A_257 = arith.constant 0 : i32
        %sign3A_258 = arith.cmpi slt, %scan3A_248, %sign3A_257 : i32
        %sign3A_259 = arith.extui %sign3A_258 : i1 to i32
        %sign3A_260 = arith.subi %sign3A_256, %sign3A_259 : i32
        %sign3A_261 = arith.constant 0 : i32
        %sign3A_262 = arith.cmpi sgt, %jit3A, %sign3A_261 : i32
        %sign3A_263 = arith.extui %sign3A_262 : i1 to i32
        %sign3A_264 = arith.constant 0 : i32
        %sign3A_265 = arith.cmpi slt, %jit3A, %sign3A_264 : i32
        %sign3A_266 = arith.extui %sign3A_265 : i1 to i32
        %sign3A_267 = arith.subi %sign3A_263, %sign3A_266 : i32
        %ne3A = arith.cmpi ne, %sign3A_260, %sign3A_267 : i32
        %rem3A = arith.remsi %scan3A_248, %jit3A : i32
        %ne3A_268 = arith.constant 0 : i32
        %ne3A_269 = arith.cmpi ne, %rem3A, %ne3A_268 : i32
        %and3A = arith.andi %ne3A, %ne3A_269 : i1
        %sub3A = arith.constant 1 : i32
        %sub3A_270 = arith.subi %div3A, %sub3A : i32
        %select_n3A = arith.select %and3A, %sub3A_270, %div3A : i32
        %jit3A_271 = arith.constant 8 : i32
        %eq3A = arith.constant 0 : i32
        %eq3A_272 = arith.cmpi eq, %jit3A_271, %eq3A : i32
        %jit3A_273 = arith.constant 1 : i32
        %select_n3A_274 = arith.select %eq3A_272, %jit3A_273, %jit3A_271 : i32
        %rem3A_275 = arith.remsi %scan3A_248, %select_n3A_274 : i32
        %ne3A_276 = arith.constant 0 : i32
        %ne3A_277 = arith.cmpi ne, %rem3A_275, %ne3A_276 : i32
        %lt3A_278 = arith.constant 0 : i32
        %lt3A_279 = arith.cmpi slt, %rem3A_275, %lt3A_278 : i32
        %lt3A_280 = arith.constant 0 : i32
        %lt3A_281 = arith.cmpi slt, %select_n3A_274, %lt3A_280 : i32
        %ne3A_282 = arith.xori %lt3A_279, %lt3A_281 : i1
        %and3A_283 = arith.andi %ne3A_282, %ne3A_277 : i1
        %add3A_284 = arith.addi %rem3A_275, %select_n3A_274 : i32
        %select_n3A_285 = arith.select %and3A_283, %add3A_284, %rem3A_275 : i32
        %mul3A_286 = arith.constant 16 : i32
        %mul3A_287 = arith.muli %select_n3A_285, %mul3A_286 : i32
        %swap3A = arith.index_cast %select_n3A : i32 to index
        %swap3A_288 = arith.index_cast %mul3A_287 : i32 to index
        %swap3A_289 = tpu.vector_load %arg14[%swap3A, %swap3A_288] {strides = array<i32>} : memref<8x128xi32, #tpu.memory_space<vmem>>, vector<16xi32>,
        tpu.vector_store %arg14[%swap3A, %swap3A_288], %add3A_254 {strides = array<i32>} : memref<8x128xi32, #tpu.memory_space<vmem>>, vector<16xi32>,
        %scan3A_290 = arith.constant 0 : i32
        scf.yield %scan3A_290 : i32
      }
      %scan3A_44 = arith.constant 16 : i32
      %dma_start3A = arith.constant 0 : i32
      %dma_start3A_45 = arith.constant 0 : i32
      %dma_start3A_46 = arith.constant 0 : i32
      %dma_start3A_47 = tpu.memref_slice %arg11[%dma_start3A_45, %dma_start3A_46] : memref<256x128xf32, #tpu.memory_space<vmem>> -> memref<128x128xf32, #tpu.memory_space<vmem>>
      %dma_start3A_48 = arith.constant 0 : i32
      %dma_start3A_49 = tpu.memref_slice %arg14[%dma_start3A, %dma_start3A_48] : memref<8x128xi32, #tpu.memory_space<vmem>> -> memref<1x128xi32, #tpu.memory_space<vmem>>
      %dma_start3A_50 = tpu.memref_squeeze %dma_start3A_49 : memref<1x128xi32, #tpu.memory_space<vmem>> -> memref<128xi32, #tpu.memory_space<vmem>>
      %dma_start3A_51 = arith.constant 0 : i32
      %dma_start3A_52 = arith.constant 0 : i32
      %dma_start3A_53 = tpu.memref_slice %arg2[%dma_start3A_51, %dma_start3A_52] : memref<23040x128xf32, #tpu.memory_space<hbm>> -> memref<23040x128xf32, #tpu.memory_space<hbm>>
      tpu.enqueue_indirect_dma source(%dma_start3A_53 : memref<23040x128xf32, #tpu.memory_space<hbm>>) target(%dma_start3A_47 : memref<128x128xf32, #tpu.memory_space<vmem>>) offsets(%dma_start3A_50 : memref<128xi32, #tpu.memory_space<vmem>>) semaphore(%arg16 : memref<!tpu.dma_semaphore, #tpu.memory_space<semaphore_mem>>)
      %gt3A = arith.constant 128 : i32
      %gt3A_54 = arith.cmpi sgt, %scan3A_34, %gt3A : i32
      %convert_element_type3A_55 = arith.extui %gt3A_54 : i1 to i32
      %cond3A_56 = arith.constant 0 : i32
      %cond3A_57 = arith.cmpi ne, %convert_element_type3A_55, %cond3A_56 : i32
      scf.if %cond3A_57 {
        %dma_start3A_248 = arith.constant 1 : i32
        %dma_start3A_249 = arith.constant 128 : i32
        %dma_start3A_250 = arith.constant 0 : i32
        %dma_start3A_251 = tpu.memref_slice %arg11[%dma_start3A_249, %dma_start3A_250] : memref<256x128xf32, #tpu.memory_space<vmem>> -> memref<128x128xf32, #tpu.memory_space<vmem>>
        %dma_start3A_252 = arith.constant 0 : i32
        %dma_start3A_253 = tpu.memref_slice %arg14[%dma_start3A_248, %dma_start3A_252] : memref<8x128xi32, #tpu.memory_space<vmem>> -> memref<1x128xi32, #tpu.memory_space<vmem>>
        %dma_start3A_254 = tpu.memref_squeeze %dma_start3A_253 : memref<1x128xi32, #tpu.memory_space<vmem>> -> memref<128xi32, #tpu.memory_space<vmem>>
        %dma_start3A_255 = arith.constant 0 : i32
        %dma_start3A_256 = arith.constant 0 : i32
        %dma_start3A_257 = tpu.memref_slice %arg2[%dma_start3A_255, %dma_start3A_256] : memref<23040x128xf32, #tpu.memory_space<hbm>> -> memref<23040x128xf32, #tpu.memory_space<hbm>>
        tpu.enqueue_indirect_dma source(%dma_start3A_257 : memref<23040x128xf32, #tpu.memory_space<hbm>>) target(%dma_start3A_251 : memref<128x128xf32, #tpu.memory_space<vmem>>) offsets(%dma_start3A_254 : memref<128xi32, #tpu.memory_space<vmem>>) semaphore(%arg16 : memref<!tpu.dma_semaphore, #tpu.memory_space<semaphore_mem>>)
        %dma_wait3A_258 = arith.constant 1 : i32
        %dma_wait3A_259 = arith.constant 128 : i32
        %dma_wait3A_260 = arith.constant 0 : i32
        %dma_wait3A_261 = tpu.memref_slice %arg11[%dma_wait3A_259, %dma_wait3A_260] : memref<256x128xf32, #tpu.memory_space<vmem>> -> memref<128x128xf32, #tpu.memory_space<vmem>>
        %dma_wait3A_262 = arith.constant 0 : i32
        %dma_wait3A_263 = tpu.memref_slice %arg14[%dma_wait3A_258, %dma_wait3A_262] : memref<8x128xi32, #tpu.memory_space<vmem>> -> memref<1x128xi32, #tpu.memory_space<vmem>>
        %dma_wait3A_264 = tpu.memref_squeeze %dma_wait3A_263 : memref<1x128xi32, #tpu.memory_space<vmem>> -> memref<128xi32, #tpu.memory_space<vmem>>
        %dma_wait3A_265 = arith.constant 0 : i32
        %dma_wait3A_266 = arith.constant 0 : i32
        %dma_wait3A_267 = tpu.memref_slice %arg2[%dma_wait3A_265, %dma_wait3A_266] : memref<23040x128xf32, #tpu.memory_space<hbm>> -> memref<23040x128xf32, #tpu.memory_space<hbm>>
        tpu.wait_indirect_dma semaphore(%arg16 : memref<!tpu.dma_semaphore, #tpu.memory_space<semaphore_mem>>) src(%dma_wait3A_267 : memref<23040x128xf32, #tpu.memory_space<hbm>>) dst(%dma_wait3A_261 : memref<128x128xf32, #tpu.memory_space<vmem>>)
      } else {
      }
      %dma_wait3A = arith.constant 0 : i32
      %dma_wait3A_58 = arith.constant 0 : i32
      %dma_wait3A_59 = arith.constant 0 : i32
      %dma_wait3A_60 = tpu.memref_slice %arg11[%dma_wait3A_58, %dma_wait3A_59] : memref<256x128xf32, #tpu.memory_space<vmem>> -> memref<128x128xf32, #tpu.memory_space<vmem>>
      %dma_wait3A_61 = arith.constant 0 : i32
      %dma_wait3A_62 = tpu.memref_slice %arg14[%dma_wait3A, %dma_wait3A_61] : memref<8x128xi32, #tpu.memory_space<vmem>> -> memref<1x128xi32, #tpu.memory_space<vmem>>
      %dma_wait3A_63 = tpu.memref_squeeze %dma_wait3A_62 : memref<1x128xi32, #tpu.memory_space<vmem>> -> memref<128xi32, #tpu.memory_space<vmem>>
      %dma_wait3A_64 = arith.constant 0 : i32
      %dma_wait3A_65 = arith.constant 0 : i32
      %dma_wait3A_66 = tpu.memref_slice %arg2[%dma_wait3A_64, %dma_wait3A_65] : memref<23040x128xf32, #tpu.memory_space<hbm>> -> memref<23040x128xf32, #tpu.memory_space<hbm>>
      tpu.wait_indirect_dma semaphore(%arg16 : memref<!tpu.dma_semaphore, #tpu.memory_space<semaphore_mem>>) src(%dma_wait3A_66 : memref<23040x128xf32, #tpu.memory_space<hbm>>) dst(%dma_wait3A_60 : memref<128x128xf32, #tpu.memory_space<vmem>>)
      %scan3A_67 = arith.constant 0 : i32
      %scan3A_68 = arith.constant 16 : i32
      %scan3A_69 = arith.addi %scan3A_67, %scan3A_68 : i32
      %scan3A_70 = arith.constant 1 : i32
      %scan3A_71 = scf.for %scan3A_248 = %scan3A_67 to %scan3A_69 step %scan3A_70 iter_args(%scan3A_249 = %broadcast_in_dim3A_7) -> (vector<16xf32>)  : i32 {
        %eq3A = vector.broadcast %scan3A_248 : i32 to vector<16xi32>
        %eq3A_250 = arith.cmpi eq, %iota3A, %eq3A : vector<16xi32>
        %mul3A_251 = arith.constant 16 : i32
        %mul3A_252 = arith.muli %scan3A_248, %mul3A_251 : i32
        %get3A = arith.index_cast %mul3A_252 : i32 to index
        %get3A_253 = tpu.vector_load %arg10[%get3A] {strides = array<i32>} : memref<256xf32, #tpu.memory_space<vmem>>, vector<16xf32>,
        %reduce_max3A = arith.constant true
        %reduce_max3A_254 = vector.broadcast %reduce_max3A : i1 to vector<16xi1>
        %reduce_max3A_255 = tpu.scan <max>, %get3A_253 masked %reduce_max3A_254 : vector<16xf32>, vector<16xi1> -> vector<16xf32>
        %reduce_max3A_256 = vector.extract %reduce_max3A_255[15] : f32 from vector<16xf32>
        %broadcast_in_dim3A_257 = vector.broadcast %reduce_max3A_256 : f32 to vector<16xf32>
        %select_n3A = arith.select %eq3A_250, %broadcast_in_dim3A_257, %scan3A_249 : vector<16xi1>, vector<16xf32>
        scf.yield %select_n3A : vector<16xf32>
      }
      %scan3A_72 = arith.constant 16 : i32
      %scan3A_73 = arith.constant 0 : i32
      %scan3A_74 = arith.constant 100 : i32
      %scan3A_75 = arith.addi %scan3A_73, %scan3A_74 : i32
      %scan3A_76 = arith.constant 1 : i32
      %scan3A_77 = scf.for %scan3A_248 = %scan3A_73 to %scan3A_75 step %scan3A_76 iter_args(%scan3A_249 = %scan3A_71) -> (vector<16xf32>)  : i32 {
        %reduce_max3A = arith.constant true
        %reduce_max3A_250 = vector.broadcast %reduce_max3A : i1 to vector<16xi1>
        %reduce_max3A_251 = tpu.scan <max>, %scan3A_249 masked %reduce_max3A_250 : vector<16xf32>, vector<16xi1> -> vector<16xf32>
        %reduce_max3A_252 = vector.extract %reduce_max3A_251[15] : f32 from vector<16xf32>
        %eq3A = vector.broadcast %reduce_max3A_252 : f32 to vector<16xf32>
        %eq3A_253 = arith.cmpf oeq, %scan3A_249, %eq3A : vector<16xf32>
        %jit3A = arith.constant 9999 : i32
        %broadcast_in_dim3A_254 = vector.broadcast %jit3A : i32 to vector<16xi32>
        %select_n3A = arith.select %eq3A_253, %iota3A, %broadcast_in_dim3A_254 : vector<16xi1>, vector<16xi32>
        %reduce_min3A = arith.constant true
        %reduce_min3A_255 = vector.broadcast %reduce_min3A : i1 to vector<16xi1>
        %reduce_min3A_256 = arith.constant -2147483648 : i32
        %reduce_min3A_257 = vector.broadcast %reduce_min3A_256 : i32 to vector<16xi32>
        %reduce_min3A_258 = arith.xori %select_n3A, %reduce_min3A_257 : vector<16xi32>
        %reduce_min3A_259 = tpu.scan <min>, %reduce_min3A_258 masked %reduce_min3A_255 : vector<16xi32>, vector<16xi1> -> vector<16xi32>
        %reduce_min3A_260 = arith.xori %reduce_min3A_259, %reduce_min3A_257 : vector<16xi32>
        %reduce_min3A_261 = vector.extract %reduce_min3A_260[15] : i32 from vector<16xi32>
        %mul3A_262 = arith.constant 16 : i32
        %mul3A_263 = arith.muli %reduce_min3A_261, %mul3A_262 : i32
        %get3A = arith.index_cast %mul3A_263 : i32 to index
        %get3A_264 = tpu.vector_load %arg10[%get3A] {strides = array<i32>} : memref<256xf32, #tpu.memory_space<vmem>>, vector<16xf32>,
        %eq3A_265 = vector.broadcast %reduce_max3A_252 : f32 to vector<16xf32>
        %eq3A_266 = arith.cmpf oeq, %get3A_264, %eq3A_265 : vector<16xf32>
        %jit3A_267 = arith.constant 9999 : i32
        %broadcast_in_dim3A_268 = vector.broadcast %jit3A_267 : i32 to vector<16xi32>
        %select_n3A_269 = arith.select %eq3A_266, %iota3A, %broadcast_in_dim3A_268 : vector<16xi1>, vector<16xi32>
        %reduce_min3A_270 = arith.constant true
        %reduce_min3A_271 = vector.broadcast %reduce_min3A_270 : i1 to vector<16xi1>
        %reduce_min3A_272 = arith.constant -2147483648 : i32
        %reduce_min3A_273 = vector.broadcast %reduce_min3A_272 : i32 to vector<16xi32>
        %reduce_min3A_274 = arith.xori %select_n3A_269, %reduce_min3A_273 : vector<16xi32>
        %reduce_min3A_275 = tpu.scan <min>, %reduce_min3A_274 masked %reduce_min3A_271 : vector<16xi32>, vector<16xi1> -> vector<16xi32>
        %reduce_min3A_276 = arith.xori %reduce_min3A_275, %reduce_min3A_273 : vector<16xi32>
        %reduce_min3A_277 = vector.extract %reduce_min3A_276[15] : i32 from vector<16xi32>
        %mul3A_278 = arith.constant 16 : i32
        %mul3A_279 = arith.muli %reduce_min3A_261, %mul3A_278 : i32
        %add3A_280 = arith.addi %mul3A_279, %reduce_min3A_277 : i32
        %broadcast_in_dim3A_281 = arith.constant 9999 : i32
        %broadcast_in_dim3A_282 = vector.broadcast %broadcast_in_dim3A_281 : i32 to vector<16xi32>
        %get3A_283 = arith.index_cast %add3A_280 : i32 to index
        %get3A_284 = arith.constant 0 : index
        %get3A_285 = tpu.vector_load %arg11[%get3A_283, %get3A_284] {strides = array<i32>} : memref<256x128xf32, #tpu.memory_space<vmem>>, vector<16xf32>,
        %eq3A_286 = vector.broadcast %reduce_max3A_252 : f32 to vector<16xf32>
        %eq3A_287 = arith.cmpf oeq, %get3A_285, %eq3A_286 : vector<16xf32>
        %add3A_288 = arith.constant 0 : i32
        %add3A_289 = vector.broadcast %add3A_288 : i32 to vector<16xi32>
        %add3A_290 = arith.addi %iota3A, %add3A_289 : vector<16xi32>
        %jit3A_291 = arith.constant 9999 : i32
        %broadcast_in_dim3A_292 = vector.broadcast %jit3A_291 : i32 to vector<16xi32>
        %select_n3A_293 = arith.select %eq3A_287, %add3A_290, %broadcast_in_dim3A_292 : vector<16xi1>, vector<16xi32>
        %min3A = arith.minsi %broadcast_in_dim3A_282, %select_n3A_293 : vector<16xi32>
        %get3A_294 = arith.index_cast %add3A_280 : i32 to index
        %get3A_295 = arith.constant 16 : index
        %get3A_296 = tpu.vector_load %arg11[%get3A_294, %get3A_295] {strides = array<i32>} : memref<256x128xf32, #tpu.memory_space<vmem>>, vector<16xf32>,
        %eq3A_297 = vector.broadcast %reduce_max3A_252 : f32 to vector<16xf32>
        %eq3A_298 = arith.cmpf oeq, %get3A_296, %eq3A_297 : vector<16xf32>
        %add3A_299 = arith.constant 16 : i32
        %add3A_300 = vector.broadcast %add3A_299 : i32 to vector<16xi32>
        %add3A_301 = arith.addi %iota3A, %add3A_300 : vector<16xi32>
        %jit3A_302 = arith.constant 9999 : i32
        %broadcast_in_dim3A_303 = vector.broadcast %jit3A_302 : i32 to vector<16xi32>
        %select_n3A_304 = arith.select %eq3A_298, %add3A_301, %broadcast_in_dim3A_303 : vector<16xi1>, vector<16xi32>
        %min3A_305 = arith.minsi %min3A, %select_n3A_304 : vector<16xi32>
        %get3A_306 = arith.index_cast %add3A_280 : i32 to index
        %get3A_307 = arith.constant 32 : index
        %get3A_308 = tpu.vector_load %arg11[%get3A_306, %get3A_307] {strides = array<i32>} : memref<256x128xf32, #tpu.memory_space<vmem>>, vector<16xf32>,
        %eq3A_309 = vector.broadcast %reduce_max3A_252 : f32 to vector<16xf32>
        %eq3A_310 = arith.cmpf oeq, %get3A_308, %eq3A_309 : vector<16xf32>
        %add3A_311 = arith.constant 32 : i32
        %add3A_312 = vector.broadcast %add3A_311 : i32 to vector<16xi32>
        %add3A_313 = arith.addi %iota3A, %add3A_312 : vector<16xi32>
        %jit3A_314 = arith.constant 9999 : i32
        %broadcast_in_dim3A_315 = vector.broadcast %jit3A_314 : i32 to vector<16xi32>
        %select_n3A_316 = arith.select %eq3A_310, %add3A_313, %broadcast_in_dim3A_315 : vector<16xi1>, vector<16xi32>
        %min3A_317 = arith.minsi %min3A_305, %select_n3A_316 : vector<16xi32>
        %get3A_318 = arith.index_cast %add3A_280 : i32 to index
        %get3A_319 = arith.constant 48 : index
        %get3A_320 = tpu.vector_load %arg11[%get3A_318, %get3A_319] {strides = array<i32>} : memref<256x128xf32, #tpu.memory_space<vmem>>, vector<16xf32>,
        %eq3A_321 = vector.broadcast %reduce_max3A_252 : f32 to vector<16xf32>
        %eq3A_322 = arith.cmpf oeq, %get3A_320, %eq3A_321 : vector<16xf32>
        %add3A_323 = arith.constant 48 : i32
        %add3A_324 = vector.broadcast %add3A_323 : i32 to vector<16xi32>
        %add3A_325 = arith.addi %iota3A, %add3A_324 : vector<16xi32>
        %jit3A_326 = arith.constant 9999 : i32
        %broadcast_in_dim3A_327 = vector.broadcast %jit3A_326 : i32 to vector<16xi32>
        %select_n3A_328 = arith.select %eq3A_322, %add3A_325, %broadcast_in_dim3A_327 : vector<16xi1>, vector<16xi32>
        %min3A_329 = arith.minsi %min3A_317, %select_n3A_328 : vector<16xi32>
        %get3A_330 = arith.index_cast %add3A_280 : i32 to index
        %get3A_331 = arith.constant 64 : index
        %get3A_332 = tpu.vector_load %arg11[%get3A_330, %get3A_331] {strides = array<i32>} : memref<256x128xf32, #tpu.memory_space<vmem>>, vector<16xf32>,
        %eq3A_333 = vector.broadcast %reduce_max3A_252 : f32 to vector<16xf32>
        %eq3A_334 = arith.cmpf oeq, %get3A_332, %eq3A_333 : vector<16xf32>
        %add3A_335 = arith.constant 64 : i32
        %add3A_336 = vector.broadcast %add3A_335 : i32 to vector<16xi32>
        %add3A_337 = arith.addi %iota3A, %add3A_336 : vector<16xi32>
        %jit3A_338 = arith.constant 9999 : i32
        %broadcast_in_dim3A_339 = vector.broadcast %jit3A_338 : i32 to vector<16xi32>
        %select_n3A_340 = arith.select %eq3A_334, %add3A_337, %broadcast_in_dim3A_339 : vector<16xi1>, vector<16xi32>
        %min3A_341 = arith.minsi %min3A_329, %select_n3A_340 : vector<16xi32>
        %get3A_342 = arith.index_cast %add3A_280 : i32 to index
        %get3A_343 = arith.constant 80 : index
        %get3A_344 = tpu.vector_load %arg11[%get3A_342, %get3A_343] {strides = array<i32>} : memref<256x128xf32, #tpu.memory_space<vmem>>, vector<16xf32>,
        %eq3A_345 = vector.broadcast %reduce_max3A_252 : f32 to vector<16xf32>
        %eq3A_346 = arith.cmpf oeq, %get3A_344, %eq3A_345 : vector<16xf32>
        %add3A_347 = arith.constant 80 : i32
        %add3A_348 = vector.broadcast %add3A_347 : i32 to vector<16xi32>
        %add3A_349 = arith.addi %iota3A, %add3A_348 : vector<16xi32>
        %jit3A_350 = arith.constant 9999 : i32
        %broadcast_in_dim3A_351 = vector.broadcast %jit3A_350 : i32 to vector<16xi32>
        %select_n3A_352 = arith.select %eq3A_346, %add3A_349, %broadcast_in_dim3A_351 : vector<16xi1>, vector<16xi32>
        %min3A_353 = arith.minsi %min3A_341, %select_n3A_352 : vector<16xi32>
        %get3A_354 = arith.index_cast %add3A_280 : i32 to index
        %get3A_355 = arith.constant 96 : index
        %get3A_356 = tpu.vector_load %arg11[%get3A_354, %get3A_355] {strides = array<i32>} : memref<256x128xf32, #tpu.memory_space<vmem>>, vector<16xf32>,
        %eq3A_357 = vector.broadcast %reduce_max3A_252 : f32 to vector<16xf32>
        %eq3A_358 = arith.cmpf oeq, %get3A_356, %eq3A_357 : vector<16xf32>
        %add3A_359 = arith.constant 96 : i32
        %add3A_360 = vector.broadcast %add3A_359 : i32 to vector<16xi32>
        %add3A_361 = arith.addi %iota3A, %add3A_360 : vector<16xi32>
        %jit3A_362 = arith.constant 9999 : i32
        %broadcast_in_dim3A_363 = vector.broadcast %jit3A_362 : i32 to vector<16xi32>
        %select_n3A_364 = arith.select %eq3A_358, %add3A_361, %broadcast_in_dim3A_363 : vector<16xi1>, vector<16xi32>
        %min3A_365 = arith.minsi %min3A_353, %select_n3A_364 : vector<16xi32>
        %get3A_366 = arith.index_cast %add3A_280 : i32 to index
        %get3A_367 = arith.constant 112 : index
        %get3A_368 = tpu.vector_load %arg11[%get3A_366, %get3A_367] {strides = array<i32>} : memref<256x128xf32, #tpu.memory_space<vmem>>, vector<16xf32>,
        %eq3A_369 = vector.broadcast %reduce_max3A_252 : f32 to vector<16xf32>
        %eq3A_370 = arith.cmpf oeq, %get3A_368, %eq3A_369 : vector<16xf32>
        %add3A_371 = arith.constant 112 : i32
        %add3A_372 = vector.broadcast %add3A_371 : i32 to vector<16xi32>
        %add3A_373 = arith.addi %iota3A, %add3A_372 : vector<16xi32>
        %jit3A_374 = arith.constant 9999 : i32
        %broadcast_in_dim3A_375 = vector.broadcast %jit3A_374 : i32 to vector<16xi32>
        %select_n3A_376 = arith.select %eq3A_370, %add3A_373, %broadcast_in_dim3A_375 : vector<16xi1>, vector<16xi32>
        %min3A_377 = arith.minsi %min3A_365, %select_n3A_376 : vector<16xi32>
        %reduce_min3A_378 = arith.constant true
        %reduce_min3A_379 = vector.broadcast %reduce_min3A_378 : i1 to vector<16xi1>
        %reduce_min3A_380 = arith.constant -2147483648 : i32
        %reduce_min3A_381 = vector.broadcast %reduce_min3A_380 : i32 to vector<16xi32>
        %reduce_min3A_382 = arith.xori %min3A_377, %reduce_min3A_381 : vector<16xi32>
        %reduce_min3A_383 = tpu.scan <min>, %reduce_min3A_382 masked %reduce_min3A_379 : vector<16xi32>, vector<16xi1> -> vector<16xi32>
        %reduce_min3A_384 = arith.xori %reduce_min3A_383, %reduce_min3A_381 : vector<16xi32>
        %reduce_min3A_385 = vector.extract %reduce_min3A_384[15] : i32 from vector<16xi32>
        %min3A_386 = arith.constant 127 : i32
        %min3A_387 = arith.minsi %reduce_min3A_385, %min3A_386 : i32
        %jit3A_388 = arith.constant 16 : i32
        %div3A = arith.divsi %add3A_280, %jit3A_388 : i32
        %sign3A = arith.constant 0 : i32
        %sign3A_389 = arith.cmpi sgt, %add3A_280, %sign3A : i32
        %sign3A_390 = arith.extui %sign3A_389 : i1 to i32
        %sign3A_391 = arith.constant 0 : i32
        %sign3A_392 = arith.cmpi slt, %add3A_280, %sign3A_391 : i32
        %sign3A_393 = arith.extui %sign3A_392 : i1 to i32
        %sign3A_394 = arith.subi %sign3A_390, %sign3A_393 : i32
        %sign3A_395 = arith.constant 0 : i32
        %sign3A_396 = arith.cmpi sgt, %jit3A_388, %sign3A_395 : i32
        %sign3A_397 = arith.extui %sign3A_396 : i1 to i32
        %sign3A_398 = arith.constant 0 : i32
        %sign3A_399 = arith.cmpi slt, %jit3A_388, %sign3A_398 : i32
        %sign3A_400 = arith.extui %sign3A_399 : i1 to i32
        %sign3A_401 = arith.subi %sign3A_397, %sign3A_400 : i32
        %ne3A = arith.cmpi ne, %sign3A_394, %sign3A_401 : i32
        %rem3A = arith.remsi %add3A_280, %jit3A_388 : i32
        %ne3A_402 = arith.constant 0 : i32
        %ne3A_403 = arith.cmpi ne, %rem3A, %ne3A_402 : i32
        %and3A = arith.andi %ne3A, %ne3A_403 : i1
        %sub3A = arith.constant 1 : i32
        %sub3A_404 = arith.subi %div3A, %sub3A : i32
        %select_n3A_405 = arith.select %and3A, %sub3A_404, %div3A : i32
        %mul3A_406 = arith.constant 16 : i32
        %mul3A_407 = arith.muli %select_n3A_405, %mul3A_406 : i32
        %get3A_408 = arith.index_cast %mul3A_407 : i32 to index
        %get3A_409 = tpu.vector_load %arg9[%get3A_408] {strides = array<i32>} : memref<256xi32, #tpu.memory_space<vmem>>, vector<16xi32>,
        %jit3A_410 = arith.constant 16 : i32
        %eq3A_411 = arith.constant 0 : i32
        %eq3A_412 = arith.cmpi eq, %jit3A_410, %eq3A_411 : i32
        %jit3A_413 = arith.constant 1 : i32
        %select_n3A_414 = arith.select %eq3A_412, %jit3A_413, %jit3A_410 : i32
        %rem3A_415 = arith.remsi %add3A_280, %select_n3A_414 : i32
        %ne3A_416 = arith.constant 0 : i32
        %ne3A_417 = arith.cmpi ne, %rem3A_415, %ne3A_416 : i32
        %lt3A_418 = arith.constant 0 : i32
        %lt3A_419 = arith.cmpi slt, %rem3A_415, %lt3A_418 : i32
        %lt3A_420 = arith.constant 0 : i32
        %lt3A_421 = arith.cmpi slt, %select_n3A_414, %lt3A_420 : i32
        %ne3A_422 = arith.xori %lt3A_419, %lt3A_421 : i1
        %and3A_423 = arith.andi %ne3A_422, %ne3A_417 : i1
        %add3A_424 = arith.addi %rem3A_415, %select_n3A_414 : i32
        %select_n3A_425 = arith.select %and3A_423, %add3A_424, %rem3A_415 : i32
        %eq3A_426 = vector.broadcast %select_n3A_425 : i32 to vector<16xi32>
        %eq3A_427 = arith.cmpi eq, %iota3A, %eq3A_426 : vector<16xi32>
        %jit3A_428 = arith.constant 0 : i32
        %broadcast_in_dim3A_429 = vector.broadcast %jit3A_428 : i32 to vector<16xi32>
        %select_n3A_430 = arith.select %eq3A_427, %get3A_409, %broadcast_in_dim3A_429 : vector<16xi1>, vector<16xi32>
        %reduce_max3A_431 = arith.constant true
        %reduce_max3A_432 = vector.broadcast %reduce_max3A_431 : i1 to vector<16xi1>
        %reduce_max3A_433 = arith.constant -2147483648 : i32
        %reduce_max3A_434 = vector.broadcast %reduce_max3A_433 : i32 to vector<16xi32>
        %reduce_max3A_435 = arith.xori %select_n3A_430, %reduce_max3A_434 : vector<16xi32>
        %reduce_max3A_436 = tpu.scan <max>, %reduce_max3A_435 masked %reduce_max3A_432 : vector<16xi32>, vector<16xi1> -> vector<16xi32>
        %reduce_max3A_437 = arith.xori %reduce_max3A_436, %reduce_max3A_434 : vector<16xi32>
        %reduce_max3A_438 = vector.extract %reduce_max3A_437[15] : i32 from vector<16xi32>
        %mul3A_439 = arith.constant 128 : i32
        %mul3A_440 = arith.muli %reduce_max3A_438, %mul3A_439 : i32
        %add3A_441 = arith.addi %mul3A_440, %min3A_387 : i32
        %jit3A_442 = arith.constant 16 : i32
        %div3A_443 = arith.divsi %scan3A_248, %jit3A_442 : i32
        %sign3A_444 = arith.constant 0 : i32
        %sign3A_445 = arith.cmpi sgt, %scan3A_248, %sign3A_444 : i32
        %sign3A_446 = arith.extui %sign3A_445 : i1 to i32
        %sign3A_447 = arith.constant 0 : i32
        %sign3A_448 = arith.cmpi slt, %scan3A_248, %sign3A_447 : i32
        %sign3A_449 = arith.extui %sign3A_448 : i1 to i32
        %sign3A_450 = arith.subi %sign3A_446, %sign3A_449 : i32
        %sign3A_451 = arith.constant 0 : i32
        %sign3A_452 = arith.cmpi sgt, %jit3A_442, %sign3A_451 : i32
        %sign3A_453 = arith.extui %sign3A_452 : i1 to i32
        %sign3A_454 = arith.constant 0 : i32
        %sign3A_455 = arith.cmpi slt, %jit3A_442, %sign3A_454 : i32
        %sign3A_456 = arith.extui %sign3A_455 : i1 to i32
        %sign3A_457 = arith.subi %sign3A_453, %sign3A_456 : i32
        %ne3A_458 = arith.cmpi ne, %sign3A_450, %sign3A_457 : i32
        %rem3A_459 = arith.remsi %scan3A_248, %jit3A_442 : i32
        %ne3A_460 = arith.constant 0 : i32
        %ne3A_461 = arith.cmpi ne, %rem3A_459, %ne3A_460 : i32
        %and3A_462 = arith.andi %ne3A_458, %ne3A_461 : i1
        %sub3A_463 = arith.constant 1 : i32
        %sub3A_464 = arith.subi %div3A_443, %sub3A_463 : i32
        %select_n3A_465 = arith.select %and3A_462, %sub3A_464, %div3A_443 : i32
        %mul3A_466 = arith.constant 16 : i32
        %mul3A_467 = arith.muli %select_n3A_465, %mul3A_466 : i32
        %jit3A_468 = arith.constant 16 : i32
        %eq3A_469 = arith.constant 0 : i32
        %eq3A_470 = arith.cmpi eq, %jit3A_468, %eq3A_469 : i32
        %jit3A_471 = arith.constant 1 : i32
        %select_n3A_472 = arith.select %eq3A_470, %jit3A_471, %jit3A_468 : i32
        %rem3A_473 = arith.remsi %scan3A_248, %select_n3A_472 : i32
        %ne3A_474 = arith.constant 0 : i32
        %ne3A_475 = arith.cmpi ne, %rem3A_473, %ne3A_474 : i32
        %lt3A_476 = arith.constant 0 : i32
        %lt3A_477 = arith.cmpi slt, %rem3A_473, %lt3A_476 : i32
        %lt3A_478 = arith.constant 0 : i32
        %lt3A_479 = arith.cmpi slt, %select_n3A_472, %lt3A_478 : i32
        %ne3A_480 = arith.xori %lt3A_477, %lt3A_479 : i1
        %and3A_481 = arith.andi %ne3A_480, %ne3A_475 : i1
        %add3A_482 = arith.addi %rem3A_473, %select_n3A_472 : i32
        %select_n3A_483 = arith.select %and3A_481, %add3A_482, %rem3A_473 : i32
        %eq3A_484 = vector.broadcast %select_n3A_483 : i32 to vector<16xi32>
        %eq3A_485 = arith.cmpi eq, %iota3A, %eq3A_484 : vector<16xi32>
        %get3A_486 = arith.index_cast %mul3A_467 : i32 to index
        %get3A_487 = tpu.vector_load %arg12[%get3A_486] {strides = array<i32>} : memref<128xf32, #tpu.memory_space<vmem>>, vector<16xf32>,
        %broadcast_in_dim3A_488 = vector.broadcast %reduce_max3A_252 : f32 to vector<16xf32>
        %select_n3A_489 = arith.select %eq3A_485, %broadcast_in_dim3A_488, %get3A_487 : vector<16xi1>, vector<16xf32>
        %swap3A = arith.index_cast %mul3A_467 : i32 to index
        %swap3A_490 = tpu.vector_load %arg12[%swap3A] {strides = array<i32>} : memref<128xf32, #tpu.memory_space<vmem>>, vector<16xf32>,
        tpu.vector_store %arg12[%swap3A], %select_n3A_489 {strides = array<i32>} : memref<128xf32, #tpu.memory_space<vmem>>, vector<16xf32>,
        %eq3A_491 = vector.broadcast %select_n3A_483 : i32 to vector<16xi32>
        %eq3A_492 = arith.cmpi eq, %iota3A, %eq3A_491 : vector<16xi32>
        %get3A_493 = arith.index_cast %mul3A_467 : i32 to index
        %get3A_494 = tpu.vector_load %arg13[%get3A_493] {strides = array<i32>} : memref<128xi32, #tpu.memory_space<vmem>>, vector<16xi32>,
        %broadcast_in_dim3A_495 = vector.broadcast %add3A_441 : i32 to vector<16xi32>
        %select_n3A_496 = arith.select %eq3A_492, %broadcast_in_dim3A_495, %get3A_494 : vector<16xi1>, vector<16xi32>
        %swap3A_497 = arith.index_cast %mul3A_467 : i32 to index
        %swap3A_498 = tpu.vector_load %arg13[%swap3A_497] {strides = array<i32>} : memref<128xi32, #tpu.memory_space<vmem>>, vector<16xi32>,
        tpu.vector_store %arg13[%swap3A_497], %select_n3A_496 {strides = array<i32>} : memref<128xi32, #tpu.memory_space<vmem>>, vector<16xi32>,
        %jit3A_499 = arith.constant 16 : i32
        %div3A_500 = arith.divsi %min3A_387, %jit3A_499 : i32
        %sign3A_501 = arith.constant 0 : i32
        %sign3A_502 = arith.cmpi sgt, %min3A_387, %sign3A_501 : i32
        %sign3A_503 = arith.extui %sign3A_502 : i1 to i32
        %sign3A_504 = arith.constant 0 : i32
        %sign3A_505 = arith.cmpi slt, %min3A_387, %sign3A_504 : i32
        %sign3A_506 = arith.extui %sign3A_505 : i1 to i32
        %sign3A_507 = arith.subi %sign3A_503, %sign3A_506 : i32
        %sign3A_508 = arith.constant 0 : i32
        %sign3A_509 = arith.cmpi sgt, %jit3A_499, %sign3A_508 : i32
        %sign3A_510 = arith.extui %sign3A_509 : i1 to i32
        %sign3A_511 = arith.constant 0 : i32
        %sign3A_512 = arith.cmpi slt, %jit3A_499, %sign3A_511 : i32
        %sign3A_513 = arith.extui %sign3A_512 : i1 to i32
        %sign3A_514 = arith.subi %sign3A_510, %sign3A_513 : i32
        %ne3A_515 = arith.cmpi ne, %sign3A_507, %sign3A_514 : i32
        %rem3A_516 = arith.remsi %min3A_387, %jit3A_499 : i32
        %ne3A_517 = arith.constant 0 : i32
        %ne3A_518 = arith.cmpi ne, %rem3A_516, %ne3A_517 : i32
        %and3A_519 = arith.andi %ne3A_515, %ne3A_518 : i1
        %sub3A_520 = arith.constant 1 : i32
        %sub3A_521 = arith.subi %div3A_500, %sub3A_520 : i32
        %select_n3A_522 = arith.select %and3A_519, %sub3A_521, %div3A_500 : i32
        %jit3A_523 = arith.constant 16 : i32
        %eq3A_524 = arith.constant 0 : i32
        %eq3A_525 = arith.cmpi eq, %jit3A_523, %eq3A_524 : i32
        %jit3A_526 = arith.constant 1 : i32
        %select_n3A_527 = arith.select %eq3A_525, %jit3A_526, %jit3A_523 : i32
        %rem3A_528 = arith.remsi %min3A_387, %select_n3A_527 : i32
        %ne3A_529 = arith.constant 0 : i32
        %ne3A_530 = arith.cmpi ne, %rem3A_528, %ne3A_529 : i32
        %lt3A_531 = arith.constant 0 : i32
        %lt3A_532 = arith.cmpi slt, %rem3A_528, %lt3A_531 : i32
        %lt3A_533 = arith.constant 0 : i32
        %lt3A_534 = arith.cmpi slt, %select_n3A_527, %lt3A_533 : i32
        %ne3A_535 = arith.xori %lt3A_532, %lt3A_534 : i1
        %and3A_536 = arith.andi %ne3A_535, %ne3A_530 : i1
        %add3A_537 = arith.addi %rem3A_528, %select_n3A_527 : i32
        %select_n3A_538 = arith.select %and3A_536, %add3A_537, %rem3A_528 : i32
        %get3A_539 = arith.index_cast %add3A_280 : i32 to index
        %get3A_540 = arith.constant 0 : index
        %get3A_541 = tpu.vector_load %arg11[%get3A_539, %get3A_540] {strides = array<i32>} : memref<256x128xf32, #tpu.memory_space<vmem>>, vector<16xf32>,
        %eq3A_542 = arith.constant 0 : i32
        %eq3A_543 = arith.cmpi eq, %select_n3A_522, %eq3A_542 : i32
        %eq3A_544 = vector.broadcast %select_n3A_538 : i32 to vector<16xi32>
        %eq3A_545 = arith.cmpi eq, %iota3A, %eq3A_544 : vector<16xi32>
        %and3A_546 = vector.broadcast %eq3A_543 : i1 to vector<16xi1>
        %and3A_547 = arith.andi %and3A_546, %eq3A_545 : vector<16xi1>
        %jit3A_548 = arith.constant -1.000000e+00 : f32
        %broadcast_in_dim3A_549 = vector.broadcast %jit3A_548 : f32 to vector<16xf32>
        %select_n3A_550 = arith.select %and3A_547, %broadcast_in_dim3A_549, %get3A_541 : vector<16xi1>, vector<16xf32>
        %max3A = arith.maximumf %broadcast_in_dim3A_7, %select_n3A_550 : vector<16xf32>
        %get3A_551 = arith.index_cast %add3A_280 : i32 to index
        %get3A_552 = arith.constant 16 : index
        %get3A_553 = tpu.vector_load %arg11[%get3A_551, %get3A_552] {strides = array<i32>} : memref<256x128xf32, #tpu.memory_space<vmem>>, vector<16xf32>,
        %eq3A_554 = arith.constant 1 : i32
        %eq3A_555 = arith.cmpi eq, %select_n3A_522, %eq3A_554 : i32
        %eq3A_556 = vector.broadcast %select_n3A_538 : i32 to vector<16xi32>
        %eq3A_557 = arith.cmpi eq, %iota3A, %eq3A_556 : vector<16xi32>
        %and3A_558 = vector.broadcast %eq3A_555 : i1 to vector<16xi1>
        %and3A_559 = arith.andi %and3A_558, %eq3A_557 : vector<16xi1>
        %jit3A_560 = arith.constant -1.000000e+00 : f32
        %broadcast_in_dim3A_561 = vector.broadcast %jit3A_560 : f32 to vector<16xf32>
        %select_n3A_562 = arith.select %and3A_559, %broadcast_in_dim3A_561, %get3A_553 : vector<16xi1>, vector<16xf32>
        %max3A_563 = arith.maximumf %max3A, %select_n3A_562 : vector<16xf32>
        %get3A_564 = arith.index_cast %add3A_280 : i32 to index
        %get3A_565 = arith.constant 32 : index
        %get3A_566 = tpu.vector_load %arg11[%get3A_564, %get3A_565] {strides = array<i32>} : memref<256x128xf32, #tpu.memory_space<vmem>>, vector<16xf32>,
        %eq3A_567 = arith.constant 2 : i32
        %eq3A_568 = arith.cmpi eq, %select_n3A_522, %eq3A_567 : i32
        %eq3A_569 = vector.broadcast %select_n3A_538 : i32 to vector<16xi32>
        %eq3A_570 = arith.cmpi eq, %iota3A, %eq3A_569 : vector<16xi32>
        %and3A_571 = vector.broadcast %eq3A_568 : i1 to vector<16xi1>
        %and3A_572 = arith.andi %and3A_571, %eq3A_570 : vector<16xi1>
        %jit3A_573 = arith.constant -1.000000e+00 : f32
        %broadcast_in_dim3A_574 = vector.broadcast %jit3A_573 : f32 to vector<16xf32>
        %select_n3A_575 = arith.select %and3A_572, %broadcast_in_dim3A_574, %get3A_566 : vector<16xi1>, vector<16xf32>
        %max3A_576 = arith.maximumf %max3A_563, %select_n3A_575 : vector<16xf32>
        %get3A_577 = arith.index_cast %add3A_280 : i32 to index
        %get3A_578 = arith.constant 48 : index
        %get3A_579 = tpu.vector_load %arg11[%get3A_577, %get3A_578] {strides = array<i32>} : memref<256x128xf32, #tpu.memory_space<vmem>>, vector<16xf32>,
        %eq3A_580 = arith.constant 3 : i32
        %eq3A_581 = arith.cmpi eq, %select_n3A_522, %eq3A_580 : i32
        %eq3A_582 = vector.broadcast %select_n3A_538 : i32 to vector<16xi32>
        %eq3A_583 = arith.cmpi eq, %iota3A, %eq3A_582 : vector<16xi32>
        %and3A_584 = vector.broadcast %eq3A_581 : i1 to vector<16xi1>
        %and3A_585 = arith.andi %and3A_584, %eq3A_583 : vector<16xi1>
        %jit3A_586 = arith.constant -1.000000e+00 : f32
        %broadcast_in_dim3A_587 = vector.broadcast %jit3A_586 : f32 to vector<16xf32>
        %select_n3A_588 = arith.select %and3A_585, %broadcast_in_dim3A_587, %get3A_579 : vector<16xi1>, vector<16xf32>
        %max3A_589 = arith.maximumf %max3A_576, %select_n3A_588 : vector<16xf32>
        %get3A_590 = arith.index_cast %add3A_280 : i32 to index
        %get3A_591 = arith.constant 64 : index
        %get3A_592 = tpu.vector_load %arg11[%get3A_590, %get3A_591] {strides = array<i32>} : memref<256x128xf32, #tpu.memory_space<vmem>>, vector<16xf32>,
        %eq3A_593 = arith.constant 4 : i32
        %eq3A_594 = arith.cmpi eq, %select_n3A_522, %eq3A_593 : i32
        %eq3A_595 = vector.broadcast %select_n3A_538 : i32 to vector<16xi32>
        %eq3A_596 = arith.cmpi eq, %iota3A, %eq3A_595 : vector<16xi32>
        %and3A_597 = vector.broadcast %eq3A_594 : i1 to vector<16xi1>
        %and3A_598 = arith.andi %and3A_597, %eq3A_596 : vector<16xi1>
        %jit3A_599 = arith.constant -1.000000e+00 : f32
        %broadcast_in_dim3A_600 = vector.broadcast %jit3A_599 : f32 to vector<16xf32>
        %select_n3A_601 = arith.select %and3A_598, %broadcast_in_dim3A_600, %get3A_592 : vector<16xi1>, vector<16xf32>
        %max3A_602 = arith.maximumf %max3A_589, %select_n3A_601 : vector<16xf32>
        %get3A_603 = arith.index_cast %add3A_280 : i32 to index
        %get3A_604 = arith.constant 80 : index
        %get3A_605 = tpu.vector_load %arg11[%get3A_603, %get3A_604] {strides = array<i32>} : memref<256x128xf32, #tpu.memory_space<vmem>>, vector<16xf32>,
        %eq3A_606 = arith.constant 5 : i32
        %eq3A_607 = arith.cmpi eq, %select_n3A_522, %eq3A_606 : i32
        %eq3A_608 = vector.broadcast %select_n3A_538 : i32 to vector<16xi32>
        %eq3A_609 = arith.cmpi eq, %iota3A, %eq3A_608 : vector<16xi32>
        %and3A_610 = vector.broadcast %eq3A_607 : i1 to vector<16xi1>
        %and3A_611 = arith.andi %and3A_610, %eq3A_609 : vector<16xi1>
        %jit3A_612 = arith.constant -1.000000e+00 : f32
        %broadcast_in_dim3A_613 = vector.broadcast %jit3A_612 : f32 to vector<16xf32>
        %select_n3A_614 = arith.select %and3A_611, %broadcast_in_dim3A_613, %get3A_605 : vector<16xi1>, vector<16xf32>
        %max3A_615 = arith.maximumf %max3A_602, %select_n3A_614 : vector<16xf32>
        %get3A_616 = arith.index_cast %add3A_280 : i32 to index
        %get3A_617 = arith.constant 96 : index
        %get3A_618 = tpu.vector_load %arg11[%get3A_616, %get3A_617] {strides = array<i32>} : memref<256x128xf32, #tpu.memory_space<vmem>>, vector<16xf32>,
        %eq3A_619 = arith.constant 6 : i32
        %eq3A_620 = arith.cmpi eq, %select_n3A_522, %eq3A_619 : i32
        %eq3A_621 = vector.broadcast %select_n3A_538 : i32 to vector<16xi32>
        %eq3A_622 = arith.cmpi eq, %iota3A, %eq3A_621 : vector<16xi32>
        %and3A_623 = vector.broadcast %eq3A_620 : i1 to vector<16xi1>
        %and3A_624 = arith.andi %and3A_623, %eq3A_622 : vector<16xi1>
        %jit3A_625 = arith.constant -1.000000e+00 : f32
        %broadcast_in_dim3A_626 = vector.broadcast %jit3A_625 : f32 to vector<16xf32>
        %select_n3A_627 = arith.select %and3A_624, %broadcast_in_dim3A_626, %get3A_618 : vector<16xi1>, vector<16xf32>
        %max3A_628 = arith.maximumf %max3A_615, %select_n3A_627 : vector<16xf32>
        %get3A_629 = arith.index_cast %add3A_280 : i32 to index
        %get3A_630 = arith.constant 112 : index
        %get3A_631 = tpu.vector_load %arg11[%get3A_629, %get3A_630] {strides = array<i32>} : memref<256x128xf32, #tpu.memory_space<vmem>>, vector<16xf32>,
        %eq3A_632 = arith.constant 7 : i32
        %eq3A_633 = arith.cmpi eq, %select_n3A_522, %eq3A_632 : i32
        %eq3A_634 = vector.broadcast %select_n3A_538 : i32 to vector<16xi32>
        %eq3A_635 = arith.cmpi eq, %iota3A, %eq3A_634 : vector<16xi32>
        %and3A_636 = vector.broadcast %eq3A_633 : i1 to vector<16xi1>
        %and3A_637 = arith.andi %and3A_636, %eq3A_635 : vector<16xi1>
        %jit3A_638 = arith.constant -1.000000e+00 : f32
        %broadcast_in_dim3A_639 = vector.broadcast %jit3A_638 : f32 to vector<16xf32>
        %select_n3A_640 = arith.select %and3A_637, %broadcast_in_dim3A_639, %get3A_631 : vector<16xi1>, vector<16xf32>
        %max3A_641 = arith.maximumf %max3A_628, %select_n3A_640 : vector<16xf32>
        %reduce_max3A_642 = arith.constant true
        %reduce_max3A_643 = vector.broadcast %reduce_max3A_642 : i1 to vector<16xi1>
        %reduce_max3A_644 = tpu.scan <max>, %max3A_641 masked %reduce_max3A_643 : vector<16xf32>, vector<16xi1> -> vector<16xf32>
        %reduce_max3A_645 = vector.extract %reduce_max3A_644[15] : f32 from vector<16xf32>
        %eq3A_646 = vector.broadcast %select_n3A_538 : i32 to vector<16xi32>
        %eq3A_647 = arith.cmpi eq, %iota3A, %eq3A_646 : vector<16xi32>
        %mul3A_648 = arith.constant 16 : i32
        %mul3A_649 = arith.muli %select_n3A_522, %mul3A_648 : i32
        %get3A_650 = arith.index_cast %add3A_280 : i32 to index
        %get3A_651 = arith.index_cast %mul3A_649 : i32 to index
        %get3A_652 = tpu.vector_load %arg11[%get3A_650, %get3A_651] {strides = array<i32>} : memref<256x128xf32, #tpu.memory_space<vmem>>, vector<16xf32>,
        %jit3A_653 = arith.constant -1.000000e+00 : f32
        %broadcast_in_dim3A_654 = vector.broadcast %jit3A_653 : f32 to vector<16xf32>
        %select_n3A_655 = arith.select %eq3A_647, %broadcast_in_dim3A_654, %get3A_652 : vector<16xi1>, vector<16xf32>
        %mul3A_656 = arith.constant 16 : i32
        %mul3A_657 = arith.muli %select_n3A_522, %mul3A_656 : i32
        %swap3A_658 = arith.index_cast %add3A_280 : i32 to index
        %swap3A_659 = arith.index_cast %mul3A_657 : i32 to index
        %swap3A_660 = tpu.vector_load %arg11[%swap3A_658, %swap3A_659] {strides = array<i32>} : memref<256x128xf32, #tpu.memory_space<vmem>>, vector<16xf32>,
        tpu.vector_store %arg11[%swap3A_658, %swap3A_659], %select_n3A_655 {strides = array<i32>} : memref<256x128xf32, #tpu.memory_space<vmem>>, vector<16xf32>,
        %eq3A_661 = vector.broadcast %reduce_min3A_277 : i32 to vector<16xi32>
        %eq3A_662 = arith.cmpi eq, %iota3A, %eq3A_661 : vector<16xi32>
        %broadcast_in_dim3A_663 = vector.broadcast %reduce_max3A_645 : f32 to vector<16xf32>
        %select_n3A_664 = arith.select %eq3A_662, %broadcast_in_dim3A_663, %get3A_264 : vector<16xi1>, vector<16xf32>
        %mul3A_665 = arith.constant 16 : i32
        %mul3A_666 = arith.muli %reduce_min3A_261, %mul3A_665 : i32
        %swap3A_667 = arith.index_cast %mul3A_666 : i32 to index
        %swap3A_668 = tpu.vector_load %arg10[%swap3A_667] {strides = array<i32>} : memref<256xf32, #tpu.memory_space<vmem>>, vector<16xf32>,
        tpu.vector_store %arg10[%swap3A_667], %select_n3A_664 {strides = array<i32>} : memref<256xf32, #tpu.memory_space<vmem>>, vector<16xf32>,
        %eq3A_669 = vector.broadcast %reduce_min3A_261 : i32 to vector<16xi32>
        %eq3A_670 = arith.cmpi eq, %iota3A, %eq3A_669 : vector<16xi32>
        %reduce_max3A_671 = arith.constant true
        %reduce_max3A_672 = vector.broadcast %reduce_max3A_671 : i1 to vector<16xi1>
        %reduce_max3A_673 = tpu.scan <max>, %select_n3A_664 masked %reduce_max3A_672 : vector<16xf32>, vector<16xi1> -> vector<16xf32>
        %reduce_max3A_674 = vector.extract %reduce_max3A_673[15] : f32 from vector<16xf32>
        %broadcast_in_dim3A_675 = vector.broadcast %reduce_max3A_674 : f32 to vector<16xf32>
        %select_n3A_676 = arith.select %eq3A_670, %broadcast_in_dim3A_675, %scan3A_249 : vector<16xi1>, vector<16xf32>
        scf.yield %select_n3A_676 : vector<16xf32>
      }
      %scan3A_78 = arith.constant 100 : i32
      %mul3A_79 = arith.constant 983040 : i32
      %mul3A_80 = arith.muli %add3A, %mul3A_79 : i32
      %scan3A_81 = arith.constant 0 : i32
      %scan3A_82 = arith.constant 0 : i32
      %scan3A_83 = arith.constant 64 : i32
      %scan3A_84 = arith.addi %scan3A_82, %scan3A_83 : i32
      %scan3A_85 = arith.constant 1 : i32
      %scan3A_86 = scf.for %scan3A_248 = %scan3A_82 to %scan3A_84 step %scan3A_85 iter_args(%scan3A_249 = %scan3A_81) -> (i32)  : i32 {
        %jit3A = arith.constant 8 : i32
        %div3A = arith.divsi %scan3A_248, %jit3A : i32
        %sign3A = arith.constant 0 : i32
        %sign3A_250 = arith.cmpi sgt, %scan3A_248, %sign3A : i32
        %sign3A_251 = arith.extui %sign3A_250 : i1 to i32
        %sign3A_252 = arith.constant 0 : i32
        %sign3A_253 = arith.cmpi slt, %scan3A_248, %sign3A_252 : i32
        %sign3A_254 = arith.extui %sign3A_253 : i1 to i32
        %sign3A_255 = arith.subi %sign3A_251, %sign3A_254 : i32
        %sign3A_256 = arith.constant 0 : i32
        %sign3A_257 = arith.cmpi sgt, %jit3A, %sign3A_256 : i32
        %sign3A_258 = arith.extui %sign3A_257 : i1 to i32
        %sign3A_259 = arith.constant 0 : i32
        %sign3A_260 = arith.cmpi slt, %jit3A, %sign3A_259 : i32
        %sign3A_261 = arith.extui %sign3A_260 : i1 to i32
        %sign3A_262 = arith.subi %sign3A_258, %sign3A_261 : i32
        %ne3A = arith.cmpi ne, %sign3A_255, %sign3A_262 : i32
        %rem3A = arith.remsi %scan3A_248, %jit3A : i32
        %ne3A_263 = arith.constant 0 : i32
        %ne3A_264 = arith.cmpi ne, %rem3A, %ne3A_263 : i32
        %and3A = arith.andi %ne3A, %ne3A_264 : i1
        %sub3A = arith.constant 1 : i32
        %sub3A_265 = arith.subi %div3A, %sub3A : i32
        %select_n3A = arith.select %and3A, %sub3A_265, %div3A : i32
        %jit3A_266 = arith.constant 8 : i32
        %eq3A = arith.constant 0 : i32
        %eq3A_267 = arith.cmpi eq, %jit3A_266, %eq3A : i32
        %jit3A_268 = arith.constant 1 : i32
        %select_n3A_269 = arith.select %eq3A_267, %jit3A_268, %jit3A_266 : i32
        %rem3A_270 = arith.remsi %scan3A_248, %select_n3A_269 : i32
        %ne3A_271 = arith.constant 0 : i32
        %ne3A_272 = arith.cmpi ne, %rem3A_270, %ne3A_271 : i32
        %lt3A_273 = arith.constant 0 : i32
        %lt3A_274 = arith.cmpi slt, %rem3A_270, %lt3A_273 : i32
        %lt3A_275 = arith.constant 0 : i32
        %lt3A_276 = arith.cmpi slt, %select_n3A_269, %lt3A_275 : i32
        %ne3A_277 = arith.xori %lt3A_274, %lt3A_276 : i1
        %and3A_278 = arith.andi %ne3A_277, %ne3A_272 : i1
        %add3A_279 = arith.addi %rem3A_270, %select_n3A_269 : i32
        %select_n3A_280 = arith.select %and3A_278, %add3A_279, %rem3A_270 : i32
        %mul3A_281 = arith.constant 16 : i32
        %mul3A_282 = arith.muli %select_n3A_280, %mul3A_281 : i32
        %get3A = arith.index_cast %mul3A_282 : i32 to index
        %get3A_283 = tpu.vector_load %arg13[%get3A] {strides = array<i32>} : memref<128xi32, #tpu.memory_space<vmem>>, vector<16xi32>,
        %jit3A_284 = arith.constant 122880 : i32
        %eq3A_285 = arith.constant 0 : i32
        %eq3A_286 = arith.cmpi eq, %jit3A_284, %eq3A_285 : i32
        %jit3A_287 = arith.constant 1 : i32
        %select_n3A_288 = arith.select %eq3A_286, %jit3A_287, %jit3A_284 : i32
        %rem3A_289 = vector.broadcast %select_n3A_288 : i32 to vector<16xi32>
        %rem3A_290 = arith.remsi %get3A_283, %rem3A_289 : vector<16xi32>
        %ne3A_291 = arith.constant 0 : i32
        %ne3A_292 = vector.broadcast %ne3A_291 : i32 to vector<16xi32>
        %ne3A_293 = arith.cmpi ne, %rem3A_290, %ne3A_292 : vector<16xi32>
        %lt3A_294 = arith.constant 0 : i32
        %lt3A_295 = vector.broadcast %lt3A_294 : i32 to vector<16xi32>
        %lt3A_296 = arith.cmpi slt, %rem3A_290, %lt3A_295 : vector<16xi32>
        %lt3A_297 = arith.constant 0 : i32
        %lt3A_298 = arith.cmpi slt, %select_n3A_288, %lt3A_297 : i32
        %ne3A_299 = vector.broadcast %lt3A_298 : i1 to vector<16xi1>
        %ne3A_300 = vector.broadcast %ne3A_299 : vector<16xi1> to vector<16xi1>
        %ne3A_301 = arith.xori %lt3A_296, %ne3A_300 : vector<16xi1>
        %and3A_302 = arith.andi %ne3A_301, %ne3A_293 : vector<16xi1>
        %add3A_303 = vector.broadcast %select_n3A_288 : i32 to vector<16xi32>
        %add3A_304 = arith.addi %rem3A_290, %add3A_303 : vector<16xi32>
        %select_n3A_305 = arith.select %and3A_302, %add3A_304, %rem3A_290 : vector<16xi1>, vector<16xi32>
        %mul3A_306 = arith.constant 122880 : i32
        %mul3A_307 = arith.muli %select_n3A, %mul3A_306 : i32
        %add3A_308 = arith.addi %mul3A_80, %mul3A_307 : i32
        %add3A_309 = vector.broadcast %add3A_308 : i32 to vector<16xi32>
        %add3A_310 = arith.addi %select_n3A_305, %add3A_309 : vector<16xi32>
        %mul3A_311 = arith.constant 16 : i32
        %mul3A_312 = arith.muli %select_n3A_280, %mul3A_311 : i32
        %swap3A = arith.index_cast %select_n3A : i32 to index
        %swap3A_313 = arith.index_cast %mul3A_312 : i32 to index
        %swap3A_314 = tpu.vector_load %arg14[%swap3A, %swap3A_313] {strides = array<i32>} : memref<8x128xi32, #tpu.memory_space<vmem>>, vector<16xi32>,
        tpu.vector_store %arg14[%swap3A, %swap3A_313], %add3A_310 {strides = array<i32>} : memref<8x128xi32, #tpu.memory_space<vmem>>, vector<16xi32>,
        %scan3A_315 = arith.constant 0 : i32
        scf.yield %scan3A_315 : i32
      }
      %scan3A_87 = arith.constant 64 : i32
      %dma_start3A_88 = arith.constant 0 : i32
      %dma_start3A_89 = arith.constant 0 : i32
      %dma_start3A_90 = arith.constant 0 : i32
      %dma_start3A_91 = tpu.memref_slice %arg15[%dma_start3A_89, %dma_start3A_90] : memref<8x128xf32, #tpu.memory_space<vmem>> -> memref<1x128xf32, #tpu.memory_space<vmem>>
      %dma_start3A_92 = tpu.memref_squeeze %dma_start3A_91 : memref<1x128xf32, #tpu.memory_space<vmem>> -> memref<128xf32, #tpu.memory_space<vmem>>
      %dma_start3A_93 = arith.constant 0 : i32
      %dma_start3A_94 = tpu.memref_slice %arg14[%dma_start3A_88, %dma_start3A_93] : memref<8x128xi32, #tpu.memory_space<vmem>> -> memref<1x128xi32, #tpu.memory_space<vmem>>
      %dma_start3A_95 = tpu.memref_squeeze %dma_start3A_94 : memref<1x128xi32, #tpu.memory_space<vmem>> -> memref<128xi32, #tpu.memory_space<vmem>>
      %dma_start3A_96 = arith.constant 0 : i32
      %dma_start3A_97 = tpu.memref_slice %arg4[%dma_start3A_96] : memref<7864320xf32, #tpu.memory_space<hbm>> -> memref<7864320xf32, #tpu.memory_space<hbm>>
      tpu.enqueue_indirect_dma source(%dma_start3A_97 : memref<7864320xf32, #tpu.memory_space<hbm>>) target(%dma_start3A_92 : memref<128xf32, #tpu.memory_space<vmem>>) offsets(%dma_start3A_95 : memref<128xi32, #tpu.memory_space<vmem>>) semaphore(%arg16 : memref<!tpu.dma_semaphore, #tpu.memory_space<semaphore_mem>>)
      %dma_start3A_98 = arith.constant 1 : i32
      %dma_start3A_99 = arith.constant 1 : i32
      %dma_start3A_100 = arith.constant 0 : i32
      %dma_start3A_101 = tpu.memref_slice %arg15[%dma_start3A_99, %dma_start3A_100] : memref<8x128xf32, #tpu.memory_space<vmem>> -> memref<1x128xf32, #tpu.memory_space<vmem>>
      %dma_start3A_102 = tpu.memref_squeeze %dma_start3A_101 : memref<1x128xf32, #tpu.memory_space<vmem>> -> memref<128xf32, #tpu.memory_space<vmem>>
      %dma_start3A_103 = arith.constant 0 : i32
      %dma_start3A_104 = tpu.memref_slice %arg14[%dma_start3A_98, %dma_start3A_103] : memref<8x128xi32, #tpu.memory_space<vmem>> -> memref<1x128xi32, #tpu.memory_space<vmem>>
      %dma_start3A_105 = tpu.memref_squeeze %dma_start3A_104 : memref<1x128xi32, #tpu.memory_space<vmem>> -> memref<128xi32, #tpu.memory_space<vmem>>
      %dma_start3A_106 = arith.constant 0 : i32
      %dma_start3A_107 = tpu.memref_slice %arg4[%dma_start3A_106] : memref<7864320xf32, #tpu.memory_space<hbm>> -> memref<7864320xf32, #tpu.memory_space<hbm>>
      tpu.enqueue_indirect_dma source(%dma_start3A_107 : memref<7864320xf32, #tpu.memory_space<hbm>>) target(%dma_start3A_102 : memref<128xf32, #tpu.memory_space<vmem>>) offsets(%dma_start3A_105 : memref<128xi32, #tpu.memory_space<vmem>>) semaphore(%arg16 : memref<!tpu.dma_semaphore, #tpu.memory_space<semaphore_mem>>)
      %dma_start3A_108 = arith.constant 2 : i32
      %dma_start3A_109 = arith.constant 2 : i32
      %dma_start3A_110 = arith.constant 0 : i32
      %dma_start3A_111 = tpu.memref_slice %arg15[%dma_start3A_109, %dma_start3A_110] : memref<8x128xf32, #tpu.memory_space<vmem>> -> memref<1x128xf32, #tpu.memory_space<vmem>>
      %dma_start3A_112 = tpu.memref_squeeze %dma_start3A_111 : memref<1x128xf32, #tpu.memory_space<vmem>> -> memref<128xf32, #tpu.memory_space<vmem>>
      %dma_start3A_113 = arith.constant 0 : i32
      %dma_start3A_114 = tpu.memref_slice %arg14[%dma_start3A_108, %dma_start3A_113] : memref<8x128xi32, #tpu.memory_space<vmem>> -> memref<1x128xi32, #tpu.memory_space<vmem>>
      %dma_start3A_115 = tpu.memref_squeeze %dma_start3A_114 : memref<1x128xi32, #tpu.memory_space<vmem>> -> memref<128xi32, #tpu.memory_space<vmem>>
      %dma_start3A_116 = arith.constant 0 : i32
      %dma_start3A_117 = tpu.memref_slice %arg4[%dma_start3A_116] : memref<7864320xf32, #tpu.memory_space<hbm>> -> memref<7864320xf32, #tpu.memory_space<hbm>>
      tpu.enqueue_indirect_dma source(%dma_start3A_117 : memref<7864320xf32, #tpu.memory_space<hbm>>) target(%dma_start3A_112 : memref<128xf32, #tpu.memory_space<vmem>>) offsets(%dma_start3A_115 : memref<128xi32, #tpu.memory_space<vmem>>) semaphore(%arg16 : memref<!tpu.dma_semaphore, #tpu.memory_space<semaphore_mem>>)
      %dma_start3A_118 = arith.constant 3 : i32
      %dma_start3A_119 = arith.constant 3 : i32
      %dma_start3A_120 = arith.constant 0 : i32
      %dma_start3A_121 = tpu.memref_slice %arg15[%dma_start3A_119, %dma_start3A_120] : memref<8x128xf32, #tpu.memory_space<vmem>> -> memref<1x128xf32, #tpu.memory_space<vmem>>
      %dma_start3A_122 = tpu.memref_squeeze %dma_start3A_121 : memref<1x128xf32, #tpu.memory_space<vmem>> -> memref<128xf32, #tpu.memory_space<vmem>>
      %dma_start3A_123 = arith.constant 0 : i32
      %dma_start3A_124 = tpu.memref_slice %arg14[%dma_start3A_118, %dma_start3A_123] : memref<8x128xi32, #tpu.memory_space<vmem>> -> memref<1x128xi32, #tpu.memory_space<vmem>>
      %dma_start3A_125 = tpu.memref_squeeze %dma_start3A_124 : memref<1x128xi32, #tpu.memory_space<vmem>> -> memref<128xi32, #tpu.memory_space<vmem>>
      %dma_start3A_126 = arith.constant 0 : i32
      %dma_start3A_127 = tpu.memref_slice %arg4[%dma_start3A_126] : memref<7864320xf32, #tpu.memory_space<hbm>> -> memref<7864320xf32, #tpu.memory_space<hbm>>
      tpu.enqueue_indirect_dma source(%dma_start3A_127 : memref<7864320xf32, #tpu.memory_space<hbm>>) target(%dma_start3A_122 : memref<128xf32, #tpu.memory_space<vmem>>) offsets(%dma_start3A_125 : memref<128xi32, #tpu.memory_space<vmem>>) semaphore(%arg16 : memref<!tpu.dma_semaphore, #tpu.memory_space<semaphore_mem>>)
      %dma_start3A_128 = arith.constant 4 : i32
      %dma_start3A_129 = arith.constant 4 : i32
      %dma_start3A_130 = arith.constant 0 : i32
      %dma_start3A_131 = tpu.memref_slice %arg15[%dma_start3A_129, %dma_start3A_130] : memref<8x128xf32, #tpu.memory_space<vmem>> -> memref<1x128xf32, #tpu.memory_space<vmem>>
      %dma_start3A_132 = tpu.memref_squeeze %dma_start3A_131 : memref<1x128xf32, #tpu.memory_space<vmem>> -> memref<128xf32, #tpu.memory_space<vmem>>
      %dma_start3A_133 = arith.constant 0 : i32
      %dma_start3A_134 = tpu.memref_slice %arg14[%dma_start3A_128, %dma_start3A_133] : memref<8x128xi32, #tpu.memory_space<vmem>> -> memref<1x128xi32, #tpu.memory_space<vmem>>
      %dma_start3A_135 = tpu.memref_squeeze %dma_start3A_134 : memref<1x128xi32, #tpu.memory_space<vmem>> -> memref<128xi32, #tpu.memory_space<vmem>>
      %dma_start3A_136 = arith.constant 0 : i32
      %dma_start3A_137 = tpu.memref_slice %arg4[%dma_start3A_136] : memref<7864320xf32, #tpu.memory_space<hbm>> -> memref<7864320xf32, #tpu.memory_space<hbm>>
      tpu.enqueue_indirect_dma source(%dma_start3A_137 : memref<7864320xf32, #tpu.memory_space<hbm>>) target(%dma_start3A_132 : memref<128xf32, #tpu.memory_space<vmem>>) offsets(%dma_start3A_135 : memref<128xi32, #tpu.memory_space<vmem>>) semaphore(%arg16 : memref<!tpu.dma_semaphore, #tpu.memory_space<semaphore_mem>>)
      %dma_start3A_138 = arith.constant 5 : i32
      %dma_start3A_139 = arith.constant 5 : i32
      %dma_start3A_140 = arith.constant 0 : i32
      %dma_start3A_141 = tpu.memref_slice %arg15[%dma_start3A_139, %dma_start3A_140] : memref<8x128xf32, #tpu.memory_space<vmem>> -> memref<1x128xf32, #tpu.memory_space<vmem>>
      %dma_start3A_142 = tpu.memref_squeeze %dma_start3A_141 : memref<1x128xf32, #tpu.memory_space<vmem>> -> memref<128xf32, #tpu.memory_space<vmem>>
      %dma_start3A_143 = arith.constant 0 : i32
      %dma_start3A_144 = tpu.memref_slice %arg14[%dma_start3A_138, %dma_start3A_143] : memref<8x128xi32, #tpu.memory_space<vmem>> -> memref<1x128xi32, #tpu.memory_space<vmem>>
      %dma_start3A_145 = tpu.memref_squeeze %dma_start3A_144 : memref<1x128xi32, #tpu.memory_space<vmem>> -> memref<128xi32, #tpu.memory_space<vmem>>
      %dma_start3A_146 = arith.constant 0 : i32
      %dma_start3A_147 = tpu.memref_slice %arg4[%dma_start3A_146] : memref<7864320xf32, #tpu.memory_space<hbm>> -> memref<7864320xf32, #tpu.memory_space<hbm>>
      tpu.enqueue_indirect_dma source(%dma_start3A_147 : memref<7864320xf32, #tpu.memory_space<hbm>>) target(%dma_start3A_142 : memref<128xf32, #tpu.memory_space<vmem>>) offsets(%dma_start3A_145 : memref<128xi32, #tpu.memory_space<vmem>>) semaphore(%arg16 : memref<!tpu.dma_semaphore, #tpu.memory_space<semaphore_mem>>)
      %dma_start3A_148 = arith.constant 6 : i32
      %dma_start3A_149 = arith.constant 6 : i32
      %dma_start3A_150 = arith.constant 0 : i32
      %dma_start3A_151 = tpu.memref_slice %arg15[%dma_start3A_149, %dma_start3A_150] : memref<8x128xf32, #tpu.memory_space<vmem>> -> memref<1x128xf32, #tpu.memory_space<vmem>>
      %dma_start3A_152 = tpu.memref_squeeze %dma_start3A_151 : memref<1x128xf32, #tpu.memory_space<vmem>> -> memref<128xf32, #tpu.memory_space<vmem>>
      %dma_start3A_153 = arith.constant 0 : i32
      %dma_start3A_154 = tpu.memref_slice %arg14[%dma_start3A_148, %dma_start3A_153] : memref<8x128xi32, #tpu.memory_space<vmem>> -> memref<1x128xi32, #tpu.memory_space<vmem>>
      %dma_start3A_155 = tpu.memref_squeeze %dma_start3A_154 : memref<1x128xi32, #tpu.memory_space<vmem>> -> memref<128xi32, #tpu.memory_space<vmem>>
      %dma_start3A_156 = arith.constant 0 : i32
      %dma_start3A_157 = tpu.memref_slice %arg4[%dma_start3A_156] : memref<7864320xf32, #tpu.memory_space<hbm>> -> memref<7864320xf32, #tpu.memory_space<hbm>>
      tpu.enqueue_indirect_dma source(%dma_start3A_157 : memref<7864320xf32, #tpu.memory_space<hbm>>) target(%dma_start3A_152 : memref<128xf32, #tpu.memory_space<vmem>>) offsets(%dma_start3A_155 : memref<128xi32, #tpu.memory_space<vmem>>) semaphore(%arg16 : memref<!tpu.dma_semaphore, #tpu.memory_space<semaphore_mem>>)
      %dma_start3A_158 = arith.constant 7 : i32
      %dma_start3A_159 = arith.constant 7 : i32
      %dma_start3A_160 = arith.constant 0 : i32
      %dma_start3A_161 = tpu.memref_slice %arg15[%dma_start3A_159, %dma_start3A_160] : memref<8x128xf32, #tpu.memory_space<vmem>> -> memref<1x128xf32, #tpu.memory_space<vmem>>
      %dma_start3A_162 = tpu.memref_squeeze %dma_start3A_161 : memref<1x128xf32, #tpu.memory_space<vmem>> -> memref<128xf32, #tpu.memory_space<vmem>>
      %dma_start3A_163 = arith.constant 0 : i32
      %dma_start3A_164 = tpu.memref_slice %arg14[%dma_start3A_158, %dma_start3A_163] : memref<8x128xi32, #tpu.memory_space<vmem>> -> memref<1x128xi32, #tpu.memory_space<vmem>>
      %dma_start3A_165 = tpu.memref_squeeze %dma_start3A_164 : memref<1x128xi32, #tpu.memory_space<vmem>> -> memref<128xi32, #tpu.memory_space<vmem>>
      %dma_start3A_166 = arith.constant 0 : i32
      %dma_start3A_167 = tpu.memref_slice %arg4[%dma_start3A_166] : memref<7864320xf32, #tpu.memory_space<hbm>> -> memref<7864320xf32, #tpu.memory_space<hbm>>
      tpu.enqueue_indirect_dma source(%dma_start3A_167 : memref<7864320xf32, #tpu.memory_space<hbm>>) target(%dma_start3A_162 : memref<128xf32, #tpu.memory_space<vmem>>) offsets(%dma_start3A_165 : memref<128xi32, #tpu.memory_space<vmem>>) semaphore(%arg16 : memref<!tpu.dma_semaphore, #tpu.memory_space<semaphore_mem>>)
      %dma_wait3A_168 = arith.constant 0 : i32
      %dma_wait3A_169 = arith.constant 0 : i32
      %dma_wait3A_170 = arith.constant 0 : i32
      %dma_wait3A_171 = tpu.memref_slice %arg15[%dma_wait3A_169, %dma_wait3A_170] : memref<8x128xf32, #tpu.memory_space<vmem>> -> memref<1x128xf32, #tpu.memory_space<vmem>>
      %dma_wait3A_172 = tpu.memref_squeeze %dma_wait3A_171 : memref<1x128xf32, #tpu.memory_space<vmem>> -> memref<128xf32, #tpu.memory_space<vmem>>
      %dma_wait3A_173 = arith.constant 0 : i32
      %dma_wait3A_174 = tpu.memref_slice %arg14[%dma_wait3A_168, %dma_wait3A_173] : memref<8x128xi32, #tpu.memory_space<vmem>> -> memref<1x128xi32, #tpu.memory_space<vmem>>
      %dma_wait3A_175 = tpu.memref_squeeze %dma_wait3A_174 : memref<1x128xi32, #tpu.memory_space<vmem>> -> memref<128xi32, #tpu.memory_space<vmem>>
      %dma_wait3A_176 = arith.constant 0 : i32
      %dma_wait3A_177 = tpu.memref_slice %arg4[%dma_wait3A_176] : memref<7864320xf32, #tpu.memory_space<hbm>> -> memref<7864320xf32, #tpu.memory_space<hbm>>
      tpu.wait_indirect_dma semaphore(%arg16 : memref<!tpu.dma_semaphore, #tpu.memory_space<semaphore_mem>>) src(%dma_wait3A_177 : memref<7864320xf32, #tpu.memory_space<hbm>>) dst(%dma_wait3A_172 : memref<128xf32, #tpu.memory_space<vmem>>)
      %dma_wait3A_178 = arith.constant 1 : i32
      %dma_wait3A_179 = arith.constant 1 : i32
      %dma_wait3A_180 = arith.constant 0 : i32
      %dma_wait3A_181 = tpu.memref_slice %arg15[%dma_wait3A_179, %dma_wait3A_180] : memref<8x128xf32, #tpu.memory_space<vmem>> -> memref<1x128xf32, #tpu.memory_space<vmem>>
      %dma_wait3A_182 = tpu.memref_squeeze %dma_wait3A_181 : memref<1x128xf32, #tpu.memory_space<vmem>> -> memref<128xf32, #tpu.memory_space<vmem>>
      %dma_wait3A_183 = arith.constant 0 : i32
      %dma_wait3A_184 = tpu.memref_slice %arg14[%dma_wait3A_178, %dma_wait3A_183] : memref<8x128xi32, #tpu.memory_space<vmem>> -> memref<1x128xi32, #tpu.memory_space<vmem>>
      %dma_wait3A_185 = tpu.memref_squeeze %dma_wait3A_184 : memref<1x128xi32, #tpu.memory_space<vmem>> -> memref<128xi32, #tpu.memory_space<vmem>>
      %dma_wait3A_186 = arith.constant 0 : i32
      %dma_wait3A_187 = tpu.memref_slice %arg4[%dma_wait3A_186] : memref<7864320xf32, #tpu.memory_space<hbm>> -> memref<7864320xf32, #tpu.memory_space<hbm>>
      tpu.wait_indirect_dma semaphore(%arg16 : memref<!tpu.dma_semaphore, #tpu.memory_space<semaphore_mem>>) src(%dma_wait3A_187 : memref<7864320xf32, #tpu.memory_space<hbm>>) dst(%dma_wait3A_182 : memref<128xf32, #tpu.memory_space<vmem>>)
      %dma_wait3A_188 = arith.constant 2 : i32
      %dma_wait3A_189 = arith.constant 2 : i32
      %dma_wait3A_190 = arith.constant 0 : i32
      %dma_wait3A_191 = tpu.memref_slice %arg15[%dma_wait3A_189, %dma_wait3A_190] : memref<8x128xf32, #tpu.memory_space<vmem>> -> memref<1x128xf32, #tpu.memory_space<vmem>>
      %dma_wait3A_192 = tpu.memref_squeeze %dma_wait3A_191 : memref<1x128xf32, #tpu.memory_space<vmem>> -> memref<128xf32, #tpu.memory_space<vmem>>
      %dma_wait3A_193 = arith.constant 0 : i32
      %dma_wait3A_194 = tpu.memref_slice %arg14[%dma_wait3A_188, %dma_wait3A_193] : memref<8x128xi32, #tpu.memory_space<vmem>> -> memref<1x128xi32, #tpu.memory_space<vmem>>
      %dma_wait3A_195 = tpu.memref_squeeze %dma_wait3A_194 : memref<1x128xi32, #tpu.memory_space<vmem>> -> memref<128xi32, #tpu.memory_space<vmem>>
      %dma_wait3A_196 = arith.constant 0 : i32
      %dma_wait3A_197 = tpu.memref_slice %arg4[%dma_wait3A_196] : memref<7864320xf32, #tpu.memory_space<hbm>> -> memref<7864320xf32, #tpu.memory_space<hbm>>
      tpu.wait_indirect_dma semaphore(%arg16 : memref<!tpu.dma_semaphore, #tpu.memory_space<semaphore_mem>>) src(%dma_wait3A_197 : memref<7864320xf32, #tpu.memory_space<hbm>>) dst(%dma_wait3A_192 : memref<128xf32, #tpu.memory_space<vmem>>)
      %dma_wait3A_198 = arith.constant 3 : i32
      %dma_wait3A_199 = arith.constant 3 : i32
      %dma_wait3A_200 = arith.constant 0 : i32
      %dma_wait3A_201 = tpu.memref_slice %arg15[%dma_wait3A_199, %dma_wait3A_200] : memref<8x128xf32, #tpu.memory_space<vmem>> -> memref<1x128xf32, #tpu.memory_space<vmem>>
      %dma_wait3A_202 = tpu.memref_squeeze %dma_wait3A_201 : memref<1x128xf32, #tpu.memory_space<vmem>> -> memref<128xf32, #tpu.memory_space<vmem>>
      %dma_wait3A_203 = arith.constant 0 : i32
      %dma_wait3A_204 = tpu.memref_slice %arg14[%dma_wait3A_198, %dma_wait3A_203] : memref<8x128xi32, #tpu.memory_space<vmem>> -> memref<1x128xi32, #tpu.memory_space<vmem>>
      %dma_wait3A_205 = tpu.memref_squeeze %dma_wait3A_204 : memref<1x128xi32, #tpu.memory_space<vmem>> -> memref<128xi32, #tpu.memory_space<vmem>>
      %dma_wait3A_206 = arith.constant 0 : i32
      %dma_wait3A_207 = tpu.memref_slice %arg4[%dma_wait3A_206] : memref<7864320xf32, #tpu.memory_space<hbm>> -> memref<7864320xf32, #tpu.memory_space<hbm>>
      tpu.wait_indirect_dma semaphore(%arg16 : memref<!tpu.dma_semaphore, #tpu.memory_space<semaphore_mem>>) src(%dma_wait3A_207 : memref<7864320xf32, #tpu.memory_space<hbm>>) dst(%dma_wait3A_202 : memref<128xf32, #tpu.memory_space<vmem>>)
      %dma_wait3A_208 = arith.constant 4 : i32
      %dma_wait3A_209 = arith.constant 4 : i32
      %dma_wait3A_210 = arith.constant 0 : i32
      %dma_wait3A_211 = tpu.memref_slice %arg15[%dma_wait3A_209, %dma_wait3A_210] : memref<8x128xf32, #tpu.memory_space<vmem>> -> memref<1x128xf32, #tpu.memory_space<vmem>>
      %dma_wait3A_212 = tpu.memref_squeeze %dma_wait3A_211 : memref<1x128xf32, #tpu.memory_space<vmem>> -> memref<128xf32, #tpu.memory_space<vmem>>
      %dma_wait3A_213 = arith.constant 0 : i32
      %dma_wait3A_214 = tpu.memref_slice %arg14[%dma_wait3A_208, %dma_wait3A_213] : memref<8x128xi32, #tpu.memory_space<vmem>> -> memref<1x128xi32, #tpu.memory_space<vmem>>
      %dma_wait3A_215 = tpu.memref_squeeze %dma_wait3A_214 : memref<1x128xi32, #tpu.memory_space<vmem>> -> memref<128xi32, #tpu.memory_space<vmem>>
      %dma_wait3A_216 = arith.constant 0 : i32
      %dma_wait3A_217 = tpu.memref_slice %arg4[%dma_wait3A_216] : memref<7864320xf32, #tpu.memory_space<hbm>> -> memref<7864320xf32, #tpu.memory_space<hbm>>
      tpu.wait_indirect_dma semaphore(%arg16 : memref<!tpu.dma_semaphore, #tpu.memory_space<semaphore_mem>>) src(%dma_wait3A_217 : memref<7864320xf32, #tpu.memory_space<hbm>>) dst(%dma_wait3A_212 : memref<128xf32, #tpu.memory_space<vmem>>)
      %dma_wait3A_218 = arith.constant 5 : i32
      %dma_wait3A_219 = arith.constant 5 : i32
      %dma_wait3A_220 = arith.constant 0 : i32
      %dma_wait3A_221 = tpu.memref_slice %arg15[%dma_wait3A_219, %dma_wait3A_220] : memref<8x128xf32, #tpu.memory_space<vmem>> -> memref<1x128xf32, #tpu.memory_space<vmem>>
      %dma_wait3A_222 = tpu.memref_squeeze %dma_wait3A_221 : memref<1x128xf32, #tpu.memory_space<vmem>> -> memref<128xf32, #tpu.memory_space<vmem>>
      %dma_wait3A_223 = arith.constant 0 : i32
      %dma_wait3A_224 = tpu.memref_slice %arg14[%dma_wait3A_218, %dma_wait3A_223] : memref<8x128xi32, #tpu.memory_space<vmem>> -> memref<1x128xi32, #tpu.memory_space<vmem>>
      %dma_wait3A_225 = tpu.memref_squeeze %dma_wait3A_224 : memref<1x128xi32, #tpu.memory_space<vmem>> -> memref<128xi32, #tpu.memory_space<vmem>>
      %dma_wait3A_226 = arith.constant 0 : i32
      %dma_wait3A_227 = tpu.memref_slice %arg4[%dma_wait3A_226] : memref<7864320xf32, #tpu.memory_space<hbm>> -> memref<7864320xf32, #tpu.memory_space<hbm>>
      tpu.wait_indirect_dma semaphore(%arg16 : memref<!tpu.dma_semaphore, #tpu.memory_space<semaphore_mem>>) src(%dma_wait3A_227 : memref<7864320xf32, #tpu.memory_space<hbm>>) dst(%dma_wait3A_222 : memref<128xf32, #tpu.memory_space<vmem>>)
      %dma_wait3A_228 = arith.constant 6 : i32
      %dma_wait3A_229 = arith.constant 6 : i32
      %dma_wait3A_230 = arith.constant 0 : i32
      %dma_wait3A_231 = tpu.memref_slice %arg15[%dma_wait3A_229, %dma_wait3A_230] : memref<8x128xf32, #tpu.memory_space<vmem>> -> memref<1x128xf32, #tpu.memory_space<vmem>>
      %dma_wait3A_232 = tpu.memref_squeeze %dma_wait3A_231 : memref<1x128xf32, #tpu.memory_space<vmem>> -> memref<128xf32, #tpu.memory_space<vmem>>
      %dma_wait3A_233 = arith.constant 0 : i32
      %dma_wait3A_234 = tpu.memref_slice %arg14[%dma_wait3A_228, %dma_wait3A_233] : memref<8x128xi32, #tpu.memory_space<vmem>> -> memref<1x128xi32, #tpu.memory_space<vmem>>
      %dma_wait3A_235 = tpu.memref_squeeze %dma_wait3A_234 : memref<1x128xi32, #tpu.memory_space<vmem>> -> memref<128xi32, #tpu.memory_space<vmem>>
      %dma_wait3A_236 = arith.constant 0 : i32
      %dma_wait3A_237 = tpu.memref_slice %arg4[%dma_wait3A_236] : memref<7864320xf32, #tpu.memory_space<hbm>> -> memref<7864320xf32, #tpu.memory_space<hbm>>
      tpu.wait_indirect_dma semaphore(%arg16 : memref<!tpu.dma_semaphore, #tpu.memory_space<semaphore_mem>>) src(%dma_wait3A_237 : memref<7864320xf32, #tpu.memory_space<hbm>>) dst(%dma_wait3A_232 : memref<128xf32, #tpu.memory_space<vmem>>)
      %dma_wait3A_238 = arith.constant 7 : i32
      %dma_wait3A_239 = arith.constant 7 : i32
      %dma_wait3A_240 = arith.constant 0 : i32
      %dma_wait3A_241 = tpu.memref_slice %arg15[%dma_wait3A_239, %dma_wait3A_240] : memref<8x128xf32, #tpu.memory_space<vmem>> -> memref<1x128xf32, #tpu.memory_space<vmem>>
      %dma_wait3A_242 = tpu.memref_squeeze %dma_wait3A_241 : memref<1x128xf32, #tpu.memory_space<vmem>> -> memref<128xf32, #tpu.memory_space<vmem>>
      %dma_wait3A_243 = arith.constant 0 : i32
      %dma_wait3A_244 = tpu.memref_slice %arg14[%dma_wait3A_238, %dma_wait3A_243] : memref<8x128xi32, #tpu.memory_space<vmem>> -> memref<1x128xi32, #tpu.memory_space<vmem>>
      %dma_wait3A_245 = tpu.memref_squeeze %dma_wait3A_244 : memref<1x128xi32, #tpu.memory_space<vmem>> -> memref<128xi32, #tpu.memory_space<vmem>>
      %dma_wait3A_246 = arith.constant 0 : i32
      %dma_wait3A_247 = tpu.memref_slice %arg4[%dma_wait3A_246] : memref<7864320xf32, #tpu.memory_space<hbm>> -> memref<7864320xf32, #tpu.memory_space<hbm>>
      tpu.wait_indirect_dma semaphore(%arg16 : memref<!tpu.dma_semaphore, #tpu.memory_space<semaphore_mem>>) src(%dma_wait3A_247 : memref<7864320xf32, #tpu.memory_space<hbm>>) dst(%dma_wait3A_242 : memref<128xf32, #tpu.memory_space<vmem>>)
      "tpu.region"() ({
        %run_scoped3A = tpu.sem_alloc : memref<!tpu.dma_semaphore, #tpu.memory_space<semaphore_mem>>
        %dma_start3A_248 = arith.constant 0 : i32
        %dma_start3A_249 = tpu.memref_slice %arg5[%add3A, %dma_start3A_248] : memref<8x128xf32, #tpu.memory_space<hbm>> -> memref<1x128xf32, #tpu.memory_space<hbm>>
        %dma_start3A_250 = tpu.memref_squeeze %dma_start3A_249 : memref<1x128xf32, #tpu.memory_space<hbm>> -> memref<128xf32, #tpu.memory_space<hbm>>
        %dma_start3A_251 = arith.constant 0 : i32
        %dma_start3A_252 = tpu.memref_slice %arg5[%add3A, %dma_start3A_251] : memref<8x128xf32, #tpu.memory_space<hbm>> -> memref<1x128xf32, #tpu.memory_space<hbm>>
        %dma_start3A_253 = tpu.memref_squeeze %dma_start3A_252 : memref<1x128xf32, #tpu.memory_space<hbm>> -> memref<128xf32, #tpu.memory_space<hbm>>
        tpu.enqueue_dma source(%arg12 : memref<128xf32, #tpu.memory_space<vmem>>) target(%dma_start3A_253 : memref<128xf32, #tpu.memory_space<hbm>>) target_semaphore(%run_scoped3A : memref<!tpu.dma_semaphore, #tpu.memory_space<semaphore_mem>>)
        %dma_wait3A_254 = arith.constant 0 : i32
        %dma_wait3A_255 = tpu.memref_slice %arg5[%add3A, %dma_wait3A_254] : memref<8x128xf32, #tpu.memory_space<hbm>> -> memref<1x128xf32, #tpu.memory_space<hbm>>
        %dma_wait3A_256 = tpu.memref_squeeze %dma_wait3A_255 : memref<1x128xf32, #tpu.memory_space<hbm>> -> memref<128xf32, #tpu.memory_space<hbm>>
        %dma_wait3A_257 = arith.constant 0 : i32
        %dma_wait3A_258 = tpu.memref_slice %arg5[%add3A, %dma_wait3A_257] : memref<8x128xf32, #tpu.memory_space<hbm>> -> memref<1x128xf32, #tpu.memory_space<hbm>>
        %dma_wait3A_259 = tpu.memref_squeeze %dma_wait3A_258 : memref<1x128xf32, #tpu.memory_space<hbm>> -> memref<128xf32, #tpu.memory_space<hbm>>
        tpu.wait_dma2 semaphore(%run_scoped3A : memref<!tpu.dma_semaphore, #tpu.memory_space<semaphore_mem>>) src(%arg12 : memref<128xf32, #tpu.memory_space<vmem>>) dst(%dma_wait3A_259 : memref<128xf32, #tpu.memory_space<hbm>>)
        tpu.yield
      }) : () -> ()
      "tpu.region"() ({
        %run_scoped3A = tpu.sem_alloc : memref<!tpu.dma_semaphore, #tpu.memory_space<semaphore_mem>>
        %dma_start3A_248 = arith.constant 0 : i32
        %dma_start3A_249 = tpu.memref_slice %arg6[%add3A, %dma_start3A_248] : memref<8x128xi32, #tpu.memory_space<hbm>> -> memref<1x128xi32, #tpu.memory_space<hbm>>
        %dma_start3A_250 = tpu.memref_squeeze %dma_start3A_249 : memref<1x128xi32, #tpu.memory_space<hbm>> -> memref<128xi32, #tpu.memory_space<hbm>>
        %dma_start3A_251 = arith.constant 0 : i32
        %dma_start3A_252 = tpu.memref_slice %arg6[%add3A, %dma_start3A_251] : memref<8x128xi32, #tpu.memory_space<hbm>> -> memref<1x128xi32, #tpu.memory_space<hbm>>
        %dma_start3A_253 = tpu.memref_squeeze %dma_start3A_252 : memref<1x128xi32, #tpu.memory_space<hbm>> -> memref<128xi32, #tpu.memory_space<hbm>>
        tpu.enqueue_dma source(%arg13 : memref<128xi32, #tpu.memory_space<vmem>>) target(%dma_start3A_253 : memref<128xi32, #tpu.memory_space<hbm>>) target_semaphore(%run_scoped3A : memref<!tpu.dma_semaphore, #tpu.memory_space<semaphore_mem>>)
        %dma_wait3A_254 = arith.constant 0 : i32
        %dma_wait3A_255 = tpu.memref_slice %arg6[%add3A, %dma_wait3A_254] : memref<8x128xi32, #tpu.memory_space<hbm>> -> memref<1x128xi32, #tpu.memory_space<hbm>>
        %dma_wait3A_256 = tpu.memref_squeeze %dma_wait3A_255 : memref<1x128xi32, #tpu.memory_space<hbm>> -> memref<128xi32, #tpu.memory_space<hbm>>
        %dma_wait3A_257 = arith.constant 0 : i32
        %dma_wait3A_258 = tpu.memref_slice %arg6[%add3A, %dma_wait3A_257] : memref<8x128xi32, #tpu.memory_space<hbm>> -> memref<1x128xi32, #tpu.memory_space<hbm>>
        %dma_wait3A_259 = tpu.memref_squeeze %dma_wait3A_258 : memref<1x128xi32, #tpu.memory_space<hbm>> -> memref<128xi32, #tpu.memory_space<hbm>>
        tpu.wait_dma2 semaphore(%run_scoped3A : memref<!tpu.dma_semaphore, #tpu.memory_space<semaphore_mem>>) src(%arg13 : memref<128xi32, #tpu.memory_space<vmem>>) dst(%dma_wait3A_259 : memref<128xi32, #tpu.memory_space<hbm>>)
        tpu.yield
      }) : () -> ()
      "tpu.region"() ({
        %run_scoped3A = tpu.sem_alloc : memref<!tpu.dma_semaphore, #tpu.memory_space<semaphore_mem>>
        %dma_start3A_248 = arith.constant 0 : i32
        %dma_start3A_249 = arith.constant 0 : i32
        %dma_start3A_250 = tpu.memref_slice %arg7[%add3A, %dma_start3A_248, %dma_start3A_249] : memref<8x8x128xf32, #tpu.memory_space<hbm>> -> memref<1x8x128xf32, #tpu.memory_space<hbm>>
        %dma_start3A_251 = tpu.memref_squeeze %dma_start3A_250 : memref<1x8x128xf32, #tpu.memory_space<hbm>> -> memref<8x128xf32, #tpu.memory_space<hbm>>
        %dma_start3A_252 = arith.constant 0 : i32
        %dma_start3A_253 = arith.constant 0 : i32
        %dma_start3A_254 = tpu.memref_slice %arg7[%add3A, %dma_start3A_252, %dma_start3A_253] : memref<8x8x128xf32, #tpu.memory_space<hbm>> -> memref<1x8x128xf32, #tpu.memory_space<hbm>>
        %dma_start3A_255 = tpu.memref_squeeze %dma_start3A_254 : memref<1x8x128xf32, #tpu.memory_space<hbm>> -> memref<8x128xf32, #tpu.memory_space<hbm>>
        tpu.enqueue_dma source(%arg15 : memref<8x128xf32, #tpu.memory_space<vmem>>) target(%dma_start3A_255 : memref<8x128xf32, #tpu.memory_space<hbm>>) target_semaphore(%run_scoped3A : memref<!tpu.dma_semaphore, #tpu.memory_space<semaphore_mem>>)
        %dma_wait3A_256 = arith.constant 0 : i32
        %dma_wait3A_257 = arith.constant 0 : i32
        %dma_wait3A_258 = tpu.memref_slice %arg7[%add3A, %dma_wait3A_256, %dma_wait3A_257] : memref<8x8x128xf32, #tpu.memory_space<hbm>> -> memref<1x8x128xf32, #tpu.memory_space<hbm>>
        %dma_wait3A_259 = tpu.memref_squeeze %dma_wait3A_258 : memref<1x8x128xf32, #tpu.memory_space<hbm>> -> memref<8x128xf32, #tpu.memory_space<hbm>>
        %dma_wait3A_260 = arith.constant 0 : i32
        %dma_wait3A_261 = arith.constant 0 : i32
        %dma_wait3A_262 = tpu.memref_slice %arg7[%add3A, %dma_wait3A_260, %dma_wait3A_261] : memref<8x8x128xf32, #tpu.memory_space<hbm>> -> memref<1x8x128xf32, #tpu.memory_space<hbm>>
        %dma_wait3A_263 = tpu.memref_squeeze %dma_wait3A_262 : memref<1x8x128xf32, #tpu.memory_space<hbm>> -> memref<8x128xf32, #tpu.memory_space<hbm>>
        tpu.wait_dma2 semaphore(%run_scoped3A : memref<!tpu.dma_semaphore, #tpu.memory_space<semaphore_mem>>) src(%arg15 : memref<8x128xf32, #tpu.memory_space<vmem>>) dst(%dma_wait3A_263 : memref<8x128xf32, #tpu.memory_space<hbm>>)
        tpu.yield
      }) : () -> ()
    } else {
    }
    return
  }
}

module attributes {stable_mosaic.version = 14 : i64} {
  func.func @_nms_body(%arg0: i32, %arg1: memref<1x192x640xf32, #tpu.memory_space<vmem>>, %arg2: memref<960x128xf32, #tpu.memory_space<vmem>>, %arg3: memref<1x192x5xf32, #tpu.memory_space<vmem>>) attributes {dimension_semantics = [#tpu.dimension_semantics<parallel>], iteration_bounds = array<i64: 24>, scalar_prefetch = 0 : i64, scratch_operands = 0 : i64, tpu.core_type = #tpu.core_type<tc>, window_params = [{transform_indices = @transform_0, window_bounds = array<i64: 1, 192, 640>}, {transform_indices = @transform_1, window_bounds = array<i64: 960, 128>}, {transform_indices = @transform_2, window_bounds = array<i64: 1, 192, 5>}]} {
    %get3A = arith.constant 0 : index
    %get3A_0 = arith.constant 0 : index
    %get3A_1 = arith.constant 0 : index
    %get3A_2 = vector.load %arg1[%get3A, %get3A_0, %get3A_1] : memref<1x192x640xf32, #tpu.memory_space<vmem>>, vector<1x192x640xf32>
    %get3A_3 = vector.shape_cast %get3A_2 : vector<1x192x640xf32> to vector<192x640xf32>
    %broadcast_in_dim3A = arith.constant -1.000000e+00 : f32
    %broadcast_in_dim3A_4 = vector.broadcast %broadcast_in_dim3A : f32 to vector<192x1xf32>
    %slice3A = vector.extract_strided_slice %get3A_3 {offsets = [0, 1], sizes = [192, 639], strides = [1, 1]} : vector<192x640xf32> to vector<192x639xf32>
    %concatenate3A = tpu.concatenate %slice3A, %broadcast_in_dim3A_4 in 1 : vector<192x639xf32>, vector<192x1xf32> -> vector<192x640xf32>
    %slice3A_5 = vector.extract_strided_slice %get3A_3 {offsets = [0, 0], sizes = [192, 639], strides = [1, 1]} : vector<192x640xf32> to vector<192x639xf32>
    %concatenate3A_6 = tpu.concatenate %broadcast_in_dim3A_4, %slice3A_5 in 1 : vector<192x1xf32>, vector<192x639xf32> -> vector<192x640xf32>
    %max3A = arith.maximumf %concatenate3A, %concatenate3A_6 : vector<192x640xf32>
    %max3A_7 = arith.maximumf %max3A, %get3A_3 : vector<192x640xf32>
    %broadcast_in_dim3A_8 = arith.constant -1.000000e+00 : f32
    %broadcast_in_dim3A_9 = vector.broadcast %broadcast_in_dim3A_8 : f32 to vector<1x640xf32>
    %slice3A_10 = vector.extract_strided_slice %max3A_7 {offsets = [1, 0], sizes = [191, 640], strides = [1, 1]} : vector<192x640xf32> to vector<191x640xf32>
    %concatenate3A_11 = tpu.concatenate %slice3A_10, %broadcast_in_dim3A_9 in 0 : vector<191x640xf32>, vector<1x640xf32> -> vector<192x640xf32>
    %slice3A_12 = vector.extract_strided_slice %max3A_7 {offsets = [0, 0], sizes = [191, 640], strides = [1, 1]} : vector<192x640xf32> to vector<191x640xf32>
    %concatenate3A_13 = tpu.concatenate %broadcast_in_dim3A_9, %slice3A_12 in 0 : vector<1x640xf32>, vector<191x640xf32> -> vector<192x640xf32>
    %max3A_14 = arith.maximumf %concatenate3A_11, %concatenate3A_13 : vector<192x640xf32>
    %max3A_15 = arith.maximumf %max3A_14, %max3A_7 : vector<192x640xf32>
    %eq3A = arith.cmpf oeq, %max3A_15, %get3A_3 : vector<192x640xf32>
    %jit3A = arith.constant 0.000000e+00 : f32
    %broadcast_in_dim3A_16 = vector.broadcast %jit3A : f32 to vector<192x640xf32>
    %select_n3A = arith.select %eq3A, %get3A_3, %broadcast_in_dim3A_16 : vector<192x640xi1>, vector<192x640xf32>
    %reshape3A = vector.shape_cast %select_n3A : vector<192x640xf32> to vector<960x128xf32>
    %swap3A = arith.constant 0 : index
    %swap3A_17 = arith.constant 0 : index
    %swap3A_18 = vector.load %arg2[%swap3A, %swap3A_17] : memref<960x128xf32, #tpu.memory_space<vmem>>, vector<960x128xf32>
    tpu.vector_store %arg2[%swap3A, %swap3A_17], %reshape3A {strides = array<i32>} : memref<960x128xf32, #tpu.memory_space<vmem>>, vector<960x128xf32>,
    %slice3A_19 = vector.extract_strided_slice %select_n3A {offsets = [0, 0], sizes = [192, 128], strides = [1, 1]} : vector<192x640xf32> to vector<192x128xf32>
    %reduce_max3A = arith.constant dense<0xFF800000> : vector<192xf32>
    %reduce_max3A_20 = vector.multi_reduction <maximumf>, %slice3A_19, %reduce_max3A [1] : vector<192x128xf32> to vector<192xf32>
    %broadcast_in_dim3A_21 = vector.shape_cast %reduce_max3A_20 : vector<192xf32> to vector<192x1xf32>
    %slice3A_22 = vector.extract_strided_slice %select_n3A {offsets = [0, 128], sizes = [192, 128], strides = [1, 1]} : vector<192x640xf32> to vector<192x128xf32>
    %reduce_max3A_23 = arith.constant dense<0xFF800000> : vector<192xf32>
    %reduce_max3A_24 = vector.multi_reduction <maximumf>, %slice3A_22, %reduce_max3A_23 [1] : vector<192x128xf32> to vector<192xf32>
    %broadcast_in_dim3A_25 = vector.shape_cast %reduce_max3A_24 : vector<192xf32> to vector<192x1xf32>
    %slice3A_26 = vector.extract_strided_slice %select_n3A {offsets = [0, 256], sizes = [192, 128], strides = [1, 1]} : vector<192x640xf32> to vector<192x128xf32>
    %reduce_max3A_27 = arith.constant dense<0xFF800000> : vector<192xf32>
    %reduce_max3A_28 = vector.multi_reduction <maximumf>, %slice3A_26, %reduce_max3A_27 [1] : vector<192x128xf32> to vector<192xf32>
    %broadcast_in_dim3A_29 = vector.shape_cast %reduce_max3A_28 : vector<192xf32> to vector<192x1xf32>
    %slice3A_30 = vector.extract_strided_slice %select_n3A {offsets = [0, 384], sizes = [192, 128], strides = [1, 1]} : vector<192x640xf32> to vector<192x128xf32>
    %reduce_max3A_31 = arith.constant dense<0xFF800000> : vector<192xf32>
    %reduce_max3A_32 = vector.multi_reduction <maximumf>, %slice3A_30, %reduce_max3A_31 [1] : vector<192x128xf32> to vector<192xf32>
    %broadcast_in_dim3A_33 = vector.shape_cast %reduce_max3A_32 : vector<192xf32> to vector<192x1xf32>
    %slice3A_34 = vector.extract_strided_slice %select_n3A {offsets = [0, 512], sizes = [192, 128], strides = [1, 1]} : vector<192x640xf32> to vector<192x128xf32>
    %reduce_max3A_35 = arith.constant dense<0xFF800000> : vector<192xf32>
    %reduce_max3A_36 = vector.multi_reduction <maximumf>, %slice3A_34, %reduce_max3A_35 [1] : vector<192x128xf32> to vector<192xf32>
    %broadcast_in_dim3A_37 = vector.shape_cast %reduce_max3A_36 : vector<192xf32> to vector<192x1xf32>
    %concatenate3A_38 = tpu.concatenate %broadcast_in_dim3A_21, %broadcast_in_dim3A_25, %broadcast_in_dim3A_29, %broadcast_in_dim3A_33, %broadcast_in_dim3A_37 in 1 : vector<192x1xf32>, vector<192x1xf32>, vector<192x1xf32>, vector<192x1xf32>, vector<192x1xf32> -> vector<192x5xf32>
    %swap3A_39 = arith.constant 0 : index
    %swap3A_40 = arith.constant 0 : index
    %swap3A_41 = arith.constant 0 : index
    %swap3A_42 = vector.load %arg3[%swap3A_39, %swap3A_40, %swap3A_41] : memref<1x192x5xf32, #tpu.memory_space<vmem>>, vector<1x192x5xf32>
    %swap3A_43 = vector.shape_cast %swap3A_42 : vector<1x192x5xf32> to vector<192x5xf32>
    %swap3A_44 = vector.shape_cast %concatenate3A_38 : vector<192x5xf32> to vector<1x192x5xf32>
    tpu.vector_store %arg3[%swap3A_39, %swap3A_40, %swap3A_41], %swap3A_44 {strides = array<i32>} : memref<1x192x5xf32, #tpu.memory_space<vmem>>, vector<1x192x5xf32>,
    return
  }
  func.func @transform_0(%arg0: i32) -> (i32, i32, i32) {
    %c0_i32 = arith.constant 0 : i32
    %c0_i32_0 = arith.constant 0 : i32
    %c0_i32_1 = arith.constant 0 : i32
    return %arg0, %c0_i32, %c0_i32_0 : i32, i32, i32
  }
  func.func @transform_1(%arg0: i32) -> (i32, i32) {
    %c0_i32 = arith.constant 0 : i32
    %c0_i32_0 = arith.constant 0 : i32
    return %arg0, %c0_i32 : i32, i32
  }
  func.func @transform_2(%arg0: i32) -> (i32, i32, i32) {
    %c0_i32 = arith.constant 0 : i32
    %c0_i32_0 = arith.constant 0 : i32
    %c0_i32_1 = arith.constant 0 : i32
    return %arg0, %c0_i32, %c0_i32_0 : i32, i32, i32
  }
}

module attributes {stable_mosaic.version = 14 : i64} {
  func.func @_decode_body(%arg0: memref<8x128xf32, #tpu.memory_space<vmem>>, %arg1: memref<8x128xi32, #tpu.memory_space<vmem>>, %arg2: memref<8x8x128xf32, #tpu.memory_space<vmem>>, %arg3: memref<8x9xf32, #tpu.memory_space<vmem>>, %arg4: memref<8x9xf32, #tpu.memory_space<vmem>>, %arg5: memref<8x2xf32, #tpu.memory_space<vmem>>, %arg6: memref<14x8x128xf32, #tpu.memory_space<vmem>>) attributes {dimension_semantics = [], scalar_prefetch = 0 : i64, scratch_operands = 0 : i64, tpu.core_type = #tpu.core_type<tc>} {
    %get3A = arith.constant 0 : index
    %get3A_0 = arith.constant 0 : index
    %get3A_1 = vector.load %arg0[%get3A, %get3A_0] : memref<8x128xf32, #tpu.memory_space<vmem>>, vector<8x128xf32>
    %get3A_2 = arith.constant 0 : index
    %get3A_3 = arith.constant 0 : index
    %get3A_4 = vector.load %arg1[%get3A_2, %get3A_3] : memref<8x128xi32, #tpu.memory_space<vmem>>, vector<8x128xi32>
    %jit3A = arith.constant 122880 : i32
    %div3A = vector.broadcast %jit3A : i32 to vector<8x128xi32>
    %div3A_5 = arith.divsi %get3A_4, %div3A : vector<8x128xi32>
    %sign3A = arith.constant 0 : i32
    %sign3A_6 = vector.broadcast %sign3A : i32 to vector<8x128xi32>
    %sign3A_7 = arith.cmpi sgt, %get3A_4, %sign3A_6 : vector<8x128xi32>
    %sign3A_8 = arith.extui %sign3A_7 : vector<8x128xi1> to vector<8x128xi32>
    %sign3A_9 = arith.constant 0 : i32
    %sign3A_10 = vector.broadcast %sign3A_9 : i32 to vector<8x128xi32>
    %sign3A_11 = arith.cmpi slt, %get3A_4, %sign3A_10 : vector<8x128xi32>
    %sign3A_12 = arith.extui %sign3A_11 : vector<8x128xi1> to vector<8x128xi32>
    %sign3A_13 = arith.subi %sign3A_8, %sign3A_12 : vector<8x128xi32>
    %sign3A_14 = arith.constant 0 : i32
    %sign3A_15 = arith.cmpi sgt, %jit3A, %sign3A_14 : i32
    %sign3A_16 = arith.extui %sign3A_15 : i1 to i32
    %sign3A_17 = arith.constant 0 : i32
    %sign3A_18 = arith.cmpi slt, %jit3A, %sign3A_17 : i32
    %sign3A_19 = arith.extui %sign3A_18 : i1 to i32
    %sign3A_20 = arith.subi %sign3A_16, %sign3A_19 : i32
    %ne3A = vector.broadcast %sign3A_20 : i32 to vector<8x128xi32>
    %ne3A_21 = arith.cmpi ne, %sign3A_13, %ne3A : vector<8x128xi32>
    %rem3A = vector.broadcast %jit3A : i32 to vector<8x128xi32>
    %rem3A_22 = arith.remsi %get3A_4, %rem3A : vector<8x128xi32>
    %ne3A_23 = arith.constant 0 : i32
    %ne3A_24 = vector.broadcast %ne3A_23 : i32 to vector<8x128xi32>
    %ne3A_25 = arith.cmpi ne, %rem3A_22, %ne3A_24 : vector<8x128xi32>
    %and3A = arith.andi %ne3A_21, %ne3A_25 : vector<8x128xi1>
    %sub3A = arith.constant 1 : i32
    %sub3A_26 = vector.broadcast %sub3A : i32 to vector<8x128xi32>
    %sub3A_27 = arith.subi %div3A_5, %sub3A_26 : vector<8x128xi32>
    %select_n3A = arith.select %and3A, %sub3A_27, %div3A_5 : vector<8x128xi1>, vector<8x128xi32>
    %mul3A = arith.constant 122880 : i32
    %mul3A_28 = vector.broadcast %mul3A : i32 to vector<8x128xi32>
    %mul3A_29 = arith.muli %select_n3A, %mul3A_28 : vector<8x128xi32>
    %sub3A_30 = arith.subi %get3A_4, %mul3A_29 : vector<8x128xi32>
    %jit3A_31 = arith.constant 640 : i32
    %div3A_32 = vector.broadcast %jit3A_31 : i32 to vector<8x128xi32>
    %div3A_33 = arith.divsi %sub3A_30, %div3A_32 : vector<8x128xi32>
    %sign3A_34 = arith.constant 0 : i32
    %sign3A_35 = vector.broadcast %sign3A_34 : i32 to vector<8x128xi32>
    %sign3A_36 = arith.cmpi sgt, %sub3A_30, %sign3A_35 : vector<8x128xi32>
    %sign3A_37 = arith.extui %sign3A_36 : vector<8x128xi1> to vector<8x128xi32>
    %sign3A_38 = arith.constant 0 : i32
    %sign3A_39 = vector.broadcast %sign3A_38 : i32 to vector<8x128xi32>
    %sign3A_40 = arith.cmpi slt, %sub3A_30, %sign3A_39 : vector<8x128xi32>
    %sign3A_41 = arith.extui %sign3A_40 : vector<8x128xi1> to vector<8x128xi32>
    %sign3A_42 = arith.subi %sign3A_37, %sign3A_41 : vector<8x128xi32>
    %sign3A_43 = arith.constant 0 : i32
    %sign3A_44 = arith.cmpi sgt, %jit3A_31, %sign3A_43 : i32
    %sign3A_45 = arith.extui %sign3A_44 : i1 to i32
    %sign3A_46 = arith.constant 0 : i32
    %sign3A_47 = arith.cmpi slt, %jit3A_31, %sign3A_46 : i32
    %sign3A_48 = arith.extui %sign3A_47 : i1 to i32
    %sign3A_49 = arith.subi %sign3A_45, %sign3A_48 : i32
    %ne3A_50 = vector.broadcast %sign3A_49 : i32 to vector<8x128xi32>
    %ne3A_51 = arith.cmpi ne, %sign3A_42, %ne3A_50 : vector<8x128xi32>
    %rem3A_52 = vector.broadcast %jit3A_31 : i32 to vector<8x128xi32>
    %rem3A_53 = arith.remsi %sub3A_30, %rem3A_52 : vector<8x128xi32>
    %ne3A_54 = arith.constant 0 : i32
    %ne3A_55 = vector.broadcast %ne3A_54 : i32 to vector<8x128xi32>
    %ne3A_56 = arith.cmpi ne, %rem3A_53, %ne3A_55 : vector<8x128xi32>
    %and3A_57 = arith.andi %ne3A_51, %ne3A_56 : vector<8x128xi1>
    %sub3A_58 = arith.constant 1 : i32
    %sub3A_59 = vector.broadcast %sub3A_58 : i32 to vector<8x128xi32>
    %sub3A_60 = arith.subi %div3A_33, %sub3A_59 : vector<8x128xi32>
    %select_n3A_61 = arith.select %and3A_57, %sub3A_60, %div3A_33 : vector<8x128xi1>, vector<8x128xi32>
    %mul3A_62 = arith.constant 640 : i32
    %mul3A_63 = vector.broadcast %mul3A_62 : i32 to vector<8x128xi32>
    %mul3A_64 = arith.muli %select_n3A_61, %mul3A_63 : vector<8x128xi32>
    %sub3A_65 = arith.subi %sub3A_30, %mul3A_64 : vector<8x128xi32>
    %convert_element_type3A = arith.sitofp %sub3A_65 : vector<8x128xi32> to vector<8x128xf32>
    %convert_element_type3A_66 = arith.sitofp %select_n3A_61 : vector<8x128xi32> to vector<8x128xf32>
    %convert_element_type3A_67 = arith.sitofp %select_n3A : vector<8x128xi32> to vector<8x128xf32>
    %get3A_68 = arith.constant 0 : index
    %get3A_69 = arith.constant 0 : index
    %get3A_70 = arith.constant 0 : index
    %get3A_71 = vector.load %arg2[%get3A_68, %get3A_69, %get3A_70] : memref<8x8x128xf32, #tpu.memory_space<vmem>>, vector<8x1x128xf32>
    %get3A_72 = vector.shape_cast %get3A_71 : vector<8x1x128xf32> to vector<8x128xf32>
    %mul3A_73 = arith.constant 1.632000e+01 : f32
    %mul3A_74 = vector.broadcast %mul3A_73 : f32 to vector<8x128xf32>
    %mul3A_75 = arith.mulf %get3A_72, %mul3A_74 : vector<8x128xf32>
    %add3A = arith.constant 2.801000e+01 : f32
    %add3A_76 = vector.broadcast %add3A : f32 to vector<8x128xf32>
    %add3A_77 = arith.addf %mul3A_75, %add3A_76 : vector<8x128xf32>
    %get3A_78 = arith.constant 0 : index
    %get3A_79 = arith.constant 1 : index
    %get3A_80 = arith.constant 0 : index
    %get3A_81 = vector.load %arg2[%get3A_78, %get3A_79, %get3A_80] : memref<8x8x128xf32, #tpu.memory_space<vmem>>, vector<8x1x128xf32>
    %get3A_82 = vector.shape_cast %get3A_81 : vector<8x1x128xf32> to vector<8x128xf32>
    %add3A_83 = arith.addf %convert_element_type3A, %get3A_82 : vector<8x128xf32>
    %get3A_84 = arith.constant 0 : index
    %get3A_85 = arith.constant 2 : index
    %get3A_86 = arith.constant 0 : index
    %get3A_87 = vector.load %arg2[%get3A_84, %get3A_85, %get3A_86] : memref<8x8x128xf32, #tpu.memory_space<vmem>>, vector<8x1x128xf32>
    %get3A_88 = vector.shape_cast %get3A_87 : vector<8x1x128xf32> to vector<8x128xf32>
    %add3A_89 = arith.addf %convert_element_type3A_66, %get3A_88 : vector<8x128xf32>
    %get3A_90 = arith.constant 0 : index
    %get3A_91 = arith.constant 0 : index
    %get3A_92 = vector.load %arg3[%get3A_90, %get3A_91] : memref<8x9xf32, #tpu.memory_space<vmem>>, vector<8x9xf32>
    %slice3A = vector.extract_strided_slice %get3A_92 {offsets = [0, 0], sizes = [8, 1], strides = [1, 1]} : vector<8x9xf32> to vector<8x1xf32>
    %slice3A_93 = vector.extract_strided_slice %get3A_92 {offsets = [0, 1], sizes = [8, 1], strides = [1, 1]} : vector<8x9xf32> to vector<8x1xf32>
    %slice3A_94 = vector.extract_strided_slice %get3A_92 {offsets = [0, 2], sizes = [8, 1], strides = [1, 1]} : vector<8x9xf32> to vector<8x1xf32>
    %slice3A_95 = vector.extract_strided_slice %get3A_92 {offsets = [0, 3], sizes = [8, 1], strides = [1, 1]} : vector<8x9xf32> to vector<8x1xf32>
    %slice3A_96 = vector.extract_strided_slice %get3A_92 {offsets = [0, 4], sizes = [8, 1], strides = [1, 1]} : vector<8x9xf32> to vector<8x1xf32>
    %slice3A_97 = vector.extract_strided_slice %get3A_92 {offsets = [0, 5], sizes = [8, 1], strides = [1, 1]} : vector<8x9xf32> to vector<8x1xf32>
    %slice3A_98 = vector.extract_strided_slice %get3A_92 {offsets = [0, 6], sizes = [8, 1], strides = [1, 1]} : vector<8x9xf32> to vector<8x1xf32>
    %slice3A_99 = vector.extract_strided_slice %get3A_92 {offsets = [0, 7], sizes = [8, 1], strides = [1, 1]} : vector<8x9xf32> to vector<8x1xf32>
    %slice3A_100 = vector.extract_strided_slice %get3A_92 {offsets = [0, 8], sizes = [8, 1], strides = [1, 1]} : vector<8x9xf32> to vector<8x1xf32>
    %mul3A_101 = arith.mulf %slice3A_96, %slice3A_100 : vector<8x1xf32>
    %mul3A_102 = arith.mulf %slice3A_97, %slice3A_99 : vector<8x1xf32>
    %sub3A_103 = arith.subf %mul3A_101, %mul3A_102 : vector<8x1xf32>
    %mul3A_104 = arith.mulf %slice3A_95, %slice3A_100 : vector<8x1xf32>
    %mul3A_105 = arith.mulf %slice3A_97, %slice3A_98 : vector<8x1xf32>
    %sub3A_106 = arith.subf %mul3A_104, %mul3A_105 : vector<8x1xf32>
    %neg3A = arith.constant 0.000000e+00 : f32
    %neg3A_107 = vector.broadcast %neg3A : f32 to vector<8x1xf32>
    %neg3A_108 = arith.subf %neg3A_107, %sub3A_106 : vector<8x1xf32>
    %mul3A_109 = arith.mulf %slice3A_95, %slice3A_99 : vector<8x1xf32>
    %mul3A_110 = arith.mulf %slice3A_96, %slice3A_98 : vector<8x1xf32>
    %sub3A_111 = arith.subf %mul3A_109, %mul3A_110 : vector<8x1xf32>
    %mul3A_112 = arith.mulf %slice3A, %sub3A_103 : vector<8x1xf32>
    %mul3A_113 = arith.mulf %slice3A_93, %neg3A_108 : vector<8x1xf32>
    %add3A_114 = arith.addf %mul3A_112, %mul3A_113 : vector<8x1xf32>
    %mul3A_115 = arith.mulf %slice3A_94, %sub3A_111 : vector<8x1xf32>
    %add3A_116 = arith.addf %add3A_114, %mul3A_115 : vector<8x1xf32>
    %div3A_117 = arith.constant 1.000000e+00 : f32
    %div3A_118 = vector.broadcast %div3A_117 : f32 to vector<8x1xf32>
    %div3A_119 = arith.divf %div3A_118, %add3A_116 : vector<8x1xf32>
    %mul3A_120 = arith.mulf %sub3A_103, %div3A_119 : vector<8x1xf32>
    %mul3A_121 = arith.mulf %slice3A_93, %slice3A_100 : vector<8x1xf32>
    %mul3A_122 = arith.mulf %slice3A_94, %slice3A_99 : vector<8x1xf32>
    %sub3A_123 = arith.subf %mul3A_121, %mul3A_122 : vector<8x1xf32>
    %neg3A_124 = arith.constant 0.000000e+00 : f32
    %neg3A_125 = vector.broadcast %neg3A_124 : f32 to vector<8x1xf32>
    %neg3A_126 = arith.subf %neg3A_125, %sub3A_123 : vector<8x1xf32>
    %mul3A_127 = arith.mulf %neg3A_126, %div3A_119 : vector<8x1xf32>
    %mul3A_128 = arith.mulf %slice3A_93, %slice3A_97 : vector<8x1xf32>
    %mul3A_129 = arith.mulf %slice3A_94, %slice3A_96 : vector<8x1xf32>
    %sub3A_130 = arith.subf %mul3A_128, %mul3A_129 : vector<8x1xf32>
    %mul3A_131 = arith.mulf %sub3A_130, %div3A_119 : vector<8x1xf32>
    %mul3A_132 = arith.mulf %neg3A_108, %div3A_119 : vector<8x1xf32>
    %mul3A_133 = arith.mulf %slice3A, %slice3A_100 : vector<8x1xf32>
    %mul3A_134 = arith.mulf %slice3A_94, %slice3A_98 : vector<8x1xf32>
    %sub3A_135 = arith.subf %mul3A_133, %mul3A_134 : vector<8x1xf32>
    %mul3A_136 = arith.mulf %sub3A_135, %div3A_119 : vector<8x1xf32>
    %mul3A_137 = arith.mulf %slice3A, %slice3A_97 : vector<8x1xf32>
    %mul3A_138 = arith.mulf %slice3A_94, %slice3A_95 : vector<8x1xf32>
    %sub3A_139 = arith.subf %mul3A_137, %mul3A_138 : vector<8x1xf32>
    %neg3A_140 = arith.constant 0.000000e+00 : f32
    %neg3A_141 = vector.broadcast %neg3A_140 : f32 to vector<8x1xf32>
    %neg3A_142 = arith.subf %neg3A_141, %sub3A_139 : vector<8x1xf32>
    %mul3A_143 = arith.mulf %neg3A_142, %div3A_119 : vector<8x1xf32>
    %mul3A_144 = arith.mulf %sub3A_111, %div3A_119 : vector<8x1xf32>
    %mul3A_145 = arith.mulf %slice3A, %slice3A_99 : vector<8x1xf32>
    %mul3A_146 = arith.mulf %slice3A_93, %slice3A_98 : vector<8x1xf32>
    %sub3A_147 = arith.subf %mul3A_145, %mul3A_146 : vector<8x1xf32>
    %neg3A_148 = arith.constant 0.000000e+00 : f32
    %neg3A_149 = vector.broadcast %neg3A_148 : f32 to vector<8x1xf32>
    %neg3A_150 = arith.subf %neg3A_149, %sub3A_147 : vector<8x1xf32>
    %mul3A_151 = arith.mulf %neg3A_150, %div3A_119 : vector<8x1xf32>
    %mul3A_152 = arith.mulf %slice3A, %slice3A_96 : vector<8x1xf32>
    %mul3A_153 = arith.mulf %slice3A_93, %slice3A_95 : vector<8x1xf32>
    %sub3A_154 = arith.subf %mul3A_152, %mul3A_153 : vector<8x1xf32>
    %mul3A_155 = arith.mulf %sub3A_154, %div3A_119 : vector<8x1xf32>
    %mul3A_156 = vector.broadcast %mul3A_120 : vector<8x1xf32> to vector<8x128xf32>
    %mul3A_157 = arith.mulf %mul3A_156, %add3A_83 : vector<8x128xf32>
    %mul3A_158 = vector.broadcast %mul3A_127 : vector<8x1xf32> to vector<8x128xf32>
    %mul3A_159 = arith.mulf %mul3A_158, %add3A_89 : vector<8x128xf32>
    %add3A_160 = arith.addf %mul3A_157, %mul3A_159 : vector<8x128xf32>
    %add3A_161 = vector.broadcast %mul3A_131 : vector<8x1xf32> to vector<8x128xf32>
    %add3A_162 = arith.addf %add3A_160, %add3A_161 : vector<8x128xf32>
    %mul3A_163 = arith.mulf %add3A_162, %add3A_77 : vector<8x128xf32>
    %mul3A_164 = vector.broadcast %mul3A_132 : vector<8x1xf32> to vector<8x128xf32>
    %mul3A_165 = arith.mulf %mul3A_164, %add3A_83 : vector<8x128xf32>
    %mul3A_166 = vector.broadcast %mul3A_136 : vector<8x1xf32> to vector<8x128xf32>
    %mul3A_167 = arith.mulf %mul3A_166, %add3A_89 : vector<8x128xf32>
    %add3A_168 = arith.addf %mul3A_165, %mul3A_167 : vector<8x128xf32>
    %add3A_169 = vector.broadcast %mul3A_143 : vector<8x1xf32> to vector<8x128xf32>
    %add3A_170 = arith.addf %add3A_168, %add3A_169 : vector<8x128xf32>
    %mul3A_171 = arith.mulf %add3A_170, %add3A_77 : vector<8x128xf32>
    %mul3A_172 = vector.broadcast %mul3A_144 : vector<8x1xf32> to vector<8x128xf32>
    %mul3A_173 = arith.mulf %mul3A_172, %add3A_83 : vector<8x128xf32>
    %mul3A_174 = vector.broadcast %mul3A_151 : vector<8x1xf32> to vector<8x128xf32>
    %mul3A_175 = arith.mulf %mul3A_174, %add3A_89 : vector<8x128xf32>
    %add3A_176 = arith.addf %mul3A_173, %mul3A_175 : vector<8x128xf32>
    %add3A_177 = vector.broadcast %mul3A_155 : vector<8x1xf32> to vector<8x128xf32>
    %add3A_178 = arith.addf %add3A_176, %add3A_177 : vector<8x128xf32>
    %mul3A_179 = arith.mulf %add3A_178, %add3A_77 : vector<8x128xf32>
    %get3A_180 = arith.constant 0 : index
    %get3A_181 = arith.constant 0 : index
    %get3A_182 = vector.load %arg4[%get3A_180, %get3A_181] : memref<8x9xf32, #tpu.memory_space<vmem>>, vector<8x9xf32>
    %slice3A_183 = vector.extract_strided_slice %get3A_182 {offsets = [0, 0], sizes = [8, 1], strides = [1, 1]} : vector<8x9xf32> to vector<8x1xf32>
    %slice3A_184 = vector.extract_strided_slice %get3A_182 {offsets = [0, 1], sizes = [8, 1], strides = [1, 1]} : vector<8x9xf32> to vector<8x1xf32>
    %slice3A_185 = vector.extract_strided_slice %get3A_182 {offsets = [0, 2], sizes = [8, 1], strides = [1, 1]} : vector<8x9xf32> to vector<8x1xf32>
    %slice3A_186 = vector.extract_strided_slice %get3A_182 {offsets = [0, 3], sizes = [8, 1], strides = [1, 1]} : vector<8x9xf32> to vector<8x1xf32>
    %slice3A_187 = vector.extract_strided_slice %get3A_182 {offsets = [0, 4], sizes = [8, 1], strides = [1, 1]} : vector<8x9xf32> to vector<8x1xf32>
    %slice3A_188 = vector.extract_strided_slice %get3A_182 {offsets = [0, 5], sizes = [8, 1], strides = [1, 1]} : vector<8x9xf32> to vector<8x1xf32>
    %slice3A_189 = vector.extract_strided_slice %get3A_182 {offsets = [0, 6], sizes = [8, 1], strides = [1, 1]} : vector<8x9xf32> to vector<8x1xf32>
    %slice3A_190 = vector.extract_strided_slice %get3A_182 {offsets = [0, 7], sizes = [8, 1], strides = [1, 1]} : vector<8x9xf32> to vector<8x1xf32>
    %slice3A_191 = vector.extract_strided_slice %get3A_182 {offsets = [0, 8], sizes = [8, 1], strides = [1, 1]} : vector<8x9xf32> to vector<8x1xf32>
    %mul3A_192 = arith.mulf %slice3A_187, %slice3A_191 : vector<8x1xf32>
    %mul3A_193 = arith.mulf %slice3A_188, %slice3A_190 : vector<8x1xf32>
    %sub3A_194 = arith.subf %mul3A_192, %mul3A_193 : vector<8x1xf32>
    %mul3A_195 = arith.mulf %slice3A_186, %slice3A_191 : vector<8x1xf32>
    %mul3A_196 = arith.mulf %slice3A_188, %slice3A_189 : vector<8x1xf32>
    %sub3A_197 = arith.subf %mul3A_195, %mul3A_196 : vector<8x1xf32>
    %neg3A_198 = arith.constant 0.000000e+00 : f32
    %neg3A_199 = vector.broadcast %neg3A_198 : f32 to vector<8x1xf32>
    %neg3A_200 = arith.subf %neg3A_199, %sub3A_197 : vector<8x1xf32>
    %mul3A_201 = arith.mulf %slice3A_186, %slice3A_190 : vector<8x1xf32>
    %mul3A_202 = arith.mulf %slice3A_187, %slice3A_189 : vector<8x1xf32>
    %sub3A_203 = arith.subf %mul3A_201, %mul3A_202 : vector<8x1xf32>
    %mul3A_204 = arith.mulf %slice3A_183, %sub3A_194 : vector<8x1xf32>
    %mul3A_205 = arith.mulf %slice3A_184, %neg3A_200 : vector<8x1xf32>
    %add3A_206 = arith.addf %mul3A_204, %mul3A_205 : vector<8x1xf32>
    %mul3A_207 = arith.mulf %slice3A_185, %sub3A_203 : vector<8x1xf32>
    %add3A_208 = arith.addf %add3A_206, %mul3A_207 : vector<8x1xf32>
    %div3A_209 = arith.constant 1.000000e+00 : f32
    %div3A_210 = vector.broadcast %div3A_209 : f32 to vector<8x1xf32>
    %div3A_211 = arith.divf %div3A_210, %add3A_208 : vector<8x1xf32>
    %mul3A_212 = arith.mulf %sub3A_194, %div3A_211 : vector<8x1xf32>
    %mul3A_213 = arith.mulf %slice3A_184, %slice3A_191 : vector<8x1xf32>
    %mul3A_214 = arith.mulf %slice3A_185, %slice3A_190 : vector<8x1xf32>
    %sub3A_215 = arith.subf %mul3A_213, %mul3A_214 : vector<8x1xf32>
    %neg3A_216 = arith.constant 0.000000e+00 : f32
    %neg3A_217 = vector.broadcast %neg3A_216 : f32 to vector<8x1xf32>
    %neg3A_218 = arith.subf %neg3A_217, %sub3A_215 : vector<8x1xf32>
    %mul3A_219 = arith.mulf %neg3A_218, %div3A_211 : vector<8x1xf32>
    %mul3A_220 = arith.mulf %slice3A_184, %slice3A_188 : vector<8x1xf32>
    %mul3A_221 = arith.mulf %slice3A_185, %slice3A_187 : vector<8x1xf32>
    %sub3A_222 = arith.subf %mul3A_220, %mul3A_221 : vector<8x1xf32>
    %mul3A_223 = arith.mulf %sub3A_222, %div3A_211 : vector<8x1xf32>
    %mul3A_224 = arith.mulf %neg3A_200, %div3A_211 : vector<8x1xf32>
    %mul3A_225 = arith.mulf %slice3A_183, %slice3A_191 : vector<8x1xf32>
    %mul3A_226 = arith.mulf %slice3A_185, %slice3A_189 : vector<8x1xf32>
    %sub3A_227 = arith.subf %mul3A_225, %mul3A_226 : vector<8x1xf32>
    %mul3A_228 = arith.mulf %sub3A_227, %div3A_211 : vector<8x1xf32>
    %mul3A_229 = arith.mulf %slice3A_183, %slice3A_188 : vector<8x1xf32>
    %mul3A_230 = arith.mulf %slice3A_185, %slice3A_186 : vector<8x1xf32>
    %sub3A_231 = arith.subf %mul3A_229, %mul3A_230 : vector<8x1xf32>
    %neg3A_232 = arith.constant 0.000000e+00 : f32
    %neg3A_233 = vector.broadcast %neg3A_232 : f32 to vector<8x1xf32>
    %neg3A_234 = arith.subf %neg3A_233, %sub3A_231 : vector<8x1xf32>
    %mul3A_235 = arith.mulf %neg3A_234, %div3A_211 : vector<8x1xf32>
    %mul3A_236 = arith.mulf %sub3A_203, %div3A_211 : vector<8x1xf32>
    %mul3A_237 = arith.mulf %slice3A_183, %slice3A_190 : vector<8x1xf32>
    %mul3A_238 = arith.mulf %slice3A_184, %slice3A_189 : vector<8x1xf32>
    %sub3A_239 = arith.subf %mul3A_237, %mul3A_238 : vector<8x1xf32>
    %neg3A_240 = arith.constant 0.000000e+00 : f32
    %neg3A_241 = vector.broadcast %neg3A_240 : f32 to vector<8x1xf32>
    %neg3A_242 = arith.subf %neg3A_241, %sub3A_239 : vector<8x1xf32>
    %mul3A_243 = arith.mulf %neg3A_242, %div3A_211 : vector<8x1xf32>
    %mul3A_244 = arith.mulf %slice3A_183, %slice3A_187 : vector<8x1xf32>
    %mul3A_245 = arith.mulf %slice3A_184, %slice3A_186 : vector<8x1xf32>
    %sub3A_246 = arith.subf %mul3A_244, %mul3A_245 : vector<8x1xf32>
    %mul3A_247 = arith.mulf %sub3A_246, %div3A_211 : vector<8x1xf32>
    %mul3A_248 = vector.broadcast %mul3A_212 : vector<8x1xf32> to vector<8x128xf32>
    %mul3A_249 = arith.mulf %mul3A_248, %mul3A_163 : vector<8x128xf32>
    %mul3A_250 = vector.broadcast %mul3A_219 : vector<8x1xf32> to vector<8x128xf32>
    %mul3A_251 = arith.mulf %mul3A_250, %mul3A_171 : vector<8x128xf32>
    %add3A_252 = arith.addf %mul3A_249, %mul3A_251 : vector<8x128xf32>
    %mul3A_253 = vector.broadcast %mul3A_223 : vector<8x1xf32> to vector<8x128xf32>
    %mul3A_254 = arith.mulf %mul3A_253, %mul3A_179 : vector<8x128xf32>
    %add3A_255 = arith.addf %add3A_252, %mul3A_254 : vector<8x128xf32>
    %mul3A_256 = vector.broadcast %mul3A_224 : vector<8x1xf32> to vector<8x128xf32>
    %mul3A_257 = arith.mulf %mul3A_256, %mul3A_163 : vector<8x128xf32>
    %mul3A_258 = vector.broadcast %mul3A_228 : vector<8x1xf32> to vector<8x128xf32>
    %mul3A_259 = arith.mulf %mul3A_258, %mul3A_171 : vector<8x128xf32>
    %add3A_260 = arith.addf %mul3A_257, %mul3A_259 : vector<8x128xf32>
    %mul3A_261 = vector.broadcast %mul3A_235 : vector<8x1xf32> to vector<8x128xf32>
    %mul3A_262 = arith.mulf %mul3A_261, %mul3A_179 : vector<8x128xf32>
    %add3A_263 = arith.addf %add3A_260, %mul3A_262 : vector<8x128xf32>
    %mul3A_264 = vector.broadcast %mul3A_236 : vector<8x1xf32> to vector<8x128xf32>
    %mul3A_265 = arith.mulf %mul3A_264, %mul3A_163 : vector<8x128xf32>
    %mul3A_266 = vector.broadcast %mul3A_243 : vector<8x1xf32> to vector<8x128xf32>
    %mul3A_267 = arith.mulf %mul3A_266, %mul3A_171 : vector<8x128xf32>
    %add3A_268 = arith.addf %mul3A_265, %mul3A_267 : vector<8x128xf32>
    %mul3A_269 = vector.broadcast %mul3A_247 : vector<8x1xf32> to vector<8x128xf32>
    %mul3A_270 = arith.mulf %mul3A_269, %mul3A_179 : vector<8x128xf32>
    %add3A_271 = arith.addf %add3A_268, %mul3A_270 : vector<8x128xf32>
    %eq3A = arith.constant 0 : i32
    %eq3A_272 = vector.broadcast %eq3A : i32 to vector<8x128xi32>
    %eq3A_273 = arith.cmpi eq, %select_n3A, %eq3A_272 : vector<8x128xi32>
    %jit3A_274 = arith.constant 1.000000e+00 : f32
    %jit3A_275 = arith.constant 0.000000e+00 : f32
    %broadcast_in_dim3A = vector.broadcast %jit3A_274 : f32 to vector<8x128xf32>
    %broadcast_in_dim3A_276 = vector.broadcast %jit3A_275 : f32 to vector<8x128xf32>
    %select_n3A_277 = arith.select %eq3A_273, %broadcast_in_dim3A, %broadcast_in_dim3A_276 : vector<8x128xi1>, vector<8x128xf32>
    %eq3A_278 = arith.constant 1 : i32
    %eq3A_279 = vector.broadcast %eq3A_278 : i32 to vector<8x128xi32>
    %eq3A_280 = arith.cmpi eq, %select_n3A, %eq3A_279 : vector<8x128xi32>
    %jit3A_281 = arith.constant 1.000000e+00 : f32
    %jit3A_282 = arith.constant 0.000000e+00 : f32
    %broadcast_in_dim3A_283 = vector.broadcast %jit3A_281 : f32 to vector<8x128xf32>
    %broadcast_in_dim3A_284 = vector.broadcast %jit3A_282 : f32 to vector<8x128xf32>
    %select_n3A_285 = arith.select %eq3A_280, %broadcast_in_dim3A_283, %broadcast_in_dim3A_284 : vector<8x128xi1>, vector<8x128xf32>
    %sub3A_286 = arith.constant 1.000000e+00 : f32
    %sub3A_287 = vector.broadcast %sub3A_286 : f32 to vector<8x128xf32>
    %sub3A_288 = arith.subf %sub3A_287, %select_n3A_277 : vector<8x128xf32>
    %sub3A_289 = arith.subf %sub3A_288, %select_n3A_285 : vector<8x128xf32>
    %get3A_290 = arith.constant 0 : index
    %get3A_291 = arith.constant 3 : index
    %get3A_292 = arith.constant 0 : index
    %get3A_293 = vector.load %arg2[%get3A_290, %get3A_291, %get3A_292] : memref<8x8x128xf32, #tpu.memory_space<vmem>>, vector<8x1x128xf32>
    %get3A_294 = vector.shape_cast %get3A_293 : vector<8x1x128xf32> to vector<8x128xf32>
    %exp3A = math.exp %get3A_294 : vector<8x128xf32>
    %mul3A_295 = arith.constant 3.880000e+00 : f32
    %mul3A_296 = vector.broadcast %mul3A_295 : f32 to vector<8x128xf32>
    %mul3A_297 = arith.mulf %select_n3A_277, %mul3A_296 : vector<8x128xf32>
    %mul3A_298 = arith.constant 1.760000e+00 : f32
    %mul3A_299 = vector.broadcast %mul3A_298 : f32 to vector<8x128xf32>
    %mul3A_300 = arith.mulf %select_n3A_285, %mul3A_299 : vector<8x128xf32>
    %add3A_301 = arith.addf %mul3A_297, %mul3A_300 : vector<8x128xf32>
    %mul3A_302 = arith.constant 0.839999973 : f32
    %mul3A_303 = vector.broadcast %mul3A_302 : f32 to vector<8x128xf32>
    %mul3A_304 = arith.mulf %sub3A_289, %mul3A_303 : vector<8x128xf32>
    %add3A_305 = arith.addf %add3A_301, %mul3A_304 : vector<8x128xf32>
    %mul3A_306 = arith.mulf %exp3A, %add3A_305 : vector<8x128xf32>
    %get3A_307 = arith.constant 0 : index
    %get3A_308 = arith.constant 4 : index
    %get3A_309 = arith.constant 0 : index
    %get3A_310 = vector.load %arg2[%get3A_307, %get3A_308, %get3A_309] : memref<8x8x128xf32, #tpu.memory_space<vmem>>, vector<8x1x128xf32>
    %get3A_311 = vector.shape_cast %get3A_310 : vector<8x1x128xf32> to vector<8x128xf32>
    %exp3A_312 = math.exp %get3A_311 : vector<8x128xf32>
    %mul3A_313 = arith.constant 1.630000e+00 : f32
    %mul3A_314 = vector.broadcast %mul3A_313 : f32 to vector<8x128xf32>
    %mul3A_315 = arith.mulf %select_n3A_277, %mul3A_314 : vector<8x128xf32>
    %mul3A_316 = arith.constant 1.730000e+00 : f32
    %mul3A_317 = vector.broadcast %mul3A_316 : f32 to vector<8x128xf32>
    %mul3A_318 = arith.mulf %select_n3A_285, %mul3A_317 : vector<8x128xf32>
    %add3A_319 = arith.addf %mul3A_315, %mul3A_318 : vector<8x128xf32>
    %mul3A_320 = arith.constant 1.760000e+00 : f32
    %mul3A_321 = vector.broadcast %mul3A_320 : f32 to vector<8x128xf32>
    %mul3A_322 = arith.mulf %sub3A_289, %mul3A_321 : vector<8x128xf32>
    %add3A_323 = arith.addf %add3A_319, %mul3A_322 : vector<8x128xf32>
    %mul3A_324 = arith.mulf %exp3A_312, %add3A_323 : vector<8x128xf32>
    %get3A_325 = arith.constant 0 : index
    %get3A_326 = arith.constant 5 : index
    %get3A_327 = arith.constant 0 : index
    %get3A_328 = vector.load %arg2[%get3A_325, %get3A_326, %get3A_327] : memref<8x8x128xf32, #tpu.memory_space<vmem>>, vector<8x1x128xf32>
    %get3A_329 = vector.shape_cast %get3A_328 : vector<8x1x128xf32> to vector<8x128xf32>
    %exp3A_330 = math.exp %get3A_329 : vector<8x128xf32>
    %mul3A_331 = arith.constant 1.530000e+00 : f32
    %mul3A_332 = vector.broadcast %mul3A_331 : f32 to vector<8x128xf32>
    %mul3A_333 = arith.mulf %select_n3A_277, %mul3A_332 : vector<8x128xf32>
    %mul3A_334 = arith.constant 6.000000e-01 : f32
    %mul3A_335 = vector.broadcast %mul3A_334 : f32 to vector<8x128xf32>
    %mul3A_336 = arith.mulf %select_n3A_285, %mul3A_335 : vector<8x128xf32>
    %add3A_337 = arith.addf %mul3A_333, %mul3A_336 : vector<8x128xf32>
    %mul3A_338 = arith.constant 6.600000e-01 : f32
    %mul3A_339 = vector.broadcast %mul3A_338 : f32 to vector<8x128xf32>
    %mul3A_340 = arith.mulf %sub3A_289, %mul3A_339 : vector<8x128xf32>
    %add3A_341 = arith.addf %add3A_337, %mul3A_340 : vector<8x128xf32>
    %mul3A_342 = arith.mulf %exp3A_330, %add3A_341 : vector<8x128xf32>
    %mul3A_343 = arith.constant 5.000000e-01 : f32
    %mul3A_344 = vector.broadcast %mul3A_343 : f32 to vector<8x128xf32>
    %mul3A_345 = arith.mulf %mul3A_324, %mul3A_344 : vector<8x128xf32>
    %add3A_346 = arith.addf %add3A_263, %mul3A_345 : vector<8x128xf32>
    %broadcast_in_dim3A_347 = arith.constant 1.000000e+00 : f32
    %broadcast_in_dim3A_348 = vector.broadcast %broadcast_in_dim3A_347 : f32 to vector<8x128xf32>
    %add3A_349 = arith.constant 1.000000e-07 : f32
    %add3A_350 = vector.broadcast %add3A_349 : f32 to vector<8x128xf32>
    %add3A_351 = arith.addf %add3A_271, %add3A_350 : vector<8x128xf32>
    %div3A_352 = arith.divf %add3A_255, %add3A_351 : vector<8x128xf32>
    %atan23A = math.atan2 %div3A_352, %broadcast_in_dim3A_348 : vector<8x128xf32>
    %get3A_353 = arith.constant 0 : index
    %get3A_354 = arith.constant 6 : index
    %get3A_355 = arith.constant 0 : index
    %get3A_356 = vector.load %arg2[%get3A_353, %get3A_354, %get3A_355] : memref<8x8x128xf32, #tpu.memory_space<vmem>>, vector<8x1x128xf32>
    %get3A_357 = vector.shape_cast %get3A_356 : vector<8x1x128xf32> to vector<8x128xf32>
    %get3A_358 = arith.constant 0 : index
    %get3A_359 = arith.constant 7 : index
    %get3A_360 = arith.constant 0 : index
    %get3A_361 = vector.load %arg2[%get3A_358, %get3A_359, %get3A_360] : memref<8x8x128xf32, #tpu.memory_space<vmem>>, vector<8x1x128xf32>
    %get3A_362 = vector.shape_cast %get3A_361 : vector<8x1x128xf32> to vector<8x128xf32>
    %add3A_363 = arith.constant 1.000000e-07 : f32
    %add3A_364 = vector.broadcast %add3A_363 : f32 to vector<8x128xf32>
    %add3A_365 = arith.addf %get3A_362, %add3A_364 : vector<8x128xf32>
    %div3A_366 = arith.divf %get3A_357, %add3A_365 : vector<8x128xf32>
    %atan23A_367 = math.atan2 %div3A_366, %broadcast_in_dim3A_348 : vector<8x128xf32>
    %ge3A = arith.constant 0.000000e+00 : f32
    %ge3A_368 = vector.broadcast %ge3A : f32 to vector<8x128xf32>
    %ge3A_369 = arith.cmpf oge, %get3A_362, %ge3A_368 : vector<8x128xf32>
    %sub3A_370 = arith.constant 1.57079637 : f32
    %sub3A_371 = vector.broadcast %sub3A_370 : f32 to vector<8x128xf32>
    %sub3A_372 = arith.subf %atan23A_367, %sub3A_371 : vector<8x128xf32>
    %add3A_373 = arith.constant 1.57079637 : f32
    %add3A_374 = vector.broadcast %add3A_373 : f32 to vector<8x128xf32>
    %add3A_375 = arith.addf %atan23A_367, %add3A_374 : vector<8x128xf32>
    %select_n3A_376 = arith.select %ge3A_369, %sub3A_372, %add3A_375 : vector<8x128xi1>, vector<8x128xf32>
    %add3A_377 = arith.addf %select_n3A_376, %atan23A : vector<8x128xf32>
    %gt3A = arith.constant 3.14159274 : f32
    %gt3A_378 = vector.broadcast %gt3A : f32 to vector<8x128xf32>
    %gt3A_379 = arith.cmpf ogt, %add3A_377, %gt3A_378 : vector<8x128xf32>
    %sub3A_380 = arith.constant 6.28318548 : f32
    %sub3A_381 = vector.broadcast %sub3A_380 : f32 to vector<8x128xf32>
    %sub3A_382 = arith.subf %add3A_377, %sub3A_381 : vector<8x128xf32>
    %select_n3A_383 = arith.select %gt3A_379, %sub3A_382, %add3A_377 : vector<8x128xi1>, vector<8x128xf32>
    %lt3A = arith.constant -3.14159274 : f32
    %lt3A_384 = vector.broadcast %lt3A : f32 to vector<8x128xf32>
    %lt3A_385 = arith.cmpf olt, %select_n3A_383, %lt3A_384 : vector<8x128xf32>
    %add3A_386 = arith.constant 6.28318548 : f32
    %add3A_387 = vector.broadcast %add3A_386 : f32 to vector<8x128xf32>
    %add3A_388 = arith.addf %select_n3A_383, %add3A_387 : vector<8x128xf32>
    %select_n3A_389 = arith.select %lt3A_385, %add3A_388, %select_n3A_383 : vector<8x128xi1>, vector<8x128xf32>
    %cos3A = math.cos %select_n3A_389 : vector<8x128xf32>
    %sin3A = math.sin %select_n3A_389 : vector<8x128xf32>
    %get3A_390 = arith.constant 0 : index
    %get3A_391 = arith.constant 0 : index
    %get3A_392 = vector.load %arg4[%get3A_390, %get3A_391] : memref<8x9xf32, #tpu.memory_space<vmem>>, vector<8x9xf32>
    %slice3A_393 = vector.extract_strided_slice %get3A_392 {offsets = [0, 0], sizes = [8, 1], strides = [1, 1]} : vector<8x9xf32> to vector<8x1xf32>
    %slice3A_394 = vector.extract_strided_slice %get3A_392 {offsets = [0, 1], sizes = [8, 1], strides = [1, 1]} : vector<8x9xf32> to vector<8x1xf32>
    %slice3A_395 = vector.extract_strided_slice %get3A_392 {offsets = [0, 2], sizes = [8, 1], strides = [1, 1]} : vector<8x9xf32> to vector<8x1xf32>
    %slice3A_396 = vector.extract_strided_slice %get3A_392 {offsets = [0, 3], sizes = [8, 1], strides = [1, 1]} : vector<8x9xf32> to vector<8x1xf32>
    %slice3A_397 = vector.extract_strided_slice %get3A_392 {offsets = [0, 4], sizes = [8, 1], strides = [1, 1]} : vector<8x9xf32> to vector<8x1xf32>
    %slice3A_398 = vector.extract_strided_slice %get3A_392 {offsets = [0, 5], sizes = [8, 1], strides = [1, 1]} : vector<8x9xf32> to vector<8x1xf32>
    %slice3A_399 = vector.extract_strided_slice %get3A_392 {offsets = [0, 6], sizes = [8, 1], strides = [1, 1]} : vector<8x9xf32> to vector<8x1xf32>
    %slice3A_400 = vector.extract_strided_slice %get3A_392 {offsets = [0, 7], sizes = [8, 1], strides = [1, 1]} : vector<8x9xf32> to vector<8x1xf32>
    %slice3A_401 = vector.extract_strided_slice %get3A_392 {offsets = [0, 8], sizes = [8, 1], strides = [1, 1]} : vector<8x9xf32> to vector<8x1xf32>
    %broadcast_in_dim3A_402 = arith.constant 1.000000e+30 : f32
    %broadcast_in_dim3A_403 = vector.broadcast %broadcast_in_dim3A_402 : f32 to vector<8x128xf32>
    %neg3A_404 = arith.constant 0.000000e+00 : f32
    %neg3A_405 = arith.constant 1.000000e+30 : f32
    %neg3A_406 = arith.subf %neg3A_404, %neg3A_405 : f32
    %broadcast_in_dim3A_407 = vector.broadcast %neg3A_406 : f32 to vector<8x128xf32>
    %broadcast_in_dim3A_408 = arith.constant 1.000000e+30 : f32
    %broadcast_in_dim3A_409 = vector.broadcast %broadcast_in_dim3A_408 : f32 to vector<8x128xf32>
    %neg3A_410 = arith.constant 0.000000e+00 : f32
    %neg3A_411 = arith.constant 1.000000e+30 : f32
    %neg3A_412 = arith.subf %neg3A_410, %neg3A_411 : f32
    %broadcast_in_dim3A_413 = vector.broadcast %neg3A_412 : f32 to vector<8x128xf32>
    %mul3A_414 = arith.constant -5.000000e-01 : f32
    %mul3A_415 = vector.broadcast %mul3A_414 : f32 to vector<8x128xf32>
    %mul3A_416 = arith.mulf %mul3A_306, %mul3A_415 : vector<8x128xf32>
    %mul3A_417 = arith.constant -1.000000e+00 : f32
    %mul3A_418 = vector.broadcast %mul3A_417 : f32 to vector<8x128xf32>
    %mul3A_419 = arith.mulf %mul3A_324, %mul3A_418 : vector<8x128xf32>
    %mul3A_420 = arith.constant -5.000000e-01 : f32
    %mul3A_421 = vector.broadcast %mul3A_420 : f32 to vector<8x128xf32>
    %mul3A_422 = arith.mulf %mul3A_342, %mul3A_421 : vector<8x128xf32>
    %mul3A_423 = arith.mulf %cos3A, %mul3A_416 : vector<8x128xf32>
    %mul3A_424 = arith.mulf %sin3A, %mul3A_422 : vector<8x128xf32>
    %add3A_425 = arith.addf %mul3A_423, %mul3A_424 : vector<8x128xf32>
    %add3A_426 = arith.addf %add3A_425, %add3A_255 : vector<8x128xf32>
    %add3A_427 = arith.addf %mul3A_419, %add3A_346 : vector<8x128xf32>
    %neg3A_428 = arith.constant 0.000000e+00 : f32
    %neg3A_429 = vector.broadcast %neg3A_428 : f32 to vector<8x128xf32>
    %neg3A_430 = arith.subf %neg3A_429, %sin3A : vector<8x128xf32>
    %mul3A_431 = arith.mulf %neg3A_430, %mul3A_416 : vector<8x128xf32>
    %mul3A_432 = arith.mulf %cos3A, %mul3A_422 : vector<8x128xf32>
    %add3A_433 = arith.addf %mul3A_431, %mul3A_432 : vector<8x128xf32>
    %add3A_434 = arith.addf %add3A_433, %add3A_271 : vector<8x128xf32>
    %mul3A_435 = vector.broadcast %slice3A_399 : vector<8x1xf32> to vector<8x128xf32>
    %mul3A_436 = arith.mulf %mul3A_435, %add3A_426 : vector<8x128xf32>
    %mul3A_437 = vector.broadcast %slice3A_400 : vector<8x1xf32> to vector<8x128xf32>
    %mul3A_438 = arith.mulf %mul3A_437, %add3A_427 : vector<8x128xf32>
    %add3A_439 = arith.addf %mul3A_436, %mul3A_438 : vector<8x128xf32>
    %mul3A_440 = vector.broadcast %slice3A_401 : vector<8x1xf32> to vector<8x128xf32>
    %mul3A_441 = arith.mulf %mul3A_440, %add3A_434 : vector<8x128xf32>
    %add3A_442 = arith.addf %add3A_439, %mul3A_441 : vector<8x128xf32>
    %mul3A_443 = vector.broadcast %slice3A_393 : vector<8x1xf32> to vector<8x128xf32>
    %mul3A_444 = arith.mulf %mul3A_443, %add3A_426 : vector<8x128xf32>
    %mul3A_445 = vector.broadcast %slice3A_394 : vector<8x1xf32> to vector<8x128xf32>
    %mul3A_446 = arith.mulf %mul3A_445, %add3A_427 : vector<8x128xf32>
    %add3A_447 = arith.addf %mul3A_444, %mul3A_446 : vector<8x128xf32>
    %mul3A_448 = vector.broadcast %slice3A_395 : vector<8x1xf32> to vector<8x128xf32>
    %mul3A_449 = arith.mulf %mul3A_448, %add3A_434 : vector<8x128xf32>
    %add3A_450 = arith.addf %add3A_447, %mul3A_449 : vector<8x128xf32>
    %div3A_451 = arith.divf %add3A_450, %add3A_442 : vector<8x128xf32>
    %mul3A_452 = vector.broadcast %slice3A_396 : vector<8x1xf32> to vector<8x128xf32>
    %mul3A_453 = arith.mulf %mul3A_452, %add3A_426 : vector<8x128xf32>
    %mul3A_454 = vector.broadcast %slice3A_397 : vector<8x1xf32> to vector<8x128xf32>
    %mul3A_455 = arith.mulf %mul3A_454, %add3A_427 : vector<8x128xf32>
    %add3A_456 = arith.addf %mul3A_453, %mul3A_455 : vector<8x128xf32>
    %mul3A_457 = vector.broadcast %slice3A_398 : vector<8x1xf32> to vector<8x128xf32>
    %mul3A_458 = arith.mulf %mul3A_457, %add3A_434 : vector<8x128xf32>
    %add3A_459 = arith.addf %add3A_456, %mul3A_458 : vector<8x128xf32>
    %div3A_460 = arith.divf %add3A_459, %add3A_442 : vector<8x128xf32>
    %min3A = arith.minimumf %broadcast_in_dim3A_403, %div3A_451 : vector<8x128xf32>
    %max3A = arith.maximumf %broadcast_in_dim3A_407, %div3A_451 : vector<8x128xf32>
    %min3A_461 = arith.minimumf %broadcast_in_dim3A_409, %div3A_460 : vector<8x128xf32>
    %max3A_462 = arith.maximumf %broadcast_in_dim3A_413, %div3A_460 : vector<8x128xf32>
    %mul3A_463 = arith.constant 5.000000e-01 : f32
    %mul3A_464 = vector.broadcast %mul3A_463 : f32 to vector<8x128xf32>
    %mul3A_465 = arith.mulf %mul3A_306, %mul3A_464 : vector<8x128xf32>
    %mul3A_466 = arith.constant -1.000000e+00 : f32
    %mul3A_467 = vector.broadcast %mul3A_466 : f32 to vector<8x128xf32>
    %mul3A_468 = arith.mulf %mul3A_324, %mul3A_467 : vector<8x128xf32>
    %mul3A_469 = arith.constant -5.000000e-01 : f32
    %mul3A_470 = vector.broadcast %mul3A_469 : f32 to vector<8x128xf32>
    %mul3A_471 = arith.mulf %mul3A_342, %mul3A_470 : vector<8x128xf32>
    %mul3A_472 = arith.mulf %cos3A, %mul3A_465 : vector<8x128xf32>
    %mul3A_473 = arith.mulf %sin3A, %mul3A_471 : vector<8x128xf32>
    %add3A_474 = arith.addf %mul3A_472, %mul3A_473 : vector<8x128xf32>
    %add3A_475 = arith.addf %add3A_474, %add3A_255 : vector<8x128xf32>
    %add3A_476 = arith.addf %mul3A_468, %add3A_346 : vector<8x128xf32>
    %neg3A_477 = arith.constant 0.000000e+00 : f32
    %neg3A_478 = vector.broadcast %neg3A_477 : f32 to vector<8x128xf32>
    %neg3A_479 = arith.subf %neg3A_478, %sin3A : vector<8x128xf32>
    %mul3A_480 = arith.mulf %neg3A_479, %mul3A_465 : vector<8x128xf32>
    %mul3A_481 = arith.mulf %cos3A, %mul3A_471 : vector<8x128xf32>
    %add3A_482 = arith.addf %mul3A_480, %mul3A_481 : vector<8x128xf32>
    %add3A_483 = arith.addf %add3A_482, %add3A_271 : vector<8x128xf32>
    %mul3A_484 = vector.broadcast %slice3A_399 : vector<8x1xf32> to vector<8x128xf32>
    %mul3A_485 = arith.mulf %mul3A_484, %add3A_475 : vector<8x128xf32>
    %mul3A_486 = vector.broadcast %slice3A_400 : vector<8x1xf32> to vector<8x128xf32>
    %mul3A_487 = arith.mulf %mul3A_486, %add3A_476 : vector<8x128xf32>
    %add3A_488 = arith.addf %mul3A_485, %mul3A_487 : vector<8x128xf32>
    %mul3A_489 = vector.broadcast %slice3A_401 : vector<8x1xf32> to vector<8x128xf32>
    %mul3A_490 = arith.mulf %mul3A_489, %add3A_483 : vector<8x128xf32>
    %add3A_491 = arith.addf %add3A_488, %mul3A_490 : vector<8x128xf32>
    %mul3A_492 = vector.broadcast %slice3A_393 : vector<8x1xf32> to vector<8x128xf32>
    %mul3A_493 = arith.mulf %mul3A_492, %add3A_475 : vector<8x128xf32>
    %mul3A_494 = vector.broadcast %slice3A_394 : vector<8x1xf32> to vector<8x128xf32>
    %mul3A_495 = arith.mulf %mul3A_494, %add3A_476 : vector<8x128xf32>
    %add3A_496 = arith.addf %mul3A_493, %mul3A_495 : vector<8x128xf32>
    %mul3A_497 = vector.broadcast %slice3A_395 : vector<8x1xf32> to vector<8x128xf32>
    %mul3A_498 = arith.mulf %mul3A_497, %add3A_483 : vector<8x128xf32>
    %add3A_499 = arith.addf %add3A_496, %mul3A_498 : vector<8x128xf32>
    %div3A_500 = arith.divf %add3A_499, %add3A_491 : vector<8x128xf32>
    %mul3A_501 = vector.broadcast %slice3A_396 : vector<8x1xf32> to vector<8x128xf32>
    %mul3A_502 = arith.mulf %mul3A_501, %add3A_475 : vector<8x128xf32>
    %mul3A_503 = vector.broadcast %slice3A_397 : vector<8x1xf32> to vector<8x128xf32>
    %mul3A_504 = arith.mulf %mul3A_503, %add3A_476 : vector<8x128xf32>
    %add3A_505 = arith.addf %mul3A_502, %mul3A_504 : vector<8x128xf32>
    %mul3A_506 = vector.broadcast %slice3A_398 : vector<8x1xf32> to vector<8x128xf32>
    %mul3A_507 = arith.mulf %mul3A_506, %add3A_483 : vector<8x128xf32>
    %add3A_508 = arith.addf %add3A_505, %mul3A_507 : vector<8x128xf32>
    %div3A_509 = arith.divf %add3A_508, %add3A_491 : vector<8x128xf32>
    %min3A_510 = arith.minimumf %min3A, %div3A_500 : vector<8x128xf32>
    %max3A_511 = arith.maximumf %max3A, %div3A_500 : vector<8x128xf32>
    %min3A_512 = arith.minimumf %min3A_461, %div3A_509 : vector<8x128xf32>
    %max3A_513 = arith.maximumf %max3A_462, %div3A_509 : vector<8x128xf32>
    %mul3A_514 = arith.constant 5.000000e-01 : f32
    %mul3A_515 = vector.broadcast %mul3A_514 : f32 to vector<8x128xf32>
    %mul3A_516 = arith.mulf %mul3A_306, %mul3A_515 : vector<8x128xf32>
    %mul3A_517 = arith.constant 0.000000e+00 : f32
    %mul3A_518 = vector.broadcast %mul3A_517 : f32 to vector<8x128xf32>
    %mul3A_519 = arith.mulf %mul3A_324, %mul3A_518 : vector<8x128xf32>
    %mul3A_520 = arith.constant -5.000000e-01 : f32
    %mul3A_521 = vector.broadcast %mul3A_520 : f32 to vector<8x128xf32>
    %mul3A_522 = arith.mulf %mul3A_342, %mul3A_521 : vector<8x128xf32>
    %mul3A_523 = arith.mulf %cos3A, %mul3A_516 : vector<8x128xf32>
    %mul3A_524 = arith.mulf %sin3A, %mul3A_522 : vector<8x128xf32>
    %add3A_525 = arith.addf %mul3A_523, %mul3A_524 : vector<8x128xf32>
    %add3A_526 = arith.addf %add3A_525, %add3A_255 : vector<8x128xf32>
    %add3A_527 = arith.addf %mul3A_519, %add3A_346 : vector<8x128xf32>
    %neg3A_528 = arith.constant 0.000000e+00 : f32
    %neg3A_529 = vector.broadcast %neg3A_528 : f32 to vector<8x128xf32>
    %neg3A_530 = arith.subf %neg3A_529, %sin3A : vector<8x128xf32>
    %mul3A_531 = arith.mulf %neg3A_530, %mul3A_516 : vector<8x128xf32>
    %mul3A_532 = arith.mulf %cos3A, %mul3A_522 : vector<8x128xf32>
    %add3A_533 = arith.addf %mul3A_531, %mul3A_532 : vector<8x128xf32>
    %add3A_534 = arith.addf %add3A_533, %add3A_271 : vector<8x128xf32>
    %mul3A_535 = vector.broadcast %slice3A_399 : vector<8x1xf32> to vector<8x128xf32>
    %mul3A_536 = arith.mulf %mul3A_535, %add3A_526 : vector<8x128xf32>
    %mul3A_537 = vector.broadcast %slice3A_400 : vector<8x1xf32> to vector<8x128xf32>
    %mul3A_538 = arith.mulf %mul3A_537, %add3A_527 : vector<8x128xf32>
    %add3A_539 = arith.addf %mul3A_536, %mul3A_538 : vector<8x128xf32>
    %mul3A_540 = vector.broadcast %slice3A_401 : vector<8x1xf32> to vector<8x128xf32>
    %mul3A_541 = arith.mulf %mul3A_540, %add3A_534 : vector<8x128xf32>
    %add3A_542 = arith.addf %add3A_539, %mul3A_541 : vector<8x128xf32>
    %mul3A_543 = vector.broadcast %slice3A_393 : vector<8x1xf32> to vector<8x128xf32>
    %mul3A_544 = arith.mulf %mul3A_543, %add3A_526 : vector<8x128xf32>
    %mul3A_545 = vector.broadcast %slice3A_394 : vector<8x1xf32> to vector<8x128xf32>
    %mul3A_546 = arith.mulf %mul3A_545, %add3A_527 : vector<8x128xf32>
    %add3A_547 = arith.addf %mul3A_544, %mul3A_546 : vector<8x128xf32>
    %mul3A_548 = vector.broadcast %slice3A_395 : vector<8x1xf32> to vector<8x128xf32>
    %mul3A_549 = arith.mulf %mul3A_548, %add3A_534 : vector<8x128xf32>
    %add3A_550 = arith.addf %add3A_547, %mul3A_549 : vector<8x128xf32>
    %div3A_551 = arith.divf %add3A_550, %add3A_542 : vector<8x128xf32>
    %mul3A_552 = vector.broadcast %slice3A_396 : vector<8x1xf32> to vector<8x128xf32>
    %mul3A_553 = arith.mulf %mul3A_552, %add3A_526 : vector<8x128xf32>
    %mul3A_554 = vector.broadcast %slice3A_397 : vector<8x1xf32> to vector<8x128xf32>
    %mul3A_555 = arith.mulf %mul3A_554, %add3A_527 : vector<8x128xf32>
    %add3A_556 = arith.addf %mul3A_553, %mul3A_555 : vector<8x128xf32>
    %mul3A_557 = vector.broadcast %slice3A_398 : vector<8x1xf32> to vector<8x128xf32>
    %mul3A_558 = arith.mulf %mul3A_557, %add3A_534 : vector<8x128xf32>
    %add3A_559 = arith.addf %add3A_556, %mul3A_558 : vector<8x128xf32>
    %div3A_560 = arith.divf %add3A_559, %add3A_542 : vector<8x128xf32>
    %min3A_561 = arith.minimumf %min3A_510, %div3A_551 : vector<8x128xf32>
    %max3A_562 = arith.maximumf %max3A_511, %div3A_551 : vector<8x128xf32>
    %min3A_563 = arith.minimumf %min3A_512, %div3A_560 : vector<8x128xf32>
    %max3A_564 = arith.maximumf %max3A_513, %div3A_560 : vector<8x128xf32>
    %mul3A_565 = arith.constant 5.000000e-01 : f32
    %mul3A_566 = vector.broadcast %mul3A_565 : f32 to vector<8x128xf32>
    %mul3A_567 = arith.mulf %mul3A_306, %mul3A_566 : vector<8x128xf32>
    %mul3A_568 = arith.constant 0.000000e+00 : f32
    %mul3A_569 = vector.broadcast %mul3A_568 : f32 to vector<8x128xf32>
    %mul3A_570 = arith.mulf %mul3A_324, %mul3A_569 : vector<8x128xf32>
    %mul3A_571 = arith.constant 5.000000e-01 : f32
    %mul3A_572 = vector.broadcast %mul3A_571 : f32 to vector<8x128xf32>
    %mul3A_573 = arith.mulf %mul3A_342, %mul3A_572 : vector<8x128xf32>
    %mul3A_574 = arith.mulf %cos3A, %mul3A_567 : vector<8x128xf32>
    %mul3A_575 = arith.mulf %sin3A, %mul3A_573 : vector<8x128xf32>
    %add3A_576 = arith.addf %mul3A_574, %mul3A_575 : vector<8x128xf32>
    %add3A_577 = arith.addf %add3A_576, %add3A_255 : vector<8x128xf32>
    %add3A_578 = arith.addf %mul3A_570, %add3A_346 : vector<8x128xf32>
    %neg3A_579 = arith.constant 0.000000e+00 : f32
    %neg3A_580 = vector.broadcast %neg3A_579 : f32 to vector<8x128xf32>
    %neg3A_581 = arith.subf %neg3A_580, %sin3A : vector<8x128xf32>
    %mul3A_582 = arith.mulf %neg3A_581, %mul3A_567 : vector<8x128xf32>
    %mul3A_583 = arith.mulf %cos3A, %mul3A_573 : vector<8x128xf32>
    %add3A_584 = arith.addf %mul3A_582, %mul3A_583 : vector<8x128xf32>
    %add3A_585 = arith.addf %add3A_584, %add3A_271 : vector<8x128xf32>
    %mul3A_586 = vector.broadcast %slice3A_399 : vector<8x1xf32> to vector<8x128xf32>
    %mul3A_587 = arith.mulf %mul3A_586, %add3A_577 : vector<8x128xf32>
    %mul3A_588 = vector.broadcast %slice3A_400 : vector<8x1xf32> to vector<8x128xf32>
    %mul3A_589 = arith.mulf %mul3A_588, %add3A_578 : vector<8x128xf32>
    %add3A_590 = arith.addf %mul3A_587, %mul3A_589 : vector<8x128xf32>
    %mul3A_591 = vector.broadcast %slice3A_401 : vector<8x1xf32> to vector<8x128xf32>
    %mul3A_592 = arith.mulf %mul3A_591, %add3A_585 : vector<8x128xf32>
    %add3A_593 = arith.addf %add3A_590, %mul3A_592 : vector<8x128xf32>
    %mul3A_594 = vector.broadcast %slice3A_393 : vector<8x1xf32> to vector<8x128xf32>
    %mul3A_595 = arith.mulf %mul3A_594, %add3A_577 : vector<8x128xf32>
    %mul3A_596 = vector.broadcast %slice3A_394 : vector<8x1xf32> to vector<8x128xf32>
    %mul3A_597 = arith.mulf %mul3A_596, %add3A_578 : vector<8x128xf32>
    %add3A_598 = arith.addf %mul3A_595, %mul3A_597 : vector<8x128xf32>
    %mul3A_599 = vector.broadcast %slice3A_395 : vector<8x1xf32> to vector<8x128xf32>
    %mul3A_600 = arith.mulf %mul3A_599, %add3A_585 : vector<8x128xf32>
    %add3A_601 = arith.addf %add3A_598, %mul3A_600 : vector<8x128xf32>
    %div3A_602 = arith.divf %add3A_601, %add3A_593 : vector<8x128xf32>
    %mul3A_603 = vector.broadcast %slice3A_396 : vector<8x1xf32> to vector<8x128xf32>
    %mul3A_604 = arith.mulf %mul3A_603, %add3A_577 : vector<8x128xf32>
    %mul3A_605 = vector.broadcast %slice3A_397 : vector<8x1xf32> to vector<8x128xf32>
    %mul3A_606 = arith.mulf %mul3A_605, %add3A_578 : vector<8x128xf32>
    %add3A_607 = arith.addf %mul3A_604, %mul3A_606 : vector<8x128xf32>
    %mul3A_608 = vector.broadcast %slice3A_398 : vector<8x1xf32> to vector<8x128xf32>
    %mul3A_609 = arith.mulf %mul3A_608, %add3A_585 : vector<8x128xf32>
    %add3A_610 = arith.addf %add3A_607, %mul3A_609 : vector<8x128xf32>
    %div3A_611 = arith.divf %add3A_610, %add3A_593 : vector<8x128xf32>
    %min3A_612 = arith.minimumf %min3A_561, %div3A_602 : vector<8x128xf32>
    %max3A_613 = arith.maximumf %max3A_562, %div3A_602 : vector<8x128xf32>
    %min3A_614 = arith.minimumf %min3A_563, %div3A_611 : vector<8x128xf32>
    %max3A_615 = arith.maximumf %max3A_564, %div3A_611 : vector<8x128xf32>
    %mul3A_616 = arith.constant 5.000000e-01 : f32
    %mul3A_617 = vector.broadcast %mul3A_616 : f32 to vector<8x128xf32>
    %mul3A_618 = arith.mulf %mul3A_306, %mul3A_617 : vector<8x128xf32>
    %mul3A_619 = arith.constant -1.000000e+00 : f32
    %mul3A_620 = vector.broadcast %mul3A_619 : f32 to vector<8x128xf32>
    %mul3A_621 = arith.mulf %mul3A_324, %mul3A_620 : vector<8x128xf32>
    %mul3A_622 = arith.constant 5.000000e-01 : f32
    %mul3A_623 = vector.broadcast %mul3A_622 : f32 to vector<8x128xf32>
    %mul3A_624 = arith.mulf %mul3A_342, %mul3A_623 : vector<8x128xf32>
    %mul3A_625 = arith.mulf %cos3A, %mul3A_618 : vector<8x128xf32>
    %mul3A_626 = arith.mulf %sin3A, %mul3A_624 : vector<8x128xf32>
    %add3A_627 = arith.addf %mul3A_625, %mul3A_626 : vector<8x128xf32>
    %add3A_628 = arith.addf %add3A_627, %add3A_255 : vector<8x128xf32>
    %add3A_629 = arith.addf %mul3A_621, %add3A_346 : vector<8x128xf32>
    %neg3A_630 = arith.constant 0.000000e+00 : f32
    %neg3A_631 = vector.broadcast %neg3A_630 : f32 to vector<8x128xf32>
    %neg3A_632 = arith.subf %neg3A_631, %sin3A : vector<8x128xf32>
    %mul3A_633 = arith.mulf %neg3A_632, %mul3A_618 : vector<8x128xf32>
    %mul3A_634 = arith.mulf %cos3A, %mul3A_624 : vector<8x128xf32>
    %add3A_635 = arith.addf %mul3A_633, %mul3A_634 : vector<8x128xf32>
    %add3A_636 = arith.addf %add3A_635, %add3A_271 : vector<8x128xf32>
    %mul3A_637 = vector.broadcast %slice3A_399 : vector<8x1xf32> to vector<8x128xf32>
    %mul3A_638 = arith.mulf %mul3A_637, %add3A_628 : vector<8x128xf32>
    %mul3A_639 = vector.broadcast %slice3A_400 : vector<8x1xf32> to vector<8x128xf32>
    %mul3A_640 = arith.mulf %mul3A_639, %add3A_629 : vector<8x128xf32>
    %add3A_641 = arith.addf %mul3A_638, %mul3A_640 : vector<8x128xf32>
    %mul3A_642 = vector.broadcast %slice3A_401 : vector<8x1xf32> to vector<8x128xf32>
    %mul3A_643 = arith.mulf %mul3A_642, %add3A_636 : vector<8x128xf32>
    %add3A_644 = arith.addf %add3A_641, %mul3A_643 : vector<8x128xf32>
    %mul3A_645 = vector.broadcast %slice3A_393 : vector<8x1xf32> to vector<8x128xf32>
    %mul3A_646 = arith.mulf %mul3A_645, %add3A_628 : vector<8x128xf32>
    %mul3A_647 = vector.broadcast %slice3A_394 : vector<8x1xf32> to vector<8x128xf32>
    %mul3A_648 = arith.mulf %mul3A_647, %add3A_629 : vector<8x128xf32>
    %add3A_649 = arith.addf %mul3A_646, %mul3A_648 : vector<8x128xf32>
    %mul3A_650 = vector.broadcast %slice3A_395 : vector<8x1xf32> to vector<8x128xf32>
    %mul3A_651 = arith.mulf %mul3A_650, %add3A_636 : vector<8x128xf32>
    %add3A_652 = arith.addf %add3A_649, %mul3A_651 : vector<8x128xf32>
    %div3A_653 = arith.divf %add3A_652, %add3A_644 : vector<8x128xf32>
    %mul3A_654 = vector.broadcast %slice3A_396 : vector<8x1xf32> to vector<8x128xf32>
    %mul3A_655 = arith.mulf %mul3A_654, %add3A_628 : vector<8x128xf32>
    %mul3A_656 = vector.broadcast %slice3A_397 : vector<8x1xf32> to vector<8x128xf32>
    %mul3A_657 = arith.mulf %mul3A_656, %add3A_629 : vector<8x128xf32>
    %add3A_658 = arith.addf %mul3A_655, %mul3A_657 : vector<8x128xf32>
    %mul3A_659 = vector.broadcast %slice3A_398 : vector<8x1xf32> to vector<8x128xf32>
    %mul3A_660 = arith.mulf %mul3A_659, %add3A_636 : vector<8x128xf32>
    %add3A_661 = arith.addf %add3A_658, %mul3A_660 : vector<8x128xf32>
    %div3A_662 = arith.divf %add3A_661, %add3A_644 : vector<8x128xf32>
    %min3A_663 = arith.minimumf %min3A_612, %div3A_653 : vector<8x128xf32>
    %max3A_664 = arith.maximumf %max3A_613, %div3A_653 : vector<8x128xf32>
    %min3A_665 = arith.minimumf %min3A_614, %div3A_662 : vector<8x128xf32>
    %max3A_666 = arith.maximumf %max3A_615, %div3A_662 : vector<8x128xf32>
    %mul3A_667 = arith.constant -5.000000e-01 : f32
    %mul3A_668 = vector.broadcast %mul3A_667 : f32 to vector<8x128xf32>
    %mul3A_669 = arith.mulf %mul3A_306, %mul3A_668 : vector<8x128xf32>
    %mul3A_670 = arith.constant -1.000000e+00 : f32
    %mul3A_671 = vector.broadcast %mul3A_670 : f32 to vector<8x128xf32>
    %mul3A_672 = arith.mulf %mul3A_324, %mul3A_671 : vector<8x128xf32>
    %mul3A_673 = arith.constant 5.000000e-01 : f32
    %mul3A_674 = vector.broadcast %mul3A_673 : f32 to vector<8x128xf32>
    %mul3A_675 = arith.mulf %mul3A_342, %mul3A_674 : vector<8x128xf32>
    %mul3A_676 = arith.mulf %cos3A, %mul3A_669 : vector<8x128xf32>
    %mul3A_677 = arith.mulf %sin3A, %mul3A_675 : vector<8x128xf32>
    %add3A_678 = arith.addf %mul3A_676, %mul3A_677 : vector<8x128xf32>
    %add3A_679 = arith.addf %add3A_678, %add3A_255 : vector<8x128xf32>
    %add3A_680 = arith.addf %mul3A_672, %add3A_346 : vector<8x128xf32>
    %neg3A_681 = arith.constant 0.000000e+00 : f32
    %neg3A_682 = vector.broadcast %neg3A_681 : f32 to vector<8x128xf32>
    %neg3A_683 = arith.subf %neg3A_682, %sin3A : vector<8x128xf32>
    %mul3A_684 = arith.mulf %neg3A_683, %mul3A_669 : vector<8x128xf32>
    %mul3A_685 = arith.mulf %cos3A, %mul3A_675 : vector<8x128xf32>
    %add3A_686 = arith.addf %mul3A_684, %mul3A_685 : vector<8x128xf32>
    %add3A_687 = arith.addf %add3A_686, %add3A_271 : vector<8x128xf32>
    %mul3A_688 = vector.broadcast %slice3A_399 : vector<8x1xf32> to vector<8x128xf32>
    %mul3A_689 = arith.mulf %mul3A_688, %add3A_679 : vector<8x128xf32>
    %mul3A_690 = vector.broadcast %slice3A_400 : vector<8x1xf32> to vector<8x128xf32>
    %mul3A_691 = arith.mulf %mul3A_690, %add3A_680 : vector<8x128xf32>
    %add3A_692 = arith.addf %mul3A_689, %mul3A_691 : vector<8x128xf32>
    %mul3A_693 = vector.broadcast %slice3A_401 : vector<8x1xf32> to vector<8x128xf32>
    %mul3A_694 = arith.mulf %mul3A_693, %add3A_687 : vector<8x128xf32>
    %add3A_695 = arith.addf %add3A_692, %mul3A_694 : vector<8x128xf32>
    %mul3A_696 = vector.broadcast %slice3A_393 : vector<8x1xf32> to vector<8x128xf32>
    %mul3A_697 = arith.mulf %mul3A_696, %add3A_679 : vector<8x128xf32>
    %mul3A_698 = vector.broadcast %slice3A_394 : vector<8x1xf32> to vector<8x128xf32>
    %mul3A_699 = arith.mulf %mul3A_698, %add3A_680 : vector<8x128xf32>
    %add3A_700 = arith.addf %mul3A_697, %mul3A_699 : vector<8x128xf32>
    %mul3A_701 = vector.broadcast %slice3A_395 : vector<8x1xf32> to vector<8x128xf32>
    %mul3A_702 = arith.mulf %mul3A_701, %add3A_687 : vector<8x128xf32>
    %add3A_703 = arith.addf %add3A_700, %mul3A_702 : vector<8x128xf32>
    %div3A_704 = arith.divf %add3A_703, %add3A_695 : vector<8x128xf32>
    %mul3A_705 = vector.broadcast %slice3A_396 : vector<8x1xf32> to vector<8x128xf32>
    %mul3A_706 = arith.mulf %mul3A_705, %add3A_679 : vector<8x128xf32>
    %mul3A_707 = vector.broadcast %slice3A_397 : vector<8x1xf32> to vector<8x128xf32>
    %mul3A_708 = arith.mulf %mul3A_707, %add3A_680 : vector<8x128xf32>
    %add3A_709 = arith.addf %mul3A_706, %mul3A_708 : vector<8x128xf32>
    %mul3A_710 = vector.broadcast %slice3A_398 : vector<8x1xf32> to vector<8x128xf32>
    %mul3A_711 = arith.mulf %mul3A_710, %add3A_687 : vector<8x128xf32>
    %add3A_712 = arith.addf %add3A_709, %mul3A_711 : vector<8x128xf32>
    %div3A_713 = arith.divf %add3A_712, %add3A_695 : vector<8x128xf32>
    %min3A_714 = arith.minimumf %min3A_663, %div3A_704 : vector<8x128xf32>
    %max3A_715 = arith.maximumf %max3A_664, %div3A_704 : vector<8x128xf32>
    %min3A_716 = arith.minimumf %min3A_665, %div3A_713 : vector<8x128xf32>
    %max3A_717 = arith.maximumf %max3A_666, %div3A_713 : vector<8x128xf32>
    %mul3A_718 = arith.constant -5.000000e-01 : f32
    %mul3A_719 = vector.broadcast %mul3A_718 : f32 to vector<8x128xf32>
    %mul3A_720 = arith.mulf %mul3A_306, %mul3A_719 : vector<8x128xf32>
    %mul3A_721 = arith.constant 0.000000e+00 : f32
    %mul3A_722 = vector.broadcast %mul3A_721 : f32 to vector<8x128xf32>
    %mul3A_723 = arith.mulf %mul3A_324, %mul3A_722 : vector<8x128xf32>
    %mul3A_724 = arith.constant 5.000000e-01 : f32
    %mul3A_725 = vector.broadcast %mul3A_724 : f32 to vector<8x128xf32>
    %mul3A_726 = arith.mulf %mul3A_342, %mul3A_725 : vector<8x128xf32>
    %mul3A_727 = arith.mulf %cos3A, %mul3A_720 : vector<8x128xf32>
    %mul3A_728 = arith.mulf %sin3A, %mul3A_726 : vector<8x128xf32>
    %add3A_729 = arith.addf %mul3A_727, %mul3A_728 : vector<8x128xf32>
    %add3A_730 = arith.addf %add3A_729, %add3A_255 : vector<8x128xf32>
    %add3A_731 = arith.addf %mul3A_723, %add3A_346 : vector<8x128xf32>
    %neg3A_732 = arith.constant 0.000000e+00 : f32
    %neg3A_733 = vector.broadcast %neg3A_732 : f32 to vector<8x128xf32>
    %neg3A_734 = arith.subf %neg3A_733, %sin3A : vector<8x128xf32>
    %mul3A_735 = arith.mulf %neg3A_734, %mul3A_720 : vector<8x128xf32>
    %mul3A_736 = arith.mulf %cos3A, %mul3A_726 : vector<8x128xf32>
    %add3A_737 = arith.addf %mul3A_735, %mul3A_736 : vector<8x128xf32>
    %add3A_738 = arith.addf %add3A_737, %add3A_271 : vector<8x128xf32>
    %mul3A_739 = vector.broadcast %slice3A_399 : vector<8x1xf32> to vector<8x128xf32>
    %mul3A_740 = arith.mulf %mul3A_739, %add3A_730 : vector<8x128xf32>
    %mul3A_741 = vector.broadcast %slice3A_400 : vector<8x1xf32> to vector<8x128xf32>
    %mul3A_742 = arith.mulf %mul3A_741, %add3A_731 : vector<8x128xf32>
    %add3A_743 = arith.addf %mul3A_740, %mul3A_742 : vector<8x128xf32>
    %mul3A_744 = vector.broadcast %slice3A_401 : vector<8x1xf32> to vector<8x128xf32>
    %mul3A_745 = arith.mulf %mul3A_744, %add3A_738 : vector<8x128xf32>
    %add3A_746 = arith.addf %add3A_743, %mul3A_745 : vector<8x128xf32>
    %mul3A_747 = vector.broadcast %slice3A_393 : vector<8x1xf32> to vector<8x128xf32>
    %mul3A_748 = arith.mulf %mul3A_747, %add3A_730 : vector<8x128xf32>
    %mul3A_749 = vector.broadcast %slice3A_394 : vector<8x1xf32> to vector<8x128xf32>
    %mul3A_750 = arith.mulf %mul3A_749, %add3A_731 : vector<8x128xf32>
    %add3A_751 = arith.addf %mul3A_748, %mul3A_750 : vector<8x128xf32>
    %mul3A_752 = vector.broadcast %slice3A_395 : vector<8x1xf32> to vector<8x128xf32>
    %mul3A_753 = arith.mulf %mul3A_752, %add3A_738 : vector<8x128xf32>
    %add3A_754 = arith.addf %add3A_751, %mul3A_753 : vector<8x128xf32>
    %div3A_755 = arith.divf %add3A_754, %add3A_746 : vector<8x128xf32>
    %mul3A_756 = vector.broadcast %slice3A_396 : vector<8x1xf32> to vector<8x128xf32>
    %mul3A_757 = arith.mulf %mul3A_756, %add3A_730 : vector<8x128xf32>
    %mul3A_758 = vector.broadcast %slice3A_397 : vector<8x1xf32> to vector<8x128xf32>
    %mul3A_759 = arith.mulf %mul3A_758, %add3A_731 : vector<8x128xf32>
    %add3A_760 = arith.addf %mul3A_757, %mul3A_759 : vector<8x128xf32>
    %mul3A_761 = vector.broadcast %slice3A_398 : vector<8x1xf32> to vector<8x128xf32>
    %mul3A_762 = arith.mulf %mul3A_761, %add3A_738 : vector<8x128xf32>
    %add3A_763 = arith.addf %add3A_760, %mul3A_762 : vector<8x128xf32>
    %div3A_764 = arith.divf %add3A_763, %add3A_746 : vector<8x128xf32>
    %min3A_765 = arith.minimumf %min3A_714, %div3A_755 : vector<8x128xf32>
    %max3A_766 = arith.maximumf %max3A_715, %div3A_755 : vector<8x128xf32>
    %min3A_767 = arith.minimumf %min3A_716, %div3A_764 : vector<8x128xf32>
    %max3A_768 = arith.maximumf %max3A_717, %div3A_764 : vector<8x128xf32>
    %mul3A_769 = arith.constant -5.000000e-01 : f32
    %mul3A_770 = vector.broadcast %mul3A_769 : f32 to vector<8x128xf32>
    %mul3A_771 = arith.mulf %mul3A_306, %mul3A_770 : vector<8x128xf32>
    %mul3A_772 = arith.constant 0.000000e+00 : f32
    %mul3A_773 = vector.broadcast %mul3A_772 : f32 to vector<8x128xf32>
    %mul3A_774 = arith.mulf %mul3A_324, %mul3A_773 : vector<8x128xf32>
    %mul3A_775 = arith.constant -5.000000e-01 : f32
    %mul3A_776 = vector.broadcast %mul3A_775 : f32 to vector<8x128xf32>
    %mul3A_777 = arith.mulf %mul3A_342, %mul3A_776 : vector<8x128xf32>
    %mul3A_778 = arith.mulf %cos3A, %mul3A_771 : vector<8x128xf32>
    %mul3A_779 = arith.mulf %sin3A, %mul3A_777 : vector<8x128xf32>
    %add3A_780 = arith.addf %mul3A_778, %mul3A_779 : vector<8x128xf32>
    %add3A_781 = arith.addf %add3A_780, %add3A_255 : vector<8x128xf32>
    %add3A_782 = arith.addf %mul3A_774, %add3A_346 : vector<8x128xf32>
    %neg3A_783 = arith.constant 0.000000e+00 : f32
    %neg3A_784 = vector.broadcast %neg3A_783 : f32 to vector<8x128xf32>
    %neg3A_785 = arith.subf %neg3A_784, %sin3A : vector<8x128xf32>
    %mul3A_786 = arith.mulf %neg3A_785, %mul3A_771 : vector<8x128xf32>
    %mul3A_787 = arith.mulf %cos3A, %mul3A_777 : vector<8x128xf32>
    %add3A_788 = arith.addf %mul3A_786, %mul3A_787 : vector<8x128xf32>
    %add3A_789 = arith.addf %add3A_788, %add3A_271 : vector<8x128xf32>
    %mul3A_790 = vector.broadcast %slice3A_399 : vector<8x1xf32> to vector<8x128xf32>
    %mul3A_791 = arith.mulf %mul3A_790, %add3A_781 : vector<8x128xf32>
    %mul3A_792 = vector.broadcast %slice3A_400 : vector<8x1xf32> to vector<8x128xf32>
    %mul3A_793 = arith.mulf %mul3A_792, %add3A_782 : vector<8x128xf32>
    %add3A_794 = arith.addf %mul3A_791, %mul3A_793 : vector<8x128xf32>
    %mul3A_795 = vector.broadcast %slice3A_401 : vector<8x1xf32> to vector<8x128xf32>
    %mul3A_796 = arith.mulf %mul3A_795, %add3A_789 : vector<8x128xf32>
    %add3A_797 = arith.addf %add3A_794, %mul3A_796 : vector<8x128xf32>
    %mul3A_798 = vector.broadcast %slice3A_393 : vector<8x1xf32> to vector<8x128xf32>
    %mul3A_799 = arith.mulf %mul3A_798, %add3A_781 : vector<8x128xf32>
    %mul3A_800 = vector.broadcast %slice3A_394 : vector<8x1xf32> to vector<8x128xf32>
    %mul3A_801 = arith.mulf %mul3A_800, %add3A_782 : vector<8x128xf32>
    %add3A_802 = arith.addf %mul3A_799, %mul3A_801 : vector<8x128xf32>
    %mul3A_803 = vector.broadcast %slice3A_395 : vector<8x1xf32> to vector<8x128xf32>
    %mul3A_804 = arith.mulf %mul3A_803, %add3A_789 : vector<8x128xf32>
    %add3A_805 = arith.addf %add3A_802, %mul3A_804 : vector<8x128xf32>
    %div3A_806 = arith.divf %add3A_805, %add3A_797 : vector<8x128xf32>
    %mul3A_807 = vector.broadcast %slice3A_396 : vector<8x1xf32> to vector<8x128xf32>
    %mul3A_808 = arith.mulf %mul3A_807, %add3A_781 : vector<8x128xf32>
    %mul3A_809 = vector.broadcast %slice3A_397 : vector<8x1xf32> to vector<8x128xf32>
    %mul3A_810 = arith.mulf %mul3A_809, %add3A_782 : vector<8x128xf32>
    %add3A_811 = arith.addf %mul3A_808, %mul3A_810 : vector<8x128xf32>
    %mul3A_812 = vector.broadcast %slice3A_398 : vector<8x1xf32> to vector<8x128xf32>
    %mul3A_813 = arith.mulf %mul3A_812, %add3A_789 : vector<8x128xf32>
    %add3A_814 = arith.addf %add3A_811, %mul3A_813 : vector<8x128xf32>
    %div3A_815 = arith.divf %add3A_814, %add3A_797 : vector<8x128xf32>
    %min3A_816 = arith.minimumf %min3A_765, %div3A_806 : vector<8x128xf32>
    %max3A_817 = arith.maximumf %max3A_766, %div3A_806 : vector<8x128xf32>
    %min3A_818 = arith.minimumf %min3A_767, %div3A_815 : vector<8x128xf32>
    %max3A_819 = arith.maximumf %max3A_768, %div3A_815 : vector<8x128xf32>
    %get3A_820 = arith.constant 0 : index
    %get3A_821 = arith.constant 0 : index
    %get3A_822 = vector.load %arg5[%get3A_820, %get3A_821] : memref<8x2xf32, #tpu.memory_space<vmem>>, vector<1x1xf32>
    %get3A_823 = arith.constant 0 : index
    %get3A_824 = arith.constant 1 : index
    %get3A_825 = vector.load %arg5[%get3A_823, %get3A_824] : memref<8x2xf32, #tpu.memory_space<vmem>>, vector<1x1xf32>
    %jit3A_826 = arith.constant 0.000000e+00 : f32
    %max3A_827 = vector.broadcast %jit3A_826 : f32 to vector<8x128xf32>
    %max3A_828 = arith.maximumf %max3A_827, %min3A_816 : vector<8x128xf32>
    %min3A_829 = vector.broadcast %get3A_822 : vector<1x1xf32> to vector<8x128xf32>
    %min3A_830 = arith.minimumf %min3A_829, %max3A_828 : vector<8x128xf32>
    %jit3A_831 = arith.constant 0.000000e+00 : f32
    %max3A_832 = vector.broadcast %jit3A_831 : f32 to vector<8x128xf32>
    %max3A_833 = arith.maximumf %max3A_832, %max3A_817 : vector<8x128xf32>
    %min3A_834 = vector.broadcast %get3A_822 : vector<1x1xf32> to vector<8x128xf32>
    %min3A_835 = arith.minimumf %min3A_834, %max3A_833 : vector<8x128xf32>
    %jit3A_836 = arith.constant 0.000000e+00 : f32
    %max3A_837 = vector.broadcast %jit3A_836 : f32 to vector<8x128xf32>
    %max3A_838 = arith.maximumf %max3A_837, %min3A_818 : vector<8x128xf32>
    %min3A_839 = vector.broadcast %get3A_825 : vector<1x1xf32> to vector<8x128xf32>
    %min3A_840 = arith.minimumf %min3A_839, %max3A_838 : vector<8x128xf32>
    %jit3A_841 = arith.constant 0.000000e+00 : f32
    %max3A_842 = vector.broadcast %jit3A_841 : f32 to vector<8x128xf32>
    %max3A_843 = arith.maximumf %max3A_842, %max3A_819 : vector<8x128xf32>
    %min3A_844 = vector.broadcast %get3A_825 : vector<1x1xf32> to vector<8x128xf32>
    %min3A_845 = arith.minimumf %min3A_844, %max3A_843 : vector<8x128xf32>
    %gt3A_846 = arith.constant 2.500000e-01 : f32
    %gt3A_847 = vector.broadcast %gt3A_846 : f32 to vector<8x128xf32>
    %gt3A_848 = arith.cmpf ogt, %get3A_1, %gt3A_847 : vector<8x128xf32>
    %jit3A_849 = arith.constant 0.000000e+00 : f32
    %broadcast_in_dim3A_850 = vector.broadcast %jit3A_849 : f32 to vector<8x128xf32>
    %select_n3A_851 = arith.select %gt3A_848, %convert_element_type3A_67, %broadcast_in_dim3A_850 : vector<8x128xi1>, vector<8x128xf32>
    %swap3A = arith.constant 0 : index
    %swap3A_852 = arith.constant 0 : index
    %swap3A_853 = arith.constant 0 : index
    %swap3A_854 = vector.load %arg6[%swap3A, %swap3A_852, %swap3A_853] : memref<14x8x128xf32, #tpu.memory_space<vmem>>, vector<1x8x128xf32>
    %swap3A_855 = vector.shape_cast %swap3A_854 : vector<1x8x128xf32> to vector<8x128xf32>
    %swap3A_856 = vector.shape_cast %select_n3A_851 : vector<8x128xf32> to vector<1x8x128xf32>
    tpu.vector_store %arg6[%swap3A, %swap3A_852, %swap3A_853], %swap3A_856 {strides = array<i32>} : memref<14x8x128xf32, #tpu.memory_space<vmem>>, vector<1x8x128xf32>,
    %jit3A_857 = arith.constant 0.000000e+00 : f32
    %broadcast_in_dim3A_858 = vector.broadcast %jit3A_857 : f32 to vector<8x128xf32>
    %select_n3A_859 = arith.select %gt3A_848, %select_n3A_376, %broadcast_in_dim3A_858 : vector<8x128xi1>, vector<8x128xf32>
    %swap3A_860 = arith.constant 1 : index
    %swap3A_861 = arith.constant 0 : index
    %swap3A_862 = arith.constant 0 : index
    %swap3A_863 = vector.load %arg6[%swap3A_860, %swap3A_861, %swap3A_862] : memref<14x8x128xf32, #tpu.memory_space<vmem>>, vector<1x8x128xf32>
    %swap3A_864 = vector.shape_cast %swap3A_863 : vector<1x8x128xf32> to vector<8x128xf32>
    %swap3A_865 = vector.shape_cast %select_n3A_859 : vector<8x128xf32> to vector<1x8x128xf32>
    tpu.vector_store %arg6[%swap3A_860, %swap3A_861, %swap3A_862], %swap3A_865 {strides = array<i32>} : memref<14x8x128xf32, #tpu.memory_space<vmem>>, vector<1x8x128xf32>,
    %jit3A_866 = arith.constant 0.000000e+00 : f32
    %broadcast_in_dim3A_867 = vector.broadcast %jit3A_866 : f32 to vector<8x128xf32>
    %select_n3A_868 = arith.select %gt3A_848, %min3A_830, %broadcast_in_dim3A_867 : vector<8x128xi1>, vector<8x128xf32>
    %swap3A_869 = arith.constant 2 : index
    %swap3A_870 = arith.constant 0 : index
    %swap3A_871 = arith.constant 0 : index
    %swap3A_872 = vector.load %arg6[%swap3A_869, %swap3A_870, %swap3A_871] : memref<14x8x128xf32, #tpu.memory_space<vmem>>, vector<1x8x128xf32>
    %swap3A_873 = vector.shape_cast %swap3A_872 : vector<1x8x128xf32> to vector<8x128xf32>
    %swap3A_874 = vector.shape_cast %select_n3A_868 : vector<8x128xf32> to vector<1x8x128xf32>
    tpu.vector_store %arg6[%swap3A_869, %swap3A_870, %swap3A_871], %swap3A_874 {strides = array<i32>} : memref<14x8x128xf32, #tpu.memory_space<vmem>>, vector<1x8x128xf32>,
    %jit3A_875 = arith.constant 0.000000e+00 : f32
    %broadcast_in_dim3A_876 = vector.broadcast %jit3A_875 : f32 to vector<8x128xf32>
    %select_n3A_877 = arith.select %gt3A_848, %min3A_840, %broadcast_in_dim3A_876 : vector<8x128xi1>, vector<8x128xf32>
    %swap3A_878 = arith.constant 3 : index
    %swap3A_879 = arith.constant 0 : index
    %swap3A_880 = arith.constant 0 : index
    %swap3A_881 = vector.load %arg6[%swap3A_878, %swap3A_879, %swap3A_880] : memref<14x8x128xf32, #tpu.memory_space<vmem>>, vector<1x8x128xf32>
    %swap3A_882 = vector.shape_cast %swap3A_881 : vector<1x8x128xf32> to vector<8x128xf32>
    %swap3A_883 = vector.shape_cast %select_n3A_877 : vector<8x128xf32> to vector<1x8x128xf32>
    tpu.vector_store %arg6[%swap3A_878, %swap3A_879, %swap3A_880], %swap3A_883 {strides = array<i32>} : memref<14x8x128xf32, #tpu.memory_space<vmem>>, vector<1x8x128xf32>,
    %jit3A_884 = arith.constant 0.000000e+00 : f32
    %broadcast_in_dim3A_885 = vector.broadcast %jit3A_884 : f32 to vector<8x128xf32>
    %select_n3A_886 = arith.select %gt3A_848, %min3A_835, %broadcast_in_dim3A_885 : vector<8x128xi1>, vector<8x128xf32>
    %swap3A_887 = arith.constant 4 : index
    %swap3A_888 = arith.constant 0 : index
    %swap3A_889 = arith.constant 0 : index
    %swap3A_890 = vector.load %arg6[%swap3A_887, %swap3A_888, %swap3A_889] : memref<14x8x128xf32, #tpu.memory_space<vmem>>, vector<1x8x128xf32>
    %swap3A_891 = vector.shape_cast %swap3A_890 : vector<1x8x128xf32> to vector<8x128xf32>
    %swap3A_892 = vector.shape_cast %select_n3A_886 : vector<8x128xf32> to vector<1x8x128xf32>
    tpu.vector_store %arg6[%swap3A_887, %swap3A_888, %swap3A_889], %swap3A_892 {strides = array<i32>} : memref<14x8x128xf32, #tpu.memory_space<vmem>>, vector<1x8x128xf32>,
    %jit3A_893 = arith.constant 0.000000e+00 : f32
    %broadcast_in_dim3A_894 = vector.broadcast %jit3A_893 : f32 to vector<8x128xf32>
    %select_n3A_895 = arith.select %gt3A_848, %min3A_845, %broadcast_in_dim3A_894 : vector<8x128xi1>, vector<8x128xf32>
    %swap3A_896 = arith.constant 5 : index
    %swap3A_897 = arith.constant 0 : index
    %swap3A_898 = arith.constant 0 : index
    %swap3A_899 = vector.load %arg6[%swap3A_896, %swap3A_897, %swap3A_898] : memref<14x8x128xf32, #tpu.memory_space<vmem>>, vector<1x8x128xf32>
    %swap3A_900 = vector.shape_cast %swap3A_899 : vector<1x8x128xf32> to vector<8x128xf32>
    %swap3A_901 = vector.shape_cast %select_n3A_895 : vector<8x128xf32> to vector<1x8x128xf32>
    tpu.vector_store %arg6[%swap3A_896, %swap3A_897, %swap3A_898], %swap3A_901 {strides = array<i32>} : memref<14x8x128xf32, #tpu.memory_space<vmem>>, vector<1x8x128xf32>,
    %jit3A_902 = arith.constant 0.000000e+00 : f32
    %broadcast_in_dim3A_903 = vector.broadcast %jit3A_902 : f32 to vector<8x128xf32>
    %select_n3A_904 = arith.select %gt3A_848, %mul3A_324, %broadcast_in_dim3A_903 : vector<8x128xi1>, vector<8x128xf32>
    %swap3A_905 = arith.constant 6 : index
    %swap3A_906 = arith.constant 0 : index
    %swap3A_907 = arith.constant 0 : index
    %swap3A_908 = vector.load %arg6[%swap3A_905, %swap3A_906, %swap3A_907] : memref<14x8x128xf32, #tpu.memory_space<vmem>>, vector<1x8x128xf32>
    %swap3A_909 = vector.shape_cast %swap3A_908 : vector<1x8x128xf32> to vector<8x128xf32>
    %swap3A_910 = vector.shape_cast %select_n3A_904 : vector<8x128xf32> to vector<1x8x128xf32>
    tpu.vector_store %arg6[%swap3A_905, %swap3A_906, %swap3A_907], %swap3A_910 {strides = array<i32>} : memref<14x8x128xf32, #tpu.memory_space<vmem>>, vector<1x8x128xf32>,
    %jit3A_911 = arith.constant 0.000000e+00 : f32
    %broadcast_in_dim3A_912 = vector.broadcast %jit3A_911 : f32 to vector<8x128xf32>
    %select_n3A_913 = arith.select %gt3A_848, %mul3A_342, %broadcast_in_dim3A_912 : vector<8x128xi1>, vector<8x128xf32>
    %swap3A_914 = arith.constant 7 : index
    %swap3A_915 = arith.constant 0 : index
    %swap3A_916 = arith.constant 0 : index
    %swap3A_917 = vector.load %arg6[%swap3A_914, %swap3A_915, %swap3A_916] : memref<14x8x128xf32, #tpu.memory_space<vmem>>, vector<1x8x128xf32>
    %swap3A_918 = vector.shape_cast %swap3A_917 : vector<1x8x128xf32> to vector<8x128xf32>
    %swap3A_919 = vector.shape_cast %select_n3A_913 : vector<8x128xf32> to vector<1x8x128xf32>
    tpu.vector_store %arg6[%swap3A_914, %swap3A_915, %swap3A_916], %swap3A_919 {strides = array<i32>} : memref<14x8x128xf32, #tpu.memory_space<vmem>>, vector<1x8x128xf32>,
    %jit3A_920 = arith.constant 0.000000e+00 : f32
    %broadcast_in_dim3A_921 = vector.broadcast %jit3A_920 : f32 to vector<8x128xf32>
    %select_n3A_922 = arith.select %gt3A_848, %mul3A_306, %broadcast_in_dim3A_921 : vector<8x128xi1>, vector<8x128xf32>
    %swap3A_923 = arith.constant 8 : index
    %swap3A_924 = arith.constant 0 : index
    %swap3A_925 = arith.constant 0 : index
    %swap3A_926 = vector.load %arg6[%swap3A_923, %swap3A_924, %swap3A_925] : memref<14x8x128xf32, #tpu.memory_space<vmem>>, vector<1x8x128xf32>
    %swap3A_927 = vector.shape_cast %swap3A_926 : vector<1x8x128xf32> to vector<8x128xf32>
    %swap3A_928 = vector.shape_cast %select_n3A_922 : vector<8x128xf32> to vector<1x8x128xf32>
    tpu.vector_store %arg6[%swap3A_923, %swap3A_924, %swap3A_925], %swap3A_928 {strides = array<i32>} : memref<14x8x128xf32, #tpu.memory_space<vmem>>, vector<1x8x128xf32>,
    %jit3A_929 = arith.constant 0.000000e+00 : f32
    %broadcast_in_dim3A_930 = vector.broadcast %jit3A_929 : f32 to vector<8x128xf32>
    %select_n3A_931 = arith.select %gt3A_848, %add3A_255, %broadcast_in_dim3A_930 : vector<8x128xi1>, vector<8x128xf32>
    %swap3A_932 = arith.constant 9 : index
    %swap3A_933 = arith.constant 0 : index
    %swap3A_934 = arith.constant 0 : index
    %swap3A_935 = vector.load %arg6[%swap3A_932, %swap3A_933, %swap3A_934] : memref<14x8x128xf32, #tpu.memory_space<vmem>>, vector<1x8x128xf32>
    %swap3A_936 = vector.shape_cast %swap3A_935 : vector<1x8x128xf32> to vector<8x128xf32>
    %swap3A_937 = vector.shape_cast %select_n3A_931 : vector<8x128xf32> to vector<1x8x128xf32>
    tpu.vector_store %arg6[%swap3A_932, %swap3A_933, %swap3A_934], %swap3A_937 {strides = array<i32>} : memref<14x8x128xf32, #tpu.memory_space<vmem>>, vector<1x8x128xf32>,
    %jit3A_938 = arith.constant 0.000000e+00 : f32
    %broadcast_in_dim3A_939 = vector.broadcast %jit3A_938 : f32 to vector<8x128xf32>
    %select_n3A_940 = arith.select %gt3A_848, %add3A_346, %broadcast_in_dim3A_939 : vector<8x128xi1>, vector<8x128xf32>
    %swap3A_941 = arith.constant 10 : index
    %swap3A_942 = arith.constant 0 : index
    %swap3A_943 = arith.constant 0 : index
    %swap3A_944 = vector.load %arg6[%swap3A_941, %swap3A_942, %swap3A_943] : memref<14x8x128xf32, #tpu.memory_space<vmem>>, vector<1x8x128xf32>
    %swap3A_945 = vector.shape_cast %swap3A_944 : vector<1x8x128xf32> to vector<8x128xf32>
    %swap3A_946 = vector.shape_cast %select_n3A_940 : vector<8x128xf32> to vector<1x8x128xf32>
    tpu.vector_store %arg6[%swap3A_941, %swap3A_942, %swap3A_943], %swap3A_946 {strides = array<i32>} : memref<14x8x128xf32, #tpu.memory_space<vmem>>, vector<1x8x128xf32>,
    %jit3A_947 = arith.constant 0.000000e+00 : f32
    %broadcast_in_dim3A_948 = vector.broadcast %jit3A_947 : f32 to vector<8x128xf32>
    %select_n3A_949 = arith.select %gt3A_848, %add3A_271, %broadcast_in_dim3A_948 : vector<8x128xi1>, vector<8x128xf32>
    %swap3A_950 = arith.constant 11 : index
    %swap3A_951 = arith.constant 0 : index
    %swap3A_952 = arith.constant 0 : index
    %swap3A_953 = vector.load %arg6[%swap3A_950, %swap3A_951, %swap3A_952] : memref<14x8x128xf32, #tpu.memory_space<vmem>>, vector<1x8x128xf32>
    %swap3A_954 = vector.shape_cast %swap3A_953 : vector<1x8x128xf32> to vector<8x128xf32>
    %swap3A_955 = vector.shape_cast %select_n3A_949 : vector<8x128xf32> to vector<1x8x128xf32>
    tpu.vector_store %arg6[%swap3A_950, %swap3A_951, %swap3A_952], %swap3A_955 {strides = array<i32>} : memref<14x8x128xf32, #tpu.memory_space<vmem>>, vector<1x8x128xf32>,
    %jit3A_956 = arith.constant 0.000000e+00 : f32
    %broadcast_in_dim3A_957 = vector.broadcast %jit3A_956 : f32 to vector<8x128xf32>
    %select_n3A_958 = arith.select %gt3A_848, %select_n3A_389, %broadcast_in_dim3A_957 : vector<8x128xi1>, vector<8x128xf32>
    %swap3A_959 = arith.constant 12 : index
    %swap3A_960 = arith.constant 0 : index
    %swap3A_961 = arith.constant 0 : index
    %swap3A_962 = vector.load %arg6[%swap3A_959, %swap3A_960, %swap3A_961] : memref<14x8x128xf32, #tpu.memory_space<vmem>>, vector<1x8x128xf32>
    %swap3A_963 = vector.shape_cast %swap3A_962 : vector<1x8x128xf32> to vector<8x128xf32>
    %swap3A_964 = vector.shape_cast %select_n3A_958 : vector<8x128xf32> to vector<1x8x128xf32>
    tpu.vector_store %arg6[%swap3A_959, %swap3A_960, %swap3A_961], %swap3A_964 {strides = array<i32>} : memref<14x8x128xf32, #tpu.memory_space<vmem>>, vector<1x8x128xf32>,
    %jit3A_965 = arith.constant 0.000000e+00 : f32
    %broadcast_in_dim3A_966 = vector.broadcast %jit3A_965 : f32 to vector<8x128xf32>
    %select_n3A_967 = arith.select %gt3A_848, %get3A_1, %broadcast_in_dim3A_966 : vector<8x128xi1>, vector<8x128xf32>
    %swap3A_968 = arith.constant 13 : index
    %swap3A_969 = arith.constant 0 : index
    %swap3A_970 = arith.constant 0 : index
    %swap3A_971 = vector.load %arg6[%swap3A_968, %swap3A_969, %swap3A_970] : memref<14x8x128xf32, #tpu.memory_space<vmem>>, vector<1x8x128xf32>
    %swap3A_972 = vector.shape_cast %swap3A_971 : vector<1x8x128xf32> to vector<8x128xf32>
    %swap3A_973 = vector.shape_cast %select_n3A_967 : vector<8x128xf32> to vector<1x8x128xf32>
    tpu.vector_store %arg6[%swap3A_968, %swap3A_969, %swap3A_970], %swap3A_973 {strides = array<i32>} : memref<14x8x128xf32, #tpu.memory_space<vmem>>, vector<1x8x128xf32>,
    return
  }
}

</mosaic_0001>

<sc_bundles>
// kernel: kernel.5.cloned.1.call-start
scs
__scs_entry_jumppad:
0x0: {  	(pc) =	sbr.rel $0x88, $3  }
0x1: {  	(tag) =	ssettag $0x0;
	lr =	simm.s32 $0x1  }
0x2: {  	[smem:$0x3F9C] =	sst lr;
	_ =	strace $0xD0000000  }
0x3: {  	_ = 	snop  }
0x4: {  	_ = 	snop  }
0x5: {  	_ = 	snop  }
0x6: {  	_ = 	snop  }
0x7: {  	_ = 	snop  }
__scs_overlays_trampoline_lowered:
0x8: {  	[smem:$0x3FAB] =	sst s0  }
0x9: {  	[smem:$0x3FAC] =	sst s1  }
0xa: {  	[smem:$0x3FAD] =	sst s2  }
0xb: {  	[smem:$0x3FAE] =	sst s3  }
0xc: {  	[smem:$0x3FAF] =	sst s4  }
0xd: {  	[smem:$0x3FB0] =	sst s5  }
0xe: {  	[smem:$0x3FB1] =	sst s6  }
0xf: {  	[smem:$0x3FB2] =	sst s7  }
0x10: {  	[smem:$0x3FB3] =	sst s8  }
0x11: {  	[smem:$0x3FB4] =	sst s9;
	s0 =	simm.s32 @!p0 $0x0  }
0x12: {  	s1 =	sld [smem:$0x3F9A];
	s0 =	simm.s32 @p0 $0x1  }
0x13: {  	[smem:$0x3FB5] =	sst s0;
	s0 =	simm.s32 @!p1 $0x0  }
0x14: {  	s2 =	sld [smem:$0x3F99];
	s0 =	simm.s32 @p1 $0x1  }
0x15: {  	[smem:$0x3FB6] =	sst s0;
	s0 =	simm.s32 @!p2 $0x0  }
0x16: {  	s3 =	sld [smem:$0x3FDB];
	s0 =	simm.s32 @p2 $0x1  }
0x17: {  	s4 =	simm.s32 $0x1BF5;
	[smem:$0x3FB8] =	sst s0  }
0x18: {  	s0 =	sld [smem:$0x3F9B];
	_ =	swait.ge [sflag:s4], $0x0  }
0x19: {  	s7 =	sld [smem:$0x3F9C]  }
0x1a: {  	s8 =	sadd.s32 $0xFFFFE003, lr  }
0x1b: {  	s9 =	sadd.s32 $0xFFFFFEF7, lr;
	s5 =	simm.s32 $0xFFFFFFFF;
	p2 =	slt.u32 s8, $0xFFFFF086  }
0x1c: {  	p1 =	slt.u32 s9, $0xF7A;
	s5 =	simm.s32 @!p2 $0x0  }
0x1d: {  	s5 =	simm.s32 @p1 $0x1;
	p0 =	seq.s32 s7, s2  }
0x1e: {  	s7 =	smul.u32 @!p0 $0xF7A, s2;
	p2 =	seq.s32 @!p0 s5, $0x0  }
0x1f: {  	s9 =	smul.u32 $0xF7A, s1;
	s8 =	simm.s32 @!p0 $0x1BF5;
	p2 =	por !p2, p0  }
0x20: {  	[sflag:s8] =	ssyncset.s32 @!p0 $0xFFFFF086;
	s6 =	sadd.s32 @!p0 s3, s7;
	s7 =	simm.s32 @!p0 $0x108  }
0x21: {  	s3 =	sadd.s32 s3, s9;
	s6 =	sadd.s32 @!p0 $0x88, s6;
	s7 =	simm.s32 @p2 $0x1082  }
0x22: {  	[simem:s7], [sflag:s8] =	dma.local @!p0 [hbm:s6], $0xF7A  }
0x23: {  	s9 =	sor.u32 $0xD0000000, s2;
	s6 =	simm.s32 $0x108;
	_ =	swait.ge @!p0 [sflag:s8], $0x0  }
0x24: {  	s3 =	sadd.s32 $0x88, s3;
	s6 =	simm.s32 @!p1 $0x1082;
	[sflag:s4] =	ssyncset.s32 $0xFFFFF086  }
0x25: {  	[simem:s6], [sflag:s4] =	dma.local [hbm:s3], $0xF7A  }
0x26: {  	[smem:$0x3F9C] =	sst s1;
	(tag) =	ssettag s2;
	_ =	strace s9  }
0x27: {  	s1 =	sld [smem:$0x3FAC]  }
0x28: {  	s2 =	sld [smem:$0x3FAD]  }
0x29: {  	s4 =	sld [smem:$0x3FAF]  }
0x2a: {  	p0 =	seq.s32 s5, $0x0;
	s5 =	sld [smem:$0x3FB0]  }
0x2b: {  	s6 =	sld [smem:$0x3FB1]  }
0x2c: {  	s7 =	sld [smem:$0x3FB2]  }
0x2d: {  	s3 =	simm.s32 $0x108;
	s8 =	sld [smem:$0x3FB3]  }
0x2e: {  	s3 =	simm.s32 @!p0 $0x1082;
	s9 =	sld [smem:$0x3FB4]  }
0x2f: {  	lr =	sadd.s32 s0, s3;
	s0 =	sld [smem:$0x3FAB]  }
0x30: {  	s3 =	sld [smem:$0x3FAE]  }
0x31: {  	[smem:$0x3FB7] =	sst s10  }
0x32: {  	s10 =	sld [smem:$0x3FB5];
	_ =	sdelay $0x3  }
0x33: {  	p0 =	seq.s32 s10, $0x1;
	s10 =	sld [smem:$0x3FB7];
	_ =	sdelay $0x3  }
0x34: {  	[smem:$0x3FB7] =	sst s10  }
0x35: {  	s10 =	sld [smem:$0x3FB6];
	_ =	sdelay $0x3  }
0x36: {  	p1 =	seq.s32 s10, $0x1;
	s10 =	sld [smem:$0x3FB7];
	_ =	sdelay $0x3  }
0x37: {  	[smem:$0x3FB7] =	sst s10  }
0x38: {  	s10 =	sld [smem:$0x3FB8]  }
0x39: {  	_ = 	snop;
	(pc) =	sbr.ind lr, $3  }
0x3a: {  	_ = 	snop  }
0x3b: {  	_ = 	snop  }
0x3c: {  	p2 =	seq.s32 s10, $0x1;
	s10 =	sld [smem:$0x3FB7]  }
0x3d: {  	_ =	shalt  }
0x3e: {  	_ =	shalt  }
0x3f: {  	_ =	shalt  }
0x40: {  	_ =	shalt  }
0x41: {  	_ =	shalt  }
0x42: {  	_ =	shalt  }
0x43: {  	_ =	shalt  }
0x44: {  	_ =	shalt  }
0x45: {  	_ =	shalt  }
0x46: {  	_ =	shalt  }
0x47: {  	_ =	shalt  }
0x48: {  	_ =	shalt  }
0x49: {  	_ =	shalt  }
0x4a: {  	_ =	shalt  }
0x4b: {  	_ =	shalt  }
0x4c: {  	_ =	shalt  }
0x4d: {  	_ =	shalt  }
0x4e: {  	_ =	shalt  }
0x4f: {  	_ =	shalt  }
0x50: {  	_ =	shalt  }
0x51: {  	_ =	shalt  }
0x52: {  	_ =	shalt  }
0x53: {  	_ =	shalt  }
0x54: {  	_ =	shalt  }
0x55: {  	_ =	shalt  }
0x56: {  	_ =	shalt  }
0x57: {  	_ =	shalt  }
0x58: {  	_ =	shalt  }
0x59: {  	_ =	shalt  }
0x5a: {  	_ =	shalt  }
0x5b: {  	_ =	shalt  }
0x5c: {  	_ =	shalt  }
0x5d: {  	_ =	shalt  }
0x5e: {  	_ =	shalt  }
0x5f: {  	_ =	shalt  }
0x60: {  	_ =	shalt  }
0x61: {  	_ =	shalt  }
0x62: {  	_ =	shalt  }
0x63: {  	_ =	shalt  }
0x64: {  	_ =	shalt  }
0x65: {  	_ =	shalt  }
0x66: {  	_ =	shalt  }
0x67: {  	_ =	shalt  }
0x68: {  	_ =	shalt  }
0x69: {  	_ =	shalt  }
0x6a: {  	_ =	shalt  }
0x6b: {  	_ =	shalt  }
0x6c: {  	_ =	shalt  }
0x6d: {  	_ =	shalt  }
0x6e: {  	_ =	shalt  }
0x6f: {  	_ =	shalt  }
0x70: {  	_ =	shalt  }
0x71: {  	_ =	shalt  }
0x72: {  	_ =	shalt  }
0x73: {  	_ =	shalt  }
0x74: {  	_ =	shalt  }
0x75: {  	_ =	shalt  }
0x76: {  	_ =	shalt  }
0x77: {  	_ =	shalt  }
0x78: {  	_ =	shalt  }
0x79: {  	_ =	shalt  }
0x7a: {  	_ =	shalt  }
0x7b: {  	_ =	shalt  }
0x7c: {  	_ =	shalt  }
0x7d: {  	_ =	shalt  }
0x7e: {  	_ =	shalt  }
0x7f: {  	_ =	shalt  }
0x80: {  	_ =	shalt  }
0x81: {  	_ =	shalt  }
0x82: {  	_ =	shalt  }
0x83: {  	_ =	shalt  }
0x84: {  	_ =	shalt  }
0x85: {  	_ =	shalt  }
0x86: {  	_ =	shalt  }
0x87: {  	_ =	shalt  }
.Lfunc_end0:
.L_simem_size_0:
called_computation_lowered:
.L_overlay_start_0:
0x88: {  	s2 =	sld [smem:$0x3FD9]  }
0x89: {  	s3 =	sld [smem:$0x3FFE];
	_ =	sdelay $0x1  }
0x8a: {  	s1 =	srdreg.scid  }
0x8b: {  	s0 =	sand.u32 $0x1, s1  }
0x8c: {  	s17 =	sshll.u32 s0, $0xA;
	s2 =	sadd.s32 s3, s2  }
0x8d: {  	s2 =	sadd.s32 s2, s17  }
0x8e: {  	[smem:$0x3FC3] =	sst s2  }
0x8f: {  	_ = 	snop  }
0x90: {  	s2 =	sld [smem:$0x3FD0];
	(tm) =	ssettm $0x1  }
0x91: {  	s18 =	sld [smem:$0x3FFB];
	_ =	sdelay $0x3  }
0x92: {  	_ =	strace s18  }
0x93: {  	s3 =	sld [smem:$0x3FFC];
	_ =	sdelay $0x3  }
0x94: {  	_ =	strace s3  }
0x95: {  	s3 =	sld [smem:$0x3FFD];
	_ =	sdelay $0x3  }
0x96: {  	_ =	strace s3  }
0x97: {  	_ =	strace $0x8FFFFFFF  }
0x98: {  	s19 =	sld [smem:$0x3FDB];
	_ =	sdelay $0x1  }
0x99: {  	s4 =	simm.s32 $_scs_section_size  }
0x9a: {  	s5 =	simm.s32 $_size__tile_overlayer_lowered;
	s6 =	simm.s32 $_tile_overlayer_lowered  }
0x9b: {  	s22 =	simm.s32 $0x1BFF;
	s21 =	sshll.u32 s6, $0x1;
	s3 =	sadd.s32 s4, s19  }
0x9c: {  	s7 =	simm.s32 $0x0;
	s20 =	sshll.u32 s5, $0x1;
	s5 =	sadd.s32 s21, s3  }
0x9d: {  	[timem:s7], [sflag:s22] =	dma.local [hbm:s5], s20  }
0x9e: {  	_ =	swait.ge [sflag:s22], s20  }
0x9f: {  	s4 =	ssub.s32 $0x0, s20;
	[sflag:s22] =	ssyncset.done $0x0  }
0xa0: {  	[sflag:s22] =	ssyncadd.s32 s4;
	_ =	sdelay $0x1  }
0xa1: {  	s23 =	simm.s32 $0x1B8B  }
0xa2: {  	_ =	swait.ge [sflag:s23], $0x1  }
0xa3: {  	[sflag:s23] =	ssyncset.done $0x0  }
0xa4: {  	s25 =	simm.s32 $0x1B8E;
	s24 =	sld [smem:$0x3FFE];
	[sflag:s23] =	ssyncadd.s32 $0xFFFFFFFF  }
0xa5: {  	s26 =	simm.s32 $execute0_lowered;
	[smem:$0x3FD2] =	sst s25  }
0xa6: {  	s5 =	sshll.u32 s26, $0x1;
	_ =	strace $0x80000046;
	[dreg:$0x1] =	wrdreg $0xFFFFFFFF  }
0xa7: {  	s28 =	simm.s32 $_size_execute0_lowered;
	s3 =	sadd.s32 s3, s5;
	[dreg:$0x0] =	wrdreg $0x0  }
0xa8: {  	s5 =	sshll.u32 s28, $0x1;
	[dreg:$0x2] =	wrdreg s3  }
0xa9: {  	[dreg:$0x3] =	wrdreg s5  }
0xaa: {  	[dreg:$0x4] =	wrdreg $0xC0  }
0xab: {  	_ =	task [dreg:s7], $0x5FFFF  }
0xac: {  	[dreg:$0x1] =	wrdreg $0xFFFFFFFF  }
0xad: {  	[dreg:$0x0] =	wrdreg $0x60  }
0xae: {  	[dreg:$0x2] =	wrdreg s24  }
0xaf: {  	[dreg:$0x3] =	wrdreg s2  }
0xb0: {  	[dreg:$0x4] =	wrdreg $0x9  }
0xb1: {  	_ =	task.clear_ibuf [dreg:s7], $0x5FFFF;
	_ =	strace $0x90000046  }
0xb2: {  	s29 =	simm.s32 $0x9;
	_ =	strace $0x80000048  }
0xb3: {  	_ =	swait.ge [sflag:s29], $0x1  }
0xb4: {  	[sflag:s29] =	ssyncadd.s32 $0xFFFFFFFF  }
0xb5: {  	_ =	strace $0x90000048  }
0xb6: {  	_ =	sfence  }
0xb7: {  	s30 =	sld [smem:$0x0];
	_ =	sdelay $0x2  }
0xb8: {  	s31 =	sshll.u32 s1, $0xD;
	s1 =	sshrl.u32 s1, $0x2  }
0xb9: {  	s3 =	sand.u32 $0x4000, s31;
	s1 =	sadd.s32 s1, s30  }
0xba: {  	s0 =	sor.u32 s3, s0;
	s1 =	sshll.u32 s1, $0x11  }
0xbb: {  	s0 =	sor.u32 s1, s0  }
0xbc: {  	s0 =	sadd.s32 $0x8F2B, s0  }
0xbd: {  	[sflag:s0] =	ssyncadd.remote.s32 $0x1  }
0xbe: {  	_ =	sfence.sel $0xFFFF  }
0xbf: {  	[dreg:$0x0] =	wrdreg $0xFFFFFFFF;
	(pc) =	sbr.abs _section_cstart, $3  }
0xc0: {  	[dreg:$0x1] =	wrdreg $0xFFFFFFFF  }
0xc1: {  	_ =	task.clear_ibuf [dreg:s7], $0x2FFFF;
	_ =	strace $0x9FFFFFFF  }
0xc2: {  	(tm) =	ssettm $0x7FFFFFFF  }
0xc3: {  	_ =	shalt  }
tec
execute0_lowered:
.L_overlay_start_1:
0x0: {  	(tag) =	ssettag $0x1  }
0x1: {  	s3 =	stileid.u32  }
0x2: {  	p0 =	sgt.u32 s3, $0x3  }
.Ltmp0:
0x3: {  	_ = 	snop;
	(pc) =	sbr.rel @p0 .LBB2_15-.Ltmp0, $4  }
0x4: {  	_ = 	snop  }
0x5: {  	s1 =	rddreg [dreg:$0x0];
	s2 =	simm.s32 $0x0  }
0x6: {  	[smem:$0x7FF] =	sst s2  }
0x7: {  	s0 =	rddreg [dreg:$0x1];
	_ =	strace $0x80000047  }
0x8: {  	s3 =	srdreg.scid;
	s24 =	stileid.u32  }
0x9: {  	s7 =	sadd.s32 $0x5B800, s1;
	s5 =	sand.u32 $0x1, s3;
	s4 =	sshll.u32 s24, $0x1  }
0xa: {  	v1 =	vimm.f32 $-1.000000000e+00;
	v2 =	vlaneseq.u32;
	s13 =	simm.s32 $0x80;
	s14 =	simm.s32 $0x2;
	v9 =	vimm.s32 $0x0;
	s6 =	sor.u32 s5, s4  }
0xb: {  	v10 =	vimm.f32 $0.0e+00;
	v13 =	vimm.s32 $0xECA86420;
	vm0 =	vmxor vm0, vm0;
	s3 =	sadd.s32 $0x1800, s1;
	s4 =	sadd.s32 $0x5C400, s1;
	s8 =	smul.u32 $0xF0000, s6  }
0xc: {  	vm1 =	vcmask $0xB08;
	vm2 =	vcmask $0x1310;
	vm3 =	vcmask $0x1B18;
	s11 =	ssub.s32 $0x2, s5;
	s9 =	sshll.u32 s6, $0x4;
	s10 =	sshll.u32 s6, $0x7  }
0xd: {  	vm4 =	vcmask $0x300;
	vm5 =	vcmask $0x2320;
	vm6 =	vcmask $0x2B28;
	s12 =	smul.u32 $0xB40, s6;
	s0 =	sadd.s32 s0, s10;
	[dreg:$0x3] =	wrdreg s8  }
0xe: {  	vm7 =	vcmask $0x3330;
	vm8 =	vcmask $0x3B38;
	v3 =	vor.u32 $0x80000070, v2;
	s25 =	sadd.s32 s9, s1;
	s30 =	sadd.s32 s7, s9;
	[dreg:$0x6] =	wrdreg s0  }
0xf: {  	vm9 =	vmmov $0xff;
	v4 =	vor.u32 $0x80000060, v2;
	v5 =	vor.u32 $0x80000050, v2;
	s26 =	sshrl.u32 s11, $0x1;
	s28 =	sadd.s32 $0x14C400, s25;
	[dreg:$0x7] =	wrdreg s30  }
0x10: {  	v6 =	vor.u32 $0x80000040, v2;
	v7 =	vor.u32 $0x80000030, v2;
	v13 =	vunpack.c.l.s4.s8 v13;
	s29 =	ssub.s32 s11, s26;
	s1 =	sadd.s32 $0x14C600, s25;
	[dreg:$0x4] =	wrdreg s28  }
0x11: {  	s15 =	simm.s32 $0x1;
	v8 =	vor.u32 $0x80000020, v2;
	v11 =	vor.u32 $0x80000000, v2;
	v12 =	vor.u32 $0x80000010, v2;
	s31 =	smax.u32 s29, $0x1;
	[dreg:$0x5] =	wrdreg s1  }
0x12: {  	v14 =	vmul.u32 $0x2, v2;
	s5 =	simm.s32 $0x8E80;
	v13 =	vunpack.c.0.s8.s32 v13;
	s7 =	simm.s32 $0x0;
	v0 =	vmov s12;
	[dreg:$0x8] =	wrdreg s31  }
.LBB2_2:
0x13: {  	s9 =	simm.s32 $0x0;
	s0 =	simm.s32 $0x400;
	s1 =	rddreg [dreg:$0x7]  }
0x14: {  	[tilespmem:s9], [sflag:$0x2] =	stream.strided.gather [hbm4b:s1+s13], $0xB80, s0, s13, $0x38;
	[tilespmem:$0x9680] =	vst v63  }
0x15: {  	_ =	swait.ge [sflag:s14], $0xB80  }
0x16: {  	[sflag:s14] =	ssyncset.done $0x0  }
0x17: {  	[sflag:s14] =	ssyncadd.s32 $0xFFFFF480  }
0x18: {  	[tilespmem:$0xC80] =	vst v1  }
0x19: {  	[tilespmem:$0xB80] =	vst v9  }
0x1a: {  	[tilespmem:$0xC90] =	vst v1  }
0x1b: {  	[tilespmem:$0xB90] =	vst v9  }
0x1c: {  	[tilespmem:$0xCA0] =	vst v1  }
0x1d: {  	[tilespmem:$0xBA0] =	vst v9  }
0x1e: {  	[tilespmem:$0xCB0] =	vst v1  }
0x1f: {  	[tilespmem:$0xBB0] =	vst v9  }
0x20: {  	[tilespmem:$0xCC0] =	vst v1  }
0x21: {  	[tilespmem:$0xBC0] =	vst v9  }
0x22: {  	[tilespmem:$0xCD0] =	vst v1  }
0x23: {  	[tilespmem:$0xBD0] =	vst v9  }
0x24: {  	[tilespmem:$0xCE0] =	vst v1  }
0x25: {  	[tilespmem:$0xBE0] =	vst v9  }
0x26: {  	[tilespmem:$0xCF0] =	vst v1  }
0x27: {  	[tilespmem:$0xBF0] =	vst v9  }
0x28: {  	[tilespmem:$0xD00] =	vst v1  }
0x29: {  	[tilespmem:$0xC00] =	vst v9  }
0x2a: {  	[tilespmem:$0xD10] =	vst v1  }
0x2b: {  	[tilespmem:$0xC10] =	vst v9  }
0x2c: {  	[tilespmem:$0xD20] =	vst v1  }
0x2d: {  	[tilespmem:$0xC20] =	vst v9  }
0x2e: {  	[tilespmem:$0xD30] =	vst v1  }
0x2f: {  	[tilespmem:$0xC30] =	vst v9  }
0x30: {  	[tilespmem:$0xD40] =	vst v1  }
0x31: {  	[tilespmem:$0xC40] =	vst v9  }
0x32: {  	[tilespmem:$0xD50] =	vst v1  }
0x33: {  	[tilespmem:$0xC50] =	vst v9  }
0x34: {  	[tilespmem:$0xD60] =	vst v1  }
0x35: {  	[tilespmem:$0xC60] =	vst v9  }
0x36: {  	[tilespmem:$0xD70] =	vst v1  }
0x37: {  	[tilespmem:$0xC70] =	vst v9  }
0x38: {  	[tilespmem:$0x8D80] =	vst v10  }
0x39: {  	[tilespmem:$0x8E00] =	vst v9  }
0x3a: {  	[tilespmem:$0x8D90] =	vst v10  }
0x3b: {  	[tilespmem:$0x8E10] =	vst v9  }
0x3c: {  	[tilespmem:$0x8DA0] =	vst v10  }
0x3d: {  	[tilespmem:$0x8E20] =	vst v9  }
0x3e: {  	[tilespmem:$0x8DB0] =	vst v10  }
0x3f: {  	[tilespmem:$0x8E30] =	vst v9  }
0x40: {  	[tilespmem:$0x8DC0] =	vst v10  }
0x41: {  	[tilespmem:$0x8E40] =	vst v9  }
0x42: {  	[tilespmem:$0x8DD0] =	vst v10  }
0x43: {  	[tilespmem:$0x8E50] =	vst v9  }
0x44: {  	[tilespmem:$0x8DE0] =	vst v10  }
0x45: {  	[tilespmem:$0x8E60] =	vst v9  }
0x46: {  	[tilespmem:$0x8DF0] =	vst v10  }
0x47: {  	s17 =	simm.f32 $2.500000300e-01;
	s20 =	simm.f32 $1.000000000e+00;
	s18 =	simm.s32 $0x0;
	[tilespmem:$0x8E70] =	vst v9  }
.LBB2_3:
0x48: {  	s21 =	simm.s32 $0x50  }
0x49: {  	s19 =	sadd.f32 s20, s17;
	v16 =	vld [tilespmem:s21+$0xFFFFFFB0]  }
0x4a: {  	v17 =	vld [tilespmem:s21+$0xFFFFFFC0]  }
0x4b: {  	v18 =	vld [tilespmem:s21+$0xFFFFFFD0];
	s19 =	smul.f32 $5.000000000e-01, s19  }
0x4c: {  	v19 =	vld [tilespmem:s21+$0xFFFFFFE0]  }
0x4d: {  	v20 =	vld [tilespmem:s21+$0xFFFFFFF0];
	v15 =	vmov s19  }
0x4e: {  	v23 =	vld [tilespmem:s21+$0x0];
	vm10 =	vge.f32 v16, v15  }
0x4f: {  	v21 =	vimm.s32 $0x0;
	v16 =	vld [tilespmem:s21+$0x10];
	v22 =	vsel vm10, $0x1, v9;
	vm10 =	vge.f32 v17, v15  }
0x50: {  	s22 =	sand.u32 $0x1FE0, s9;
	v17 =	vld [tilespmem:s21+$0x20];
	v21 =	vadd.s32 v22, v21;
	v22 =	vsel vm10, $0x1, v9;
	vm10 =	vge.f32 v18, v15  }
0x51: {  	v18 =	vld [tilespmem:s22+$0x80];
	v21 =	vadd.s32 v22, v21;
	v22 =	vsel vm10, $0x1, v9;
	vm10 =	vge.f32 v19, v15  }
0x52: {  	v19 =	vld [tilespmem:s21+$0x40];
	s21 =	simm.s32 $0xF0;
	v21 =	vadd.s32 v22, v21;
	v22 =	vsel vm10, $0x1, v9;
	vm10 =	vge.f32 v20, v15  }
0x53: {  	s23 =	simm.s32 $0x140;
	s22 =	simm.s32 $0xA0;
	v20 =	vld [tilespmem:s21+$0xFFFFFFB0];
	v21 =	vadd.s32 v22, v21;
	v22 =	vsel vm10, $0x1, v9;
	vm10 =	vge.f32 v23, v15  }
.LBB2_4:
0x54: {  	p0 =	sne.s32 s23, $0xAA0;
	v23 =	vld [tilespmem:s21+$0xFFFFFFC0];
	v21 =	vadd.s32 v22, v21;
	v22 =	vsel vm10, $0x1, v9;
	vm10 =	vge.f32 v16, v15  }
0x55: {  	v24 =	vld [tilespmem:s21+$0xFFFFFFD0];
	v16 =	vadd.s32 v22, v21;
	v21 =	vsel vm10, $0x1, v9;
	vm10 =	vge.f32 v17, v15  }
0x56: {  	v22 =	vld [tilespmem:s21+$0xFFFFFFE0];
	v16 =	vadd.s32 v21, v16;
	v17 =	vsel vm10, $0x1, v9;
	vm10 =	vge.f32 v18, v15  }
0x57: {  	v21 =	vld [tilespmem:s21+$0xFFFFFFF0];
	v16 =	vadd.s32 v17, v16;
	v17 =	vsel vm10, $0x1, v9;
	vm10 =	vge.f32 v19, v15  }
0x58: {  	vm11 =	vge.f32 v20, v15;
	v25 =	vld [tilespmem:s21+$0x0];
	v17 =	vadd.s32 v17, v16;
	v18 =	vsel vm10, $0x1, v9  }
.Ltmp1:
0x59: {  	v19 =	vsel vm11, $0x1, v9;
	vm10 =	vge.f32 v23, v15;
	v16 =	vld [tilespmem:s21+$0x10];
	v17 =	vadd.s32 v18, v17;
	(pc) =	sbr.rel @p0 .LBB2_4-.Ltmp1, $4  }
0x5a: {  	s24 =	sand.u32 $0x1FE0, s22;
	s22 =	smov.u32 s23;
	v18 =	vadd.s32 v19, v17;
	v19 =	vsel vm10, $0x1, v9;
	vm10 =	vge.f32 v24, v15;
	v17 =	vld [tilespmem:s21+$0x20]  }
0x5b: {  	v19 =	vadd.s32 v19, v18;
	v20 =	vsel vm10, $0x1, v9;
	vm10 =	vge.f32 v22, v15;
	v18 =	vld [tilespmem:s24+$0x80]  }
0x5c: {  	v22 =	vadd.s32 v20, v19;
	v23 =	vsel vm10, $0x1, v9;
	vm10 =	vge.f32 v21, v15;
	v19 =	vld [tilespmem:s21+$0x40];
	s21 =	sadd.s32 $0xA0, s21  }
0x5d: {  	s23 =	sadd.s32 $0xA0, s23;
	v20 =	vld [tilespmem:s21+$0xFFFFFFB0];
	v21 =	vadd.s32 v23, v22;
	v22 =	vsel vm10, $0x1, v9;
	vm10 =	vge.f32 v25, v15  }
0x5e: {  	v23 =	vld [tilespmem:s21+$0xFFFFFFC0];
	v21 =	vadd.s32 v22, v21;
	v39 =	vsel vm10, $0x1, v9;
	vm10 =	vge.f32 v16, v15  }
0x5f: {  	v40 =	vld [tilespmem:s21+$0xFFFFFFD0];
	v21 =	vadd.s32 v39, v21;
	v41 =	vsel vm10, $0x1, v9;
	vm10 =	vge.f32 v17, v15  }
0x60: {  	v42 =	vld [tilespmem:s21+$0xFFFFFFE0];
	v21 =	vadd.s32 v41, v21;
	v43 =	vsel vm10, $0x1, v9;
	vm10 =	vge.f32 v18, v15  }
0x61: {  	v44 =	vld [tilespmem:s21+$0xFFFFFFF0];
	v21 =	vadd.s32 v43, v21;
	v45 =	vsel vm10, $0x1, v9;
	vm10 =	vge.f32 v19, v15  }
0x62: {  	v46 =	vld [tilespmem:s21+$0x0];
	vm11 =	vge.f32 v20, v15;
	v47 =	vadd.s32 v45, v21;
	v48 =	vsel vm10, $0x1, v9  }
0x63: {  	v50 =	vld [tilespmem:s21+$0x10];
	v49 =	vsel vm11, $0x1, v9;
	vm10 =	vge.f32 v23, v15;
	v20 =	vadd.s32 v48, v47  }
0x64: {  	v52 =	vld [tilespmem:s21+$0x20];
	s22 =	sand.u32 $0x1FE0, s22;
	v20 =	vadd.s32 v49, v20;
	v51 =	vsel vm10, $0x1, v9;
	vm10 =	vge.f32 v40, v15  }
0x65: {  	v54 =	vld [tilespmem:s22+$0x80];
	v20 =	vadd.s32 v51, v20;
	v53 =	vsel vm10, $0x1, v9;
	vm10 =	vge.f32 v42, v15  }
0x66: {  	v56 =	vld [tilespmem:s21+$0x40];
	v20 =	vadd.s32 v53, v20;
	v55 =	vsel vm10, $0x1, v9;
	vm10 =	vge.f32 v44, v15  }
0x67: {  	v20 =	vadd.s32 v55, v20;
	v57 =	vsel vm10, $0x1, v9;
	vm10 =	vge.f32 v46, v15  }
0x68: {  	v58 =	vadd.s32 v57, v20;
	v59 =	vsel vm10, $0x1, v9;
	vm10 =	vge.f32 v50, v15  }
0x69: {  	v19 =	vadd.s32 v59, v58;
	v60 =	vsel vm10, $0x1, v9;
	vm10 =	vge.f32 v52, v15  }
0x6a: {  	v61 =	vadd.s32 v60, v19;
	v62 =	vsel vm10, $0x1, v9;
	vm10 =	vge.f32 v54, v15  }
0x6b: {  	v16 =	vadd.s32 v62, v61;
	v17 =	vsel vm10, $0x1, v9;
	vm10 =	vge.f32 v56, v15  }
0x6c: {  	v15 =	vadd.s32 v17, v16;
	v63 =	vsel vm10, $0x1, v9  }
0x6d: {  	v15 =	vadd.s32 v63, v15  }
0x6e: {  	(xrf0) =	vadd.scan.msk.s32 $0xffff, v15;
	_ =	sdelay $0x5  }
0x6f: {  	v15, _, _ =	vpop (xrf0)  }
0x70: {  	(v2sf) =	vpush v15, $0xF;
	_ =	sdelay $0xe  }
0x71: {  	s31 =	spop (v2sf)  }
0x72: {  	s18 =	sadd.s32 $0x1, s18;
	p0 =	sgt.s32 s31, $0x7F  }
0x73: {  	s17 =	smov.u32 @p0 s19;
	s19 =	smov.u32 @p0 s20;
	p0 =	seq.s32 s18, $0x12  }
.Ltmp2:
0x74: {  	_ = 	snop;
	(pc) =	sbr.rel @!p0 .LBB2_3-.Ltmp2, $2  }
0x75: {  	_ =	sdelay $0x2  }
0x76: {  	s20 =	smov.u32 s19  }
0x77: {  	v15 =	vmov s17;
	s17 =	simm.s32 $0x10  }
0x78: {  	v16 =	vld [tilespmem:s17+$0xFFFFFFF0];
	_ =	sdelay $0x4  }
0x79: {  	vm10 =	vge.f32 v16, v15  }
0x7a: {  	v17 =	vmpcnt.ones.xlane vm10  }
0x7b: {  	p0 =	por $0x0, $0x0  }
0x7c: {  	v17 =	vxor.u32 @!p0 $0x80000000, v17  }
0x7d: {  	(xrf0) =	vmax.scan.msk.u32 @!p0 $0xffff, v17;
	_ =	sdelay $0x5  }
0x7e: {  	v17, _, _ =	vpop @!p0 (xrf0)  }
0x7f: {  	(v2sf) =	vpush @!p0 v17, $0xF;
	_ =	sdelay $0x7  }
0x80: {  	s18 =	simm.s32 $0x0;
	v17 =	vlaneseq.u32 @!p0  }
0x81: {  	s9 =	simm.s32 $0x0;
	vm10 =	vge.f32 @!p0 v16, v15;
	v17 =	vor.u32 @!p0 s18, v17  }
0x82: {  	[tilespmem:s9+$0xB80] =	vst.msk @!p0 vm10, v17  }
0x83: {  	[tilespmem:s9+$0xC80] =	vst.msk @!p0 vm10, v16  }
0x84: {  	v16 =	vld [tilespmem:s17+$0x0];
	_ =	sdelay $0x2  }
0x85: {  	s9 =	spop @!p0 (v2sf)  }
0x86: {  	s9 =	sxor.u32 @!p0 $0x80000000, s9  }
0x87: {  	vm10 =	vge.f32 v16, v15;
	s9 =	simm.s32 @p0 $0x0  }
0x88: {  	v17 =	vmpcnt.ones.xlane vm10;
	s9 =	sadd.s32 $0x0, s9  }
0x89: {  	p0 =	sgt.s32 s9, $0xF0  }
0x8a: {  	v17 =	vxor.u32 @!p0 $0x80000000, v17  }
0x8b: {  	(xrf0) =	vmax.scan.msk.u32 @!p0 $0xffff, v17;
	_ =	sdelay $0x1  }
0x8c: {  	v17 =	vlaneseq.u32 @!p0  }
0x8d: {  	v17 =	vor.u32 @!p0 s17, v17;
	_ =	sdelay $0x1  }
0x8e: {  	vm10 =	vge.f32 @!p0 v16, v15  }
0x8f: {  	[tilespmem:s9+$0xB80] =	vst.msk @!p0 vm10, v17;
	v17, _, _ =	vpop @!p0 (xrf0)  }
0x90: {  	(v2sf) =	vpush @!p0 v17, $0xF;
	_ =	sdelay $0xa  }
0x91: {  	s18 =	simm.s32 $0x30;
	s17 =	simm.s32 $0x30;
	[tilespmem:s9+$0xC80] =	vst.msk @!p0 vm10, v16  }
.LBB2_7:
0x92: {  	v16 =	vld [tilespmem:s17+$0xFFFFFFF0];
	s19 =	smov.u32 s18;
	s18 =	sadd.s32 $0x20, s18  }
0x93: {  	p1 =	sne.s32 s18, $0xB50;
	_ =	sdelay $0x1  }
0x94: {  	s20 =	spop @!p0 (v2sf)  }
0x95: {  	s20 =	sxor.u32 @!p0 $0x80000000, s20  }
0x96: {  	vm10 =	vge.f32 v16, v15;
	s20 =	simm.s32 @p0 $0x0  }
0x97: {  	v17 =	vmpcnt.ones.xlane vm10;
	s9 =	sadd.s32 s9, s20  }
0x98: {  	p0 =	sgt.s32 s9, $0xF0  }
0x99: {  	v17 =	vxor.u32 @!p0 $0x80000000, v17  }
0x9a: {  	(xrf0) =	vmax.scan.msk.u32 @!p0 $0xffff, v17;
	_ =	sdelay $0x5  }
0x9b: {  	v17, _, _ =	vpop @!p0 (xrf0)  }
0x9c: {  	(v2sf) =	vpush @!p0 v17, $0xF;
	_ =	sdelay $0x7  }
0x9d: {  	s20 =	sadd.s32 $0xFFFFFFF0, s19;
	v17 =	vlaneseq.u32 @!p0  }
0x9e: {  	vm10 =	vge.f32 @!p0 v16, v15;
	v17 =	vor.u32 @!p0 s20, v17  }
0x9f: {  	[tilespmem:s9+$0xB80] =	vst.msk @!p0 vm10, v17  }
0xa0: {  	[tilespmem:s9+$0xC80] =	vst.msk @!p0 vm10, v16  }
0xa1: {  	v16 =	vld [tilespmem:s17+$0x0];
	_ =	sdelay $0x2  }
0xa2: {  	s20 =	spop @!p0 (v2sf)  }
0xa3: {  	s20 =	sxor.u32 @!p0 $0x80000000, s20  }
0xa4: {  	s20 =	simm.s32 @p0 $0x0;
	vm10 =	vge.f32 v16, v15  }
0xa5: {  	s9 =	sadd.s32 s9, s20;
	v17 =	vmpcnt.ones.xlane vm10  }
0xa6: {  	p0 =	sgt.s32 s9, $0xF0  }
0xa7: {  	vm10 =	vge.f32 @!p0 v16, v15;
	v17 =	vxor.u32 @!p0 $0x80000000, v17;
	v18 =	vlaneseq.u32 @!p0  }
0xa8: {  	v18 =	vor.u32 @!p0 s19, v18;
	(xrf0) =	vmax.scan.msk.u32 @!p0 $0xffff, v17  }
0xa9: {  	[tilespmem:s9+$0xB80] =	vst.msk @!p0 vm10, v18  }
0xaa: {  	[tilespmem:s9+$0xC80] =	vst.msk @!p0 vm10, v16;
	_ =	sdelay $0x3  }
0xab: {  	v16, _, _ =	vpop @!p0 (xrf0)  }
0xac: {  	(v2sf) =	vpush @!p0 v16, $0xF;
	_ =	sdelay $0x6  }
.Ltmp3:
0xad: {  	(pc) =	sbr.rel @p1 .LBB2_7-.Ltmp3, $2  }
0xae: {  	_ =	sdelay $0x2  }
0xaf: {  	s17 =	sadd.s32 $0x20, s17  }
0xb0: {  	v15 =	vld [tilespmem:$0xB80]  }
0xb1: {  	v16 =	vld [tilespmem:$0xB90]  }
0xb2: {  	v17 =	vld [tilespmem:$0xBA0]  }
0xb3: {  	v18 =	vld [tilespmem:$0xBB0]  }
0xb4: {  	v19 =	vld [tilespmem:$0xBC0]  }
0xb5: {  	v20 =	vld [tilespmem:$0xBD0];
	v15 =	vadd.s32 v0, v15  }
0xb6: {  	[tilespmem:$0x8E80] =	vst v15;
	v15 =	vadd.s32 v0, v16;
	v16 =	vld [tilespmem:$0xBE0]  }
0xb7: {  	[tilespmem:$0x8E90] =	vst v15;
	v15 =	vadd.s32 v0, v17;
	v17 =	vld [tilespmem:$0xBF0]  }
0xb8: {  	[tilespmem:$0x8EA0] =	vst v15;
	v15 =	vadd.s32 v0, v18;
	v18 =	vld [tilespmem:$0xC00]  }
0xb9: {  	[tilespmem:$0x8EB0] =	vst v15;
	v15 =	vadd.s32 v0, v19;
	v19 =	vld [tilespmem:$0xC10]  }
0xba: {  	v62 =	vld [tilespmem:$0xC20];
	[tilespmem:$0x8EC0] =	vst v15;
	v15 =	vadd.s32 v0, v20  }
0xbb: {  	[tilespmem:$0x8ED0] =	vst v15;
	v15 =	vadd.s32 v0, v16;
	v16 =	vld [tilespmem:$0xC30]  }
0xbc: {  	[tilespmem:$0x8EE0] =	vst v15;
	v15 =	vadd.s32 v0, v17;
	v17 =	vld [tilespmem:$0xC40]  }
0xbd: {  	[tilespmem:$0x8EF0] =	vst v15;
	v15 =	vadd.s32 v0, v18;
	v18 =	vld [tilespmem:$0xC50]  }
0xbe: {  	[tilespmem:$0x8F00] =	vst v15;
	v15 =	vadd.s32 v0, v19;
	v19 =	vld [tilespmem:$0xC60]  }
0xbf: {  	v63 =	vld [tilespmem:$0xC70];
	[tilespmem:$0x8F10] =	vst v15;
	v15 =	vadd.s32 v0, v62  }
0xc0: {  	[tilespmem:$0x8F20] =	vst v15;
	v15 =	vadd.s32 v0, v16  }
0xc1: {  	s17 =	spop @!p0 (v2sf);
	[tilespmem:$0x8F30] =	vst v15;
	v15 =	vadd.s32 v0, v17  }
0xc2: {  	s17 =	sxor.u32 @!p0 $0x80000000, s17;
	[tilespmem:$0x8F40] =	vst v15;
	v15 =	vadd.s32 v0, v18  }
0xc3: {  	s17 =	simm.s32 @p0 $0x0;
	[tilespmem:$0x8F50] =	vst v15;
	v15 =	vadd.s32 v0, v19  }
0xc4: {  	s9 =	sadd.s32 s9, s17;
	[tilespmem:$0x8F60] =	vst v15;
	v15 =	vadd.s32 v0, v63  }
0xc5: {  	s0 =	simm.s32 $0xD80;
	p0 =	slt.s32 s9, $0x81;
	[tilespmem:$0x8F70] =	vst v15  }
0xc6: {  	[tilespmem:s0], [sflag:$0x1] =	stream.indirect.gather [hbm4b:s3+s13], $0x80, s5, s13, $0xb8;
	[tilespmem:$0x9680] =	vst v63  }
0xc7: {  	s9 =	simm.s32 @!p0 $0x80;
	s17 =	simm.s32 @!p0 $0x8F00;
	s18 =	simm.s32 @!p0 $0x4D80  }
0xc8: {  	[tilespmem:s18], [sflag:$0x1] =	stream.indirect.gather @!p0 [hbm4b:s3+s9], $0x80, s17, s9, $0xb8;
	[tilespmem:$0x9680] =	vst v63  }
0xc9: {  	s9 =	simm.s32 @!p0 $0x1  }
0xca: {  	_ =	swait.ge @!p0 [sflag:s9], $0x4000  }
0xcb: {  	[sflag:s9] =	ssyncset.done @!p0 $0x0  }
0xcc: {  	[sflag:s9] =	ssyncadd.s32 @!p0 $0xFFFFC000  }
0xcd: {  	_ =	swait.ge [sflag:s15], $0x4000  }
0xce: {  	[sflag:s15] =	ssyncset.done $0x0  }
0xcf: {  	s30 =	simm.s32 $0xC80;
	[sflag:s15] =	ssyncadd.s32 $0xFFFFC000  }
0xd0: {  	v15 =	vld [tilespmem:s30+$0x0];
	_ =	sdelay $0x4  }
0xd1: {  	s31 =	simm.s32 $0xC90;
	(xrf0) =	vmax.scan.msk.f32 $0xffff, v15  }
0xd2: {  	v16 =	vld [tilespmem:s31+$0x0];
	_ =	sdelay $0x3  }
0xd3: {  	s21 =	simm.s32 $0x0;
	s19 =	simm.s32 $0xCA0;
	s20 =	simm.s32 $0x0  }
0xd4: {  	s17 =	simm.s32 $0x2;
	s18 =	simm.s32 $0x1;
	s9 =	simm.s32 $0x1;
	v15 =	vimm.f32 $-1.000000000e+00;
	(xrf0) =	vmax.scan.msk.f32 $0xffff, v16;
	v16, _, _ =	vpop (xrf0)  }
.LBB2_9:
0xd5: {  	p0 =	sne.s32 s17, $0xF  }
0xd6: {  	v17 =	vld [tilespmem:s19+$0x0];
	v18 =	vmov s20;
	v16 =	vbroadcast v16, $0xF;
	s20 =	smov.u32 s18;
	s18 =	smov.u32 s17;
	s17 =	sadd.s32 $0x1, s17  }
.Ltmp4:
0xd7: {  	vm10 =	veq.s32 v18, v2;
	(pc) =	sbr.rel @p0 .LBB2_9-.Ltmp4, $2  }
0xd8: {  	v15 =	vsel vm10, v16, v15;
	_ =	sdelay $0x2  }
0xd9: {  	s19 =	sadd.s32 $0x10, s19;
	(xrf0) =	vmax.scan.msk.f32 $0xffff, v17;
	v16, _, _ =	vpop (xrf0)  }
0xda: {  	_ =	sdelay $0x4  }
0xdb: {  	v17 =	vmov s20;
	v16 =	vbroadcast v16, $0xF;
	v18, _, _ =	vpop (xrf0)  }
0xdc: {  	vm10 =	veq.s32 v17, v2;
	v17 =	vmov s18;
	v18 =	vbroadcast v18, $0xF  }
0xdd: {  	v15 =	vsel vm10, v16, v15;
	vm10 =	veq.s32 v17, v2  }
0xde: {  	v15 =	vsel vm10, v18, v15  }
0xdf: {  	(xrf0) =	vmax.scan.msk.f32 $0xffff, v15;
	_ =	sdelay $0x5  }
0xe0: {  	v16, _, _ =	vpop (xrf0)  }
0xe1: {  	v17 =	vbroadcast v16, $0xF;
	_ =	sdelay $0x1  }
0xe2: {  	vm10 =	veq.f32 v15, v17  }
0xe3: {  	v16 =	vnsel vm10, $0x8000270F, v11  }
0xe4: {  	(xrf0) =	vmin.scan.msk.u32 $0xffff, v16;
	_ =	sdelay $0x5  }
0xe5: {  	v16, _, _ =	vpop (xrf0)  }
0xe6: {  	(v2sf) =	vpush v16, $0xF;
	_ =	sdelay $0xe  }
0xe7: {  	s6 =	spop (v2sf)  }
0xe8: {  	s17 =	sshll.u32 s6, $0x4  }
0xe9: {  	v16 =	vld [tilespmem:s17+$0xC80];
	_ =	sdelay $0x4  }
0xea: {  	vm10 =	veq.f32 v16, v17  }
0xeb: {  	v18 =	vnsel vm10, $0x8000270F, v11  }
0xec: {  	(xrf0) =	vmin.scan.msk.u32 $0xffff, v18;
	_ =	sdelay $0x5  }
0xed: {  	v18, _, _ =	vpop (xrf0)  }
0xee: {  	(v2sf) =	vpush v18, $0xF;
	_ =	sdelay $0xe  }
0xef: {  	s19 =	spop (v2sf)  }
0xf0: {  	s19 =	sxor.u32 $0x80000000, s19  }
0xf1: {  	s22 =	sadd.s32 s17, s19  }
0xf2: {  	s8 =	sshll.u32 s22, $0x9  }
0xf3: {  	s20 =	sshra.s32 s8, $0x2  }
0xf4: {  	s23 =	sshra.s32 s22, $0x1F;
	v18 =	vld [tilespmem:s20+$0xDF0]  }
0xf5: {  	s23 =	sshrl.u32 s23, $0x1C;
	v19 =	vld [tilespmem:s20+$0xDE0]  }
0xf6: {  	s23 =	sadd.s32 s23, s22;
	v20 =	vld [tilespmem:s20+$0xDD0]  }
0xf7: {  	v21 =	vld [tilespmem:s20+$0xDC0];
	s24 =	sand.u32 $0xFFFFFFF0, s23  }
0xf8: {  	p0 =	slt.s32 s22, $0x1;
	v22 =	vld [tilespmem:s20+$0xDB0];
	p1 =	sne.s32 s22, s24  }
0xf9: {  	v23 =	vld [tilespmem:s20+$0xDA0];
	p0 =	por !p0, !p1;
	vm10 =	veq.f32 v18, v17  }
0xfa: {  	s24 =	simm.s32 $0x1;
	p0 =	por !p0, !p0;
	v18 =	vld [tilespmem:s20+$0xD90];
	vm11 =	veq.f32 v19, v17;
	v19 =	vnsel vm10, $0x8000270F, v3  }
0xfb: {  	v24 =	vld [tilespmem:s20+$0xD80];
	s23 =	sshrl.u32 s23, $0x4;
	s24 =	simm.s32 @!p0 $0x0;
	vm10 =	veq.f32 v20, v17;
	v19 =	vsel vm11, v4, v19  }
0xfc: {  	s23 =	ssub.s32 s23, s24;
	vm11 =	veq.f32 v21, v17;
	v19 =	vsel vm10, v5, v19  }
0xfd: {  	s23 =	sshll.u32 s23, $0x6;
	vm10 =	veq.f32 v22, v17;
	v19 =	vsel vm11, v6, v19  }
0xfe: {  	s23 =	sshra.s32 s23, $0x2;
	vm11 =	veq.f32 v23, v17;
	v19 =	vsel vm10, v7, v19  }
0xff: {  	v56 =	vld [tilespmem:s23+$0xB80];
	vm10 =	veq.f32 v18, v17;
	v18 =	vsel vm11, v8, v19  }
0x100: {  	vm11 =	veq.f32 v24, v17;
	v18 =	vsel vm10, v12, v18  }
0x101: {  	v18 =	vsel vm11, v11, v18  }
0x102: {  	s22 =	sand.u32 $0xF, s22;
	(xrf0) =	vmin.scan.msk.u32 $0xffff, v18  }
0x103: {  	v18 =	vmov s22  }
0x104: {  	vm10 =	veq.s32 v18, v2;
	v18 =	vxor.u32 $0x80000000, v56  }
0x105: {  	v18 =	vnsel vm10, $0x80000000, v18  }
0x106: {  	(xrf0) =	vmax.scan.msk.u32 $0xffff, v18;
	_ =	sdelay $0x1  }
0x107: {  	v18, _, _ =	vpop (xrf0)  }
0x108: {  	(v2sf) =	vpush v18, $0xF;
	_ =	sdelay $0x2  }
0x109: {  	v18, _, _ =	vpop (xrf0)  }
0x10a: {  	(v2sf) =	vpush v18, $0xF;
	_ =	sdelay $0xa  }
0x10b: {  	s10 =	sand.u32 $0x70, s21;
	s11 =	spop (v2sf)  }
0x10c: {  	v18 =	vld [tilespmem:s10+$0x8D80];
	s24 =	sxor.u32 $0x80000000, s11  }
0x10d: {  	v19 =	vld [tilespmem:s10+$0x8E00];
	p1 =	slt.s32 s24, $0x7F  }
0x10e: {  	s12 =	sand.u32 $0xF, s21;
	p4 =	slt.s32 s24, $0x1;
	s24 =	simm.s32 @!p1 $0x7F  }
0x10f: {  	v57 =	vmov s12;
	s16 =	spop (v2sf);
	s25 =	sshra.s32 s24, $0x1F  }
0x110: {  	vm10 =	veq.s32 v57, v2;
	s21 =	sshll.u32 s16, $0x7;
	s25 =	sshrl.u32 s25, $0x1C  }
0x111: {  	v17 =	vsel vm10, v17, v18;
	s21 =	sadd.s32 s21, s24;
	s25 =	sadd.s32 s25, s24  }
0x112: {  	[tilespmem:s10+$0x8D80] =	vst v17;
	p5 =	sgt.s32 s11, $0xFFFFFFFF;
	v18 =	vsel vm10, s21, v19;
	s26 =	sand.u32 $0xFFFFFFF0, s25  }
0x113: {  	p0 =	por p5, p4;
	[tilespmem:s10+$0x8E00] =	vst v18;
	p6 =	sne.s32 s24, s26  }
0x114: {  	v17 =	vld [tilespmem:s20+$0xD80];
	p0 =	por !p0, !p6  }
0x115: {  	s21 =	simm.s32 $0x1;
	p0 =	por !p0, !p0  }
0x116: {  	s29 =	sand.u32 $0xF, s24;
	s28 =	sshra.s32 s25, $0x4;
	s21 =	simm.s32 @!p0 $0x0  }
0x117: {  	vm12 =	vmmov vm0;
	vm13 =	vmmov vm0;
	v19 =	vmov s29;
	v18 =	vld [tilespmem:s20+$0xD90];
	s21 =	ssub.s32 s28, s21  }
0x118: {  	vm14 =	vmmov vm0;
	vm11 =	vmmov vm0;
	vm10 =	veq.s32 v19, v2;
	v58 =	vld [tilespmem:s20+$0xDA0];
	p0 =	seq.s32 s21, $0x0;
	p1 =	seq.s32 s21, $0x1  }
0x119: {  	v60 =	vld [tilespmem:s20+$0xDD0];
	v17 =	vmax.f32 v17, $-1.000000000e+00;
	p2 =	seq.s32 s21, $0x2;
	vm11 =	vmneg @p0 vm11;
	vm12 =	vmneg @p1 vm12  }
0x11a: {  	vm13 =	vmneg @p2 vm13;
	p0 =	seq.s32 s21, $0x5;
	vm11 =	vmand vm10, vm11;
	vm12 =	vmand vm10, vm12  }
0x11b: {  	v59 =	vld [tilespmem:s20+$0xDB0];
	vm14 =	vmneg @p0 vm14;
	v17 =	vsel vm11, $0xBF800000, v17;
	vm11 =	vmmov vm0  }
0x11c: {  	v19 =	vld [tilespmem:s20+$0xDC0];
	p1 =	seq.s32 s21, $0x3;
	v18 =	vsel vm12, $0xBF800000, v18;
	vm12 =	vmand vm10, vm13;
	vm13 =	vmmov vm0  }
0x11d: {  	vm14 =	vmand vm10, vm14;
	vm11 =	vmneg @p1 vm11;
	v17 =	vmax.f32 v17, v18  }
0x11e: {  	p0 =	seq.s32 s21, $0x4;
	v18 =	vld [tilespmem:s20+$0xDE0];
	v20 =	vsel vm12, $0xBF800000, v58;
	vm12 =	vmmov vm0;
	v63 =	vsel vm14, $0xBF800000, v60  }
0x11f: {  	v61 =	vld [tilespmem:s20+$0xDF0];
	vm11 =	vmand vm10, vm11;
	vm12 =	vmneg @p0 vm12;
	v17 =	vmax.f32 v17, v20  }
0x120: {  	p0 =	seq.s32 s21, $0x6;
	v62 =	vsel vm11, $0xBF800000, v59;
	vm11 =	vmand vm10, vm12;
	vm12 =	vmmov vm0  }
0x121: {  	p1 =	seq.s32 s21, $0x7;
	v17 =	vmax.f32 v17, v62;
	vm12 =	vmneg @p0 vm12;
	v19 =	vsel vm11, $0xBF800000, v19  }
0x122: {  	vm13 =	vmneg @p1 vm13;
	vm11 =	vmand vm10, vm12;
	v17 =	vmax.f32 v17, v19  }
0x123: {  	v18 =	vsel vm11, $0xBF800000, v18;
	vm11 =	vmand vm10, vm13;
	v17 =	vmax.f32 v17, v63  }
0x124: {  	v19 =	vsel vm11, $0xBF800000, v61;
	v17 =	vmax.f32 v17, v18  }
0x125: {  	v17 =	vmax.f32 v17, v19  }
0x126: {  	(xrf0) =	vmax.scan.msk.f32 $0xffff, v17;
	_ =	sdelay $0x4  }
0x127: {  	s21 =	sshll.u32 s21, $0x4  }
0x128: {  	s20 =	sadd.s32 $0xD80, s20;
	s30 =	sand.u32 $0xFFFFFF80, s21;
	v17, _, _ =	vpop (xrf0)  }
0x129: {  	s31 =	sand.u32 $0x70, s21;
	s20 =	sadd.s32 s30, s20;
	v18 =	vmov s19;
	v17 =	vbroadcast v17, $0xF  }
0x12a: {  	s19 =	sor.u32 s31, s20;
	vm11 =	veq.s32 v18, v2  }
0x12b: {  	v18 =	vld [tilespmem:s19+$0x0];
	v16 =	vsel vm11, v17, v16  }
0x12c: {  	(xrf0) =	vmax.scan.msk.f32 $0xffff, v16;
	_ =	sdelay $0x3  }
0x12d: {  	s18 =	sxor.u32 $0x80000000, s6;
	v17 =	vsel vm10, $0xBF800000, v18  }
0x12e: {  	v18 =	vmov s18;
	[tilespmem:s19+$0x0] =	vst v17  }
0x12f: {  	vm10 =	veq.s32 v18, v2;
	[tilespmem:s17+$0xC80] =	vst v16;
	v16, _, _ =	vpop (xrf0)  }
.LBB2_11:
0x130: {  	p0 =	sne.s32 s9, $0x63;
	v16 =	vbroadcast v16, $0xF;
	s18 =	smov.u32 s9;
	s9 =	sadd.s32 $0x1, s9  }
0x131: {  	_ = 	snop  }
0x132: {  	v15 =	vsel vm10, v16, v15  }
0x133: {  	(xrf0) =	vmax.scan.msk.f32 $0xffff, v15;
	_ =	sdelay $0x5  }
0x134: {  	v16, _, _ =	vpop (xrf0)  }
0x135: {  	v18 =	vbroadcast v16, $0xF;
	_ =	sdelay $0x1  }
0x136: {  	vm10 =	veq.f32 v15, v18  }
0x137: {  	v16 =	vnsel vm10, $0x8000270F, v11  }
0x138: {  	(xrf0) =	vmin.scan.msk.u32 $0xffff, v16;
	_ =	sdelay $0x5  }
0x139: {  	v16, _, _ =	vpop (xrf0)  }
0x13a: {  	(v2sf) =	vpush v16, $0xF;
	_ =	sdelay $0xe  }
0x13b: {  	s17 =	spop (v2sf)  }
0x13c: {  	s19 =	sxor.u32 $0x80000000, s17;
	s17 =	sshll.u32 s17, $0x4  }
0x13d: {  	v16 =	vld [tilespmem:s17+$0xC80];
	v17 =	vmov s19  }
0x13e: {  	vm10 =	veq.s32 v17, v2;
	_ =	sdelay $0x3  }
0x13f: {  	vm11 =	veq.f32 v16, v18  }
0x140: {  	v17 =	vnsel vm11, $0x8000270F, v11  }
0x141: {  	(xrf0) =	vmin.scan.msk.u32 $0xffff, v17;
	_ =	sdelay $0x5  }
0x142: {  	v17, _, _ =	vpop (xrf0)  }
0x143: {  	(v2sf) =	vpush v17, $0xF;
	_ =	sdelay $0xe  }
0x144: {  	s19 =	spop (v2sf)  }
0x145: {  	s19 =	sxor.u32 $0x80000000, s19  }
0x146: {  	s20 =	sadd.s32 s17, s19;
	v17 =	vmov s19  }
0x147: {  	s19 =	sshll.u32 s20, $0x9;
	s21 =	sshra.s32 s20, $0x1F;
	s22 =	sand.u32 $0xF, s20  }
0x148: {  	s19 =	sshra.s32 s19, $0x2;
	s21 =	sshrl.u32 s21, $0x1C;
	v19 =	vmov s22  }
0x149: {  	v20 =	vld [tilespmem:s19+$0xDF0];
	s21 =	sadd.s32 s21, s20  }
0x14a: {  	v21 =	vld [tilespmem:s19+$0xDE0];
	s22 =	sand.u32 $0xFFFFFFF0, s21  }
0x14b: {  	p1 =	slt.s32 s20, $0x1;
	v22 =	vld [tilespmem:s19+$0xDD0];
	p2 =	sne.s32 s20, s22  }
0x14c: {  	v23 =	vld [tilespmem:s19+$0xDC0];
	p1 =	por !p1, !p2  }
0x14d: {  	s20 =	sshrl.u32 s21, $0x4;
	s21 =	simm.s32 $0x1;
	v24 =	vld [tilespmem:s19+$0xDB0];
	p1 =	por !p1, !p1  }
0x14e: {  	v25 =	vld [tilespmem:s19+$0xDA0];
	vm11 =	veq.f32 v20, v18;
	s21 =	simm.s32 @!p1 $0x0  }
0x14f: {  	v20 =	vld [tilespmem:s19+$0xD90];
	vm12 =	veq.f32 v21, v18;
	v21 =	vnsel vm11, $0x8000270F, v3;
	s20 =	ssub.s32 s20, s21  }
0x150: {  	v26 =	vld [tilespmem:s19+$0xD80];
	vm11 =	veq.f32 v22, v18;
	v21 =	vsel vm12, v4, v21;
	s20 =	sshll.u32 s20, $0x6  }
0x151: {  	vm12 =	veq.f32 v23, v18;
	v21 =	vsel vm11, v5, v21;
	s20 =	sshra.s32 s20, $0x2  }
0x152: {  	vm11 =	veq.f32 v24, v18;
	v21 =	vsel vm12, v6, v21;
	v22 =	vld [tilespmem:s20+$0xB80]  }
0x153: {  	vm12 =	veq.f32 v25, v18;
	v21 =	vsel vm11, v7, v21  }
0x154: {  	vm11 =	veq.f32 v20, v18;
	v20 =	vsel vm12, v8, v21  }
0x155: {  	vm12 =	veq.f32 v26, v18;
	v20 =	vsel vm11, v12, v20  }
0x156: {  	v20 =	vsel vm12, v11, v20  }
0x157: {  	vm11 =	veq.s32 v19, v2;
	v19 =	vxor.u32 $0x80000000, v22;
	(xrf0) =	vmin.scan.msk.u32 $0xffff, v20  }
0x158: {  	v19 =	vnsel vm11, $0x80000000, v19  }
0x159: {  	(xrf0) =	vmax.scan.msk.u32 $0xffff, v19;
	_ =	sdelay $0x3  }
0x15a: {  	v19, _, _ =	vpop (xrf0)  }
0x15b: {  	(v2sf) =	vpush v19, $0xF  }
0x15c: {  	v19, _, _ =	vpop (xrf0)  }
0x15d: {  	(v2sf) =	vpush v19, $0xF;
	_ =	sdelay $0xa  }
0x15e: {  	s20 =	sand.u32 $0x70, s18  }
0x15f: {  	v19 =	vld [tilespmem:s20+$0x8D80]  }
0x160: {  	v20 =	vld [tilespmem:s20+$0x8E00];
	s21 =	spop (v2sf)  }
0x161: {  	s18 =	sand.u32 $0xF, s18;
	s22 =	sxor.u32 $0x80000000, s21  }
0x162: {  	v21 =	vmov s18;
	p2 =	slt.s32 s22, $0x7F;
	p1 =	slt.s32 s22, $0x1;
	s18 =	spop (v2sf)  }
0x163: {  	vm11 =	veq.s32 v21, v2;
	s22 =	simm.s32 @!p2 $0x7F;
	s18 =	sshll.u32 s18, $0x7  }
0x164: {  	s18 =	sadd.s32 s18, s22;
	v18 =	vsel vm11, v18, v19;
	s23 =	sshra.s32 s22, $0x1F;
	s24 =	sand.u32 $0xF, s22  }
0x165: {  	[tilespmem:s20+$0x8D80] =	vst v18;
	v18 =	vsel vm11, s18, v20;
	s18 =	sshrl.u32 s23, $0x1C  }
0x166: {  	v19 =	vmov s24;
	s18 =	sadd.s32 s18, s22  }
0x167: {  	p2 =	sgt.s32 s21, $0xFFFFFFFF;
	[tilespmem:s20+$0x8E00] =	vst v18;
	s20 =	sand.u32 $0xFFFFFFF0, s18  }
0x168: {  	p1 =	por p2, p1;
	v18 =	vld [tilespmem:s19+$0xD80];
	p2 =	sne.s32 s22, s20  }
0x169: {  	p1 =	por !p1, !p2  }
0x16a: {  	v20 =	vld [tilespmem:s19+$0xD90];
	s20 =	simm.s32 $0x1;
	p1 =	por !p1, !p1  }
0x16b: {  	s18 =	sshra.s32 s18, $0x4;
	v21 =	vld [tilespmem:s19+$0xDA0];
	s20 =	simm.s32 @!p1 $0x0  }
0x16c: {  	vm13 =	vmmov vm0;
	vm14 =	vmmov vm0;
	v22 =	vld [tilespmem:s19+$0xDB0];
	s18 =	ssub.s32 s18, s20  }
0x16d: {  	vm12 =	vmmov vm0;
	vm11 =	veq.s32 v19, v2;
	v23 =	vld [tilespmem:s19+$0xDC0];
	v18 =	vmax.f32 v18, $-1.000000000e+00;
	p1 =	seq.s32 s18, $0x0;
	p2 =	seq.s32 s18, $0x1;
	p3 =	seq.s32 s18, $0x2  }
0x16e: {  	vm12 =	vmneg @p1 vm12;
	vm13 =	vmneg @p2 vm13;
	vm14 =	vmneg @p3 vm14  }
0x16f: {  	p1 =	seq.s32 s18, $0x5;
	vm15 =	vmand vm11, vm12;
	vm13 =	vmand vm11, vm13;
	vm12 =	vmmov vm0  }
0x170: {  	p3 =	seq.s32 s18, $0x3;
	p2 =	seq.s32 s18, $0x4;
	vm14 =	vmand vm11, vm14;
	vm12 =	vmneg @p1 vm12;
	v18 =	vsel vm15, $0xBF800000, v18  }
0x171: {  	p4 =	seq.s32 s18, $0x7;
	p1 =	seq.s32 s18, $0x6;
	s18 =	sshll.u32 s18, $0x4;
	v19 =	vsel vm13, $0xBF800000, v20;
	vm13 =	vmmov vm0;
	vm15 =	vmmov vm0  }
0x172: {  	s20 =	sadd.s32 $0xD80, s19;
	v21 =	vsel vm14, $0xBF800000, v21;
	v20 =	vld [tilespmem:s19+$0xDD0];
	vm13 =	vmneg @p4 vm13;
	s21 =	sand.u32 $0xFFFFFF80, s18;
	vm15 =	vmneg @p3 vm15  }
0x173: {  	v18 =	vmax.f32 v18, v19;
	s18 =	sand.u32 $0x70, s18;
	v19 =	vld [tilespmem:s19+$0xDE0];
	s20 =	sadd.s32 s21, s20;
	vm14 =	vmand vm11, vm15;
	vm15 =	vmmov vm0  }
0x174: {  	v18 =	vmax.f32 v18, v21;
	vm15 =	vmneg @p2 vm15;
	v24 =	vld [tilespmem:s19+$0xDF0];
	s18 =	sor.u32 s18, s20  }
0x175: {  	v21 =	vsel vm14, $0xBF800000, v22;
	vm14 =	vmand vm11, vm15;
	v22 =	vld [tilespmem:s18+$0x0];
	vm15 =	vmmov vm0  }
0x176: {  	vm12 =	vmand vm11, vm12;
	v18 =	vmax.f32 v18, v21;
	vm15 =	vmneg @p1 vm15  }
0x177: {  	v21 =	vsel vm14, $0xBF800000, v23;
	v20 =	vsel vm12, $0xBF800000, v20;
	vm12 =	vmand vm11, vm15  }
0x178: {  	v18 =	vmax.f32 v18, v21;
	v19 =	vsel vm12, $0xBF800000, v19;
	vm12 =	vmand vm11, vm13  }
0x179: {  	v18 =	vmax.f32 v18, v20;
	v20 =	vsel vm12, $0xBF800000, v24  }
0x17a: {  	v18 =	vmax.f32 v18, v19;
	v19 =	vsel vm11, $0xBF800000, v22  }
0x17b: {  	v18 =	vmax.f32 v18, v20;
	[tilespmem:s18+$0x0] =	vst v19  }
0x17c: {  	(xrf0) =	vmax.scan.msk.f32 $0xffff, v18;
	_ =	sdelay $0x5  }
0x17d: {  	v18, _, _ =	vpop (xrf0)  }
0x17e: {  	vm11 =	veq.s32 v17, v2;
	v17 =	vbroadcast v18, $0xF;
	_ =	sdelay $0x1  }
0x17f: {  	v16 =	vsel vm11, v17, v16  }
0x180: {  	[tilespmem:s17+$0xC80] =	vst v16;
	(xrf0) =	vmax.scan.msk.f32 $0xffff, v16;
	_ =	sdelay $0x1  }
.Ltmp5:
0x181: {  	(pc) =	sbr.rel @p0 .LBB2_11-.Ltmp5, $2  }
0x182: {  	_ =	sdelay $0x2  }
0x183: {  	v16, _, _ =	vpop (xrf0)  }
0x184: {  	s17 =	simm.s32 $0x0  }
0x185: {  	s9 =	sand.u32 $0x70, s17  }
0x186: {  	v15 =	vld [tilespmem:s9+$0x8E00];
	_ =	sdelay $0x4  }
0x187: {  	(v2sf) =	vpush v15, $0xC  }
0x188: {  	(v2sf) =	vpush v15, $0x1;
	_ =	sdelay $0x1  }
0x189: {  	(v2sf) =	vpush v15, $0x0;
	_ =	sdelay $0x1  }
0x18a: {  	(v2sf) =	vpush v15, $0x8;
	_ =	sdelay $0x1  }
0x18b: {  	(v2sf) =	vpush v15, $0x2;
	_ =	sdelay $0x1  }
0x18c: {  	(v2sf) =	vpush v15, $0x3  }
0x18d: {  	(v2sf) =	vpush v15, $0xD  }
0x18e: {  	(v2sf) =	vpush v15, $0x9;
	_ =	sdelay $0x1  }
0x18f: {  	(v2sf) =	vpush v15, $0xA  }
0x190: {  	(v2sf) =	vpush v15, $0x4  }
0x191: {  	s19 =	spop (v2sf)  }
0x192: {  	s20 =	smulhi.u32 $0x88888889, s19;
	s21 =	spop (v2sf)  }
0x193: {  	s25 =	sshra.s32 s19, $0x1F;
	s22 =	smulhi.u32 $0x88888889, s21  }
0x194: {  	(v2sf) =	vpush v15, $0xE;
	s24 =	spop (v2sf);
	s25 =	smul.u32 $0x88888889, s25  }
0x195: {  	s18 =	simm.s32 $0x1;
	(v2sf) =	vpush v15, $0x5;
	s23 =	sshra.s32 s21, $0x1F;
	s26 =	smulhi.u32 $0x88888889, s24  }
0x196: {  	(v2sf) =	vpush v15, $0xB;
	s28 =	sshra.s32 s24, $0x1F;
	s11 =	smul.u32 $0x88888889, s23;
	s12 =	spop (v2sf)  }
0x197: {  	s19 =	ssub.s32 s20, s19;
	s21 =	ssub.s32 s22, s21;
	s6 =	smul.u32 $0x88888889, s28  }
0x198: {  	s29 =	sshra.s32 s12, $0x1F;
	s30 =	spop (v2sf);
	s8 =	smulhi.u32 $0x88888889, s12  }
0x199: {  	s19 =	sadd.s32 s25, s19;
	s24 =	ssub.s32 s26, s24;
	s10 =	smulhi.u32 $0x88888889, s30  }
0x19a: {  	(v2sf) =	vpush v15, $0xF;
	s28 =	sshra.s32 s30, $0x1F;
	s22 =	spop (v2sf);
	s25 =	smul.u32 $0x88888889, s29  }
0x19b: {  	s0 =	sshra.s32 s22, $0x1F;
	s1 =	spop (v2sf);
	s28 =	smul.u32 $0x88888889, s28  }
0x19c: {  	s31 =	sadd.s32 s11, s21;
	s0 =	smul.u32 $0x88888889, s0;
	s11 =	spop (v2sf)  }
0x19d: {  	s26 =	sadd.s32 s6, s24;
	s5 =	sshra.s32 s1, $0x1F;
	s6 =	smulhi.u32 $0x88888889, s11  }
0x19e: {  	s8 =	ssub.s32 s8, s12;
	s16 =	spop (v2sf);
	s5 =	smul.u32 $0x88888889, s5  }
0x19f: {  	s30 =	ssub.s32 s10, s30;
	s23 =	smulhi.u32 $0x88888889, s16;
	s29 =	spop (v2sf)  }
0x1a0: {  	s10 =	sshra.s32 s16, $0x1F;
	s20 =	ssub.s32 s6, s11;
	s6 =	smulhi.u32 $0x88888889, s29  }
0x1a1: {  	s8 =	sadd.s32 s25, s8;
	s12 =	sshra.s32 s29, $0x1F;
	s10 =	smul.u32 $0x88888889, s10  }
0x1a2: {  	s21 =	sshra.s32 s11, $0x1F;
	s28 =	sadd.s32 s28, s30;
	s24 =	smul.u32 $0x88888889, s12  }
0x1a3: {  	s6 =	ssub.s32 s6, s29;
	s29 =	smulhi.u32 $0x88888889, s22;
	s11 =	spop (v2sf)  }
0x1a4: {  	s16 =	ssub.s32 s23, s16;
	s30 =	smulhi.u32 $0x88888889, s11;
	s23 =	spop (v2sf)  }
0x1a5: {  	s6 =	sadd.s32 s24, s6;
	s25 =	sshra.s32 s11, $0x1F;
	s12 =	spop (v2sf)  }
0x1a6: {  	v16 =	vmov s26;
	s24 =	ssub.s32 s30, s11;
	s30 =	smulhi.u32 $0x88888889, s1;
	s11 =	ssub.s32 s29, s22  }
0x1a7: {  	v16 =	vnsel vm4, $0x0, v16;
	s26 =	smulhi.u32 $0x88888889, s12;
	s22 =	sadd.s32 s10, s16;
	s10 =	sshra.s32 s12, $0x1F  }
0x1a8: {  	v16 =	vsel vm1, s31, v16;
	s16 =	sshra.s32 s23, $0x1F;
	s0 =	sadd.s32 s0, s11;
	s10 =	smul.u32 $0x88888889, s10  }
0x1a9: {  	v16 =	vsel vm2, s28, v16;
	(v2sf) =	vpush v15, $0x6;
	s28 =	smul.u32 $0x88888889, s16;
	s1 =	ssub.s32 s30, s1;
	s30 =	spop (v2sf)  }
0x1aa: {  	v18 =	vmov s19;
	(v2sf) =	vpush v15, $0x7;
	s19 =	ssub.s32 s26, s12;
	v17 =	vsel vm3, s0, v16;
	s26 =	sadd.s32 s5, s1;
	s31 =	smulhi.u32 $0x88888889, s30  }
0x1ab: {  	v16 =	vmov s8;
	v17 =	vsel vm5, s6, v17;
	s29 =	sshra.s32 s30, $0x1F;
	v18 =	vsel vm1, s26, v18;
	s26 =	sadd.s32 s10, s19;
	s19 =	simm.s32 $0x0  }
.LBB2_13:
0x1ac: {  	_ =	sdelay $0x9  }
0x1ad: {  	s0 =	smul.u32 $0x88888889, s25  }
0x1ae: {  	s6 =	smulhi.u32 $0x88888889, s23  }
0x1af: {  	s16 =	smul.u32 $0x88888889, s29;
	s5 =	ssub.s32 s31, s30  }
0x1b0: {  	s0 =	sadd.s32 s0, s24;
	s24 =	smul.u32 $0x88888889, s21;
	s1 =	spop (v2sf)  }
0x1b1: {  	s6 =	ssub.s32 s6, s23;
	s8 =	sshra.s32 s1, $0x1F;
	s21 =	smulhi.u32 $0x88888889, s1  }
0x1b2: {  	v18 =	vsel vm2, s0, v18;
	s0 =	sadd.s32 s24, s20;
	s10 =	spop (v2sf);
	s8 =	smul.u32 $0x88888889, s8  }
0x1b3: {  	s5 =	sadd.s32 s16, s5;
	v16 =	vsel vm1, s0, v16;
	s11 =	sshra.s32 s10, $0x1F;
	s12 =	smulhi.u32 $0x88888889, s10  }
0x1b4: {  	s6 =	sadd.s32 s28, s6;
	v16 =	vsel vm2, s22, v16;
	s24 =	smul.u32 $0x88888889, s11;
	s0 =	ssub.s32 s21, s1  }
0x1b5: {  	v17 =	vsel vm6, s6, v17;
	v18 =	vsel vm3, s5, v18;
	v16 =	vsel vm3, s26, v16;
	s23 =	ssub.s32 s12, s10;
	s0 =	sadd.s32 s8, s0  }
0x1b6: {  	v16 =	vcombine.low v16, v18;
	s26 =	sadd.s32 s24, s23;
	v17 =	vsel vm7, s0, v17  }
0x1b7: {  	v17 =	vsel vm8, s26, v17  }
0x1b8: {  	v16 =	vperm.xlane v16, v13;
	v17 =	vperm.xlane v17, v14;
	_ =	sdelay $0x1  }
0x1b9: {  	v16 =	vsel vm9, v17, v16  }
0x1ba: {  	v16 =	vadd.s32 v15, v16  }
0x1bb: {  	v17 =	vshrl.u32 v16, $0x1F;
	v16 =	vshra.s32 v16, $0x10  }
0x1bc: {  	v16 =	vadd.s32 v17, v16  }
0x1bd: {  	v16 =	vmul.u32 $0x1E000, v16  }
0x1be: {  	s1 =	sshrl.u32 s19, $0x3  }
0x1bf: {  	s0 =	smul.u32 $0x1E000, s1;
	v15 =	vsub.s32 v15, v16  }
0x1c0: {  	s5 =	rddreg [dreg:$0x3];
	s6 =	sshll.u32 s19, $0x4;
	vm10 =	vlt.s32 v15, $0x0;
	v16 =	vadd.s32 $0x1E000, v15  }
0x1c1: {  	s8 =	sand.u32 $0x3FFFFF80, s6;
	s0 =	sadd.s32 s5, s0;
	v15 =	vsel vm10, v16, v15  }
0x1c2: {  	s17 =	sadd.s32 $0x10, s17;
	s1 =	sor.u32 s9, s8;
	v15 =	vadd.s32 s0, v15  }
0x1c3: {  	s9 =	sand.u32 $0x70, s17;
	[tilespmem:s1+$0x8E80] =	vst v15  }
0x1c4: {  	v15 =	vld [tilespmem:s9+$0x8E00];
	_ =	sdelay $0x4  }
0x1c5: {  	(v2sf) =	vpush v15, $0xC  }
0x1c6: {  	(v2sf) =	vpush v15, $0x1  }
0x1c7: {  	(v2sf) =	vpush v15, $0x0;
	_ =	sdelay $0x1  }
0x1c8: {  	(v2sf) =	vpush v15, $0x8;
	_ =	sdelay $0x1  }
0x1c9: {  	(v2sf) =	vpush v15, $0x2  }
0x1ca: {  	(v2sf) =	vpush v15, $0x3;
	_ =	sdelay $0x1  }
0x1cb: {  	(v2sf) =	vpush v15, $0xD;
	_ =	sdelay $0x1  }
0x1cc: {  	(v2sf) =	vpush v15, $0x9;
	_ =	sdelay $0x1  }
0x1cd: {  	(v2sf) =	vpush v15, $0xA  }
0x1ce: {  	(v2sf) =	vpush v15, $0x4  }
0x1cf: {  	s25 =	smov.u32 s18;
	s0 =	spop (v2sf)  }
0x1d0: {  	s19 =	smov.u32 s25;
	s1 =	smulhi.u32 $0x88888889, s0;
	s10 =	spop (v2sf)  }
0x1d1: {  	s21 =	sshra.s32 s0, $0x1F;
	s11 =	smulhi.u32 $0x88888889, s10;
	s16 =	spop (v2sf)  }
0x1d2: {  	(v2sf) =	vpush v15, $0xE;
	s12 =	sshra.s32 s10, $0x1F;
	s22 =	smulhi.u32 $0x88888889, s16;
	s24 =	sshra.s32 s16, $0x1F  }
0x1d3: {  	(v2sf) =	vpush v15, $0x5;
	s25 =	smul.u32 $0x88888889, s12;
	s8 =	spop (v2sf);
	s0 =	ssub.s32 s1, s0  }
0x1d4: {  	(v2sf) =	vpush v15, $0xB;
	s5 =	ssub.s32 s11, s10;
	s11 =	smul.u32 $0x88888889, s21;
	s23 =	sshra.s32 s8, $0x1F  }
0x1d5: {  	s20 =	spop (v2sf);
	s26 =	smul.u32 $0x88888889, s24;
	s10 =	ssub.s32 s22, s16  }
0x1d6: {  	s16 =	sshra.s32 s20, $0x1F;
	s21 =	smulhi.u32 $0x88888889, s20;
	s22 =	spop (v2sf)  }
0x1d7: {  	s5 =	sadd.s32 s25, s5;
	s25 =	smulhi.u32 $0x88888889, s8;
	s24 =	sshra.s32 s22, $0x1F  }
0x1d8: {  	s10 =	sadd.s32 s26, s10;
	s26 =	spop (v2sf);
	s1 =	smul.u32 $0x88888889, s24  }
0x1d9: {  	(v2sf) =	vpush v15, $0xF;
	s0 =	sadd.s32 s11, s0;
	s28 =	sshra.s32 s26, $0x1F;
	s24 =	smul.u32 $0x88888889, s16  }
0x1da: {  	s6 =	ssub.s32 s21, s20;
	s12 =	spop (v2sf);
	s16 =	smul.u32 $0x88888889, s23  }
0x1db: {  	s8 =	ssub.s32 s25, s8;
	s20 =	smulhi.u32 $0x88888889, s12;
	s21 =	sshra.s32 s12, $0x1F  }
0x1dc: {  	v16 =	vmov s10;
	v18 =	vmov s0;
	s25 =	spop (v2sf);
	s28 =	smul.u32 $0x88888889, s28;
	s0 =	sadd.s32 s24, s6  }
0x1dd: {  	v16 =	vnsel vm4, $0x0, v16;
	s6 =	spop (v2sf);
	s20 =	ssub.s32 s20, s12;
	s12 =	smulhi.u32 $0x88888889, s25  }
0x1de: {  	v16 =	vsel vm1, s5, v16;
	s8 =	sadd.s32 s16, s8;
	s23 =	smulhi.u32 $0x88888889, s6  }
0x1df: {  	s11 =	sshra.s32 s25, $0x1F;
	v17 =	vsel vm2, s0, v16;
	v16 =	vmov s8;
	s8 =	smulhi.u32 $0x88888889, s22;
	s5 =	ssub.s32 s12, s25  }
0x1e0: {  	s25 =	sshra.s32 s6, $0x1F;
	s0 =	ssub.s32 s23, s6;
	s6 =	smul.u32 $0x88888889, s11  }
0x1e1: {  	p0 =	sne.s32 s18, $0x3F;
	s11 =	smulhi.u32 $0x88888889, s26;
	s16 =	spop (v2sf)  }
0x1e2: {  	s18 =	sadd.s32 $0x1, s18;
	s24 =	smulhi.u32 $0x88888889, s16;
	s23 =	spop (v2sf)  }
0x1e3: {  	s8 =	ssub.s32 s8, s22;
	s10 =	smul.u32 $0x88888889, s25;
	s12 =	spop (v2sf)  }
0x1e4: {  	s25 =	sshra.s32 s16, $0x1F;
	s24 =	ssub.s32 s24, s16;
	s16 =	smulhi.u32 $0x88888889, s12  }
.Ltmp6:
0x1e5: {  	s1 =	sadd.s32 s1, s8;
	s22 =	sadd.s32 s6, s5;
	(pc) =	sbr.rel @p0 .LBB2_13-.Ltmp6, $4  }
0x1e6: {  	s11 =	ssub.s32 s11, s26;
	s0 =	sadd.s32 s10, s0;
	s29 =	sshra.s32 s12, $0x1F  }
0x1e7: {  	s10 =	sshra.s32 s23, $0x1F;
	s12 =	ssub.s32 s16, s12;
	s16 =	smul.u32 $0x88888889, s29  }
0x1e8: {  	(v2sf) =	vpush v15, $0x6;
	v17 =	vsel vm3, s1, v17;
	s26 =	sadd.s32 s28, s11;
	s28 =	smul.u32 $0x88888889, s10;
	s30 =	spop (v2sf)  }
0x1e9: {  	(v2sf) =	vpush v15, $0x7;
	v17 =	vsel vm5, s0, v17;
	v18 =	vsel vm1, s26, v18;
	s31 =	smulhi.u32 $0x88888889, s30;
	s29 =	sshra.s32 s30, $0x1F;
	s26 =	sadd.s32 s16, s12  }
0x1ea: {  	_ =	sdelay $0x8  }
0x1eb: {  	s0 =	smul.u32 $0x88888889, s25  }
0x1ec: {  	s5 =	smulhi.u32 $0x88888889, s23  }
0x1ed: {  	s10 =	smul.u32 $0x88888889, s21  }
0x1ee: {  	s11 =	smul.u32 $0x88888889, s29  }
0x1ef: {  	s8 =	ssub.s32 s31, s30;
	s0 =	sadd.s32 s0, s24;
	s1 =	spop (v2sf)  }
0x1f0: {  	s5 =	ssub.s32 s5, s23;
	s6 =	sshra.s32 s1, $0x1F;
	s16 =	smulhi.u32 $0x88888889, s1  }
0x1f1: {  	s10 =	sadd.s32 s10, s20;
	s12 =	spop (v2sf);
	s6 =	smul.u32 $0x88888889, s6  }
0x1f2: {  	s21 =	sadd.s32 s11, s8;
	v16 =	vsel vm1, s10, v16;
	s17 =	sshra.s32 s12, $0x1F;
	s20 =	smulhi.u32 $0x88888889, s12  }
0x1f3: {  	s5 =	sadd.s32 s28, s5;
	v18 =	vsel vm2, s0, v18;
	v16 =	vsel vm2, s22, v16;
	s1 =	ssub.s32 s16, s1;
	s22 =	smul.u32 $0x88888889, s17  }
0x1f4: {  	v17 =	vsel vm6, s5, v17;
	v18 =	vsel vm3, s21, v18;
	v16 =	vsel vm3, s26, v16;
	s23 =	ssub.s32 s20, s12;
	s24 =	sadd.s32 s6, s1  }
0x1f5: {  	v16 =	vcombine.low v16, v18;
	s25 =	sadd.s32 s22, s23;
	v17 =	vsel vm7, s24, v17  }
0x1f6: {  	v17 =	vsel vm8, s25, v17  }
0x1f7: {  	v16 =	vperm.xlane v16, v13;
	v17 =	vperm.xlane v17, v14;
	_ =	sdelay $0x1  }
0x1f8: {  	v16 =	vsel vm9, v17, v16  }
0x1f9: {  	v16 =	vadd.s32 v15, v16  }
0x1fa: {  	v63 =	vshrl.u32 v16, $0x1F;
	v16 =	vshra.s32 v16, $0x10  }
0x1fb: {  	v16 =	vadd.s32 v63, v16  }
0x1fc: {  	v16 =	vmul.u32 $0x1E000, v16  }
0x1fd: {  	s26 =	sshrl.u32 s19, $0x3  }
0x1fe: {  	s0 =	smul.u32 $0x1E000, s26;
	v15 =	vsub.s32 v15, v16  }
0x1ff: {  	s29 =	sshll.u32 s19, $0x4;
	s28 =	rddreg [dreg:$0x3];
	vm10 =	vlt.s32 v15, $0x0;
	v16 =	vadd.s32 $0x1E000, v15  }
0x200: {  	s30 =	sand.u32 $0x3FFFFF80, s29;
	s0 =	sadd.s32 s28, s0;
	v15 =	vsel vm10, v16, v15  }
0x201: {  	s1 =	sor.u32 s9, s30;
	v15 =	vadd.s32 s0, v15  }
0x202: {  	s31 =	simm.s32 $0x9280;
	s5 =	simm.s32 $0x8E80;
	[tilespmem:s1+$0x8E80] =	vst v15  }
0x203: {  	[tilespmem:s31], [sflag:$0x1] =	stream.indirect.gather [hbm4b:s4+s13], $0x1, s5, s13, $0xb8;
	[tilespmem:$0x9680] =	vst v63  }
0x204: {  	s8 =	simm.s32 $0x8F00;
	s9 =	simm.s32 $0x9300  }
0x205: {  	[tilespmem:s9], [sflag:$0x1] =	stream.indirect.gather [hbm4b:s4+s13], $0x1, s8, s13, $0xb8;
	[tilespmem:$0x9680] =	vst v63  }
0x206: {  	s11 =	simm.s32 $0x9380;
	s10 =	simm.s32 $0x8F80  }
0x207: {  	[tilespmem:s11], [sflag:$0x1] =	stream.indirect.gather [hbm4b:s4+s13], $0x1, s10, s13, $0xb8;
	[tilespmem:$0x9680] =	vst v63  }
0x208: {  	s16 =	simm.s32 $0x9400;
	s12 =	simm.s32 $0x9000  }
0x209: {  	[tilespmem:s16], [sflag:$0x1] =	stream.indirect.gather [hbm4b:s4+s13], $0x1, s12, s13, $0xb8;
	[tilespmem:$0x9680] =	vst v63  }
0x20a: {  	s18 =	simm.s32 $0x9480;
	s17 =	simm.s32 $0x9080  }
0x20b: {  	[tilespmem:s18], [sflag:$0x1] =	stream.indirect.gather [hbm4b:s4+s13], $0x1, s17, s13, $0xb8;
	[tilespmem:$0x9680] =	vst v63  }
0x20c: {  	s19 =	simm.s32 $0x9100;
	s20 =	simm.s32 $0x9500  }
0x20d: {  	[tilespmem:s20], [sflag:$0x1] =	stream.indirect.gather [hbm4b:s4+s13], $0x1, s19, s13, $0xb8;
	[tilespmem:$0x9680] =	vst v63  }
0x20e: {  	s21 =	simm.s32 $0x9180;
	s22 =	simm.s32 $0x9580  }
0x20f: {  	[tilespmem:s22], [sflag:$0x1] =	stream.indirect.gather [hbm4b:s4+s13], $0x1, s21, s13, $0xb8;
	[tilespmem:$0x9680] =	vst v63  }
0x210: {  	s23 =	simm.s32 $0x9200;
	s24 =	simm.s32 $0x9600  }
0x211: {  	[tilespmem:s24], [sflag:$0x1] =	stream.indirect.gather [hbm4b:s4+s13], $0x1, s23, s13, $0xb8;
	[tilespmem:$0x9680] =	vst v63  }
0x212: {  	_ =	swait.ge [sflag:s15], $0x80  }
0x213: {  	[sflag:s15] =	ssyncset.done $0x0  }
0x214: {  	[sflag:s15] =	ssyncadd.s32 $0xFFFFFF80  }
0x215: {  	_ =	swait.ge [sflag:s15], $0x80  }
0x216: {  	[sflag:s15] =	ssyncset.done $0x0  }
0x217: {  	[sflag:s15] =	ssyncadd.s32 $0xFFFFFF80  }
0x218: {  	_ =	swait.ge [sflag:s15], $0x80  }
0x219: {  	[sflag:s15] =	ssyncset.done $0x0  }
0x21a: {  	[sflag:s15] =	ssyncadd.s32 $0xFFFFFF80  }
0x21b: {  	_ =	swait.ge [sflag:s15], $0x80  }
0x21c: {  	[sflag:s15] =	ssyncset.done $0x0  }
0x21d: {  	[sflag:s15] =	ssyncadd.s32 $0xFFFFFF80  }
0x21e: {  	_ =	swait.ge [sflag:s15], $0x80  }
0x21f: {  	[sflag:s15] =	ssyncset.done $0x0  }
0x220: {  	[sflag:s15] =	ssyncadd.s32 $0xFFFFFF80  }
0x221: {  	_ =	swait.ge [sflag:s15], $0x80  }
0x222: {  	[sflag:s15] =	ssyncset.done $0x0  }
0x223: {  	[sflag:s15] =	ssyncadd.s32 $0xFFFFFF80  }
0x224: {  	_ =	swait.ge [sflag:s15], $0x80  }
0x225: {  	[sflag:s15] =	ssyncset.done $0x0  }
0x226: {  	[sflag:s15] =	ssyncadd.s32 $0xFFFFFF80  }
0x227: {  	_ =	swait.ge [sflag:s15], $0x80  }
0x228: {  	[sflag:s15] =	ssyncset.done $0x0  }
0x229: {  	s26 =	simm.s32 $0x8D80;
	s25 =	rddreg [dreg:$0x4];
	[sflag:s15] =	ssyncadd.s32 $0xFFFFFF80  }
0x22a: {  	[hbm4b:s25+s2] =	stream.linear.scatter [tilespmem:s26], [sflag:$0x2], $0x80, $0x38;
	[tilespmem:$0x9680] =	vst v63  }
0x22b: {  	_ =	swait.ge [sflag:s14], $0x80  }
0x22c: {  	[sflag:s14] =	ssyncset.done $0x0  }
0x22d: {  	s29 =	simm.s32 $0x8E00;
	s28 =	rddreg [dreg:$0x5];
	[sflag:s14] =	ssyncadd.s32 $0xFFFFFF80  }
0x22e: {  	[hbm4b:s28+s2] =	stream.linear.scatter [tilespmem:s29], [sflag:$0x2], $0x80, $0x38;
	[tilespmem:$0x9680] =	vst v63  }
0x22f: {  	_ =	swait.ge [sflag:s14], $0x80  }
0x230: {  	[sflag:s14] =	ssyncset.done $0x0  }
0x231: {  	s30 =	rddreg [dreg:$0x6];
	[sflag:s14] =	ssyncadd.s32 $0xFFFFFF80  }
0x232: {  	[hbm4b:s30+s2] =	stream.linear.scatter [tilespmem:s31], [sflag:$0x2], $0x400, $0x38;
	[tilespmem:$0x9680] =	vst v63  }
0x233: {  	_ =	swait.ge [sflag:s14], $0x400  }
0x234: {  	s7 =	sadd.s32 $0x1, s7;
	s31 =	rddreg [dreg:$0x8]  }
0x235: {  	p0 =	sne.s32 s7, s31  }
.Ltmp7:
0x236: {  	_ = 	snop;
	(pc) =	sbr.rel @p0 .LBB2_2-.Ltmp7, $3  }
0x237: {  	_ =	sdelay $0x1  }
0x238: {  	[sflag:s14] =	ssyncset.done $0x0  }
0x239: {  	[sflag:s14] =	ssyncadd.s32 $0xFFFFFC00  }
.LBB2_15:
0x23a: {  	_ =	sfence.sel $0x180000  }
0x23b: {  	[bflag:$0x0] =	sbarrier.arrive $0xFFFF  }
0x23c: {  	_ =	strace $0x90000047  }
0x23d: {  	s0 =	stileid.u32;
	[bflag:$0x2] =	sbarrier.arrive $0xFFFF  }
0x23e: {  	p0 =	sne.s32 s0, $0x0;
	s0 =	rddreg [dreg:$0x2]  }
0x23f: {  	s0 =	sadd.s32 @!p0 $0x100000, s0  }
0x240: {  	[sflag:s0] =	ssyncadd.tile.s32 @!p0 $0x1;
	_ =	shalt  }
.Lfunc_end2:
_tile_overlayer_lowered:
.L_overlay_start_2:
0x241: {  	(tag) =	ssettag $0x2  }
0x242: {  	s0 =	rddreg [dreg:$0x0];
	s2 =	stileid.u32  }
0x243: {  	s1 =	rddreg [dreg:$0x1];
	p0 =	sne.s32 s2, $0x0  }
0x244: {  	s3 =	rddreg [dreg:$0x2];
	[bflag:$0x3] =	sbarrier.arrive $0xFFFF;
	s2 =	simm.s32 @!p0 $0x1C02  }
0x245: {  	[timem:s3], [sflag:s2] =	dma.local @!p0 [hbm:s0], s1  }
0x246: {  	s0 =	simm.s32 @!p0 $0x2  }
0x247: {  	_ =	swait.ge @!p0 [sflag:s0], s1  }
0x248: {  	s1 =	ssub.s32 @!p0 $0x0, s1;
	[sflag:s0] =	ssyncset.done @!p0 $0x0  }
0x249: {  	[sflag:s0] =	ssyncadd.s32 @!p0 s1  }
0x24a: {  	[bflag:$0x3] =	sbarrier.arrive $0xFFFF  }
0x24b: {  	_ =	shalt  }

</sc_bundles>
